<compile_context>
chip_gen: v7x
topology: tpu7x:2x2x1
jax: 0.10.2.dev20260603
libtpu: 0.0.44.dev20260713+nightly
codegen_flags: <defaults>
</compile_context>

<pallas_src>
import functools

import jax
import jax.numpy as jnp
from jax.experimental import pallas as pl
from jax.experimental.pallas import tpu as pltpu
from jax.experimental.pallas import tpu_sc as plsc

_EPS = 1e-5
_TH = 7.0
M_BLK = 200
E_BLK = 640
N_ACT = 512


def _gn(x, g, b):
    mu = jnp.mean(x, axis=1, keepdims=True)
    xc = x - mu
    var = jnp.mean(xc * xc, axis=1, keepdims=True)
    return xc / jnp.sqrt(var + _EPS) * g + b


def _dotT(x, w):
    return jax.lax.dot_general(x, w, (((1,), (1,)), ((), ())),
                               preferred_element_type=jnp.float32)


def _split(v):
    hi = v.astype(jnp.bfloat16).astype(jnp.float32)
    return hi, v - hi


def _mm(x, w):
    xh, xl = _split(x)
    wh, wl = _split(w)
    b = jnp.bfloat16
    return (_dotT(xh.astype(b), wh.astype(b))
            + (_dotT(xl.astype(b), wh.astype(b))
               + _dotT(xh.astype(b), wl.astype(b))))


def _oh_mm(oh, v):
    vh, vl = _split(v)
    b = jnp.bfloat16
    return (jnp.dot(oh, vh.astype(b), preferred_element_type=jnp.float32)
            + jnp.dot(oh, vl.astype(b), preferred_element_type=jnp.float32))


def _oh_tmm(oh, v):
    b = jnp.bfloat16
    dn = (((0,), (0,)), ((), ()))
    vh, vl = _split(v)
    return (jax.lax.dot_general(oh, vh.astype(b), dn,
                                preferred_element_type=jnp.float32)
            + jax.lax.dot_general(oh, vl.astype(b), dn,
                                  preferred_element_type=jnp.float32))




_FILL = M_BLK * N_ACT
_NB = 100
_NW = 32
_REPS = (_NB + _NW - 1) // _NW
_CAP = E_BLK + 128


def _disc_body(mx_hbm, my_hbm, ax_hbm, ay_hbm, jid_hbm,
               out_hbm, dxo_hbm, dyo_hbm,
               codes_v, dx_v, dy_v, mx_v, my_v, ax_v, ay_v, jid_v):
    wid = jax.lax.axis_index("s") * 2 + jax.lax.axis_index("c")
    pltpu.sync_copy(ax_hbm, ax_v)
    pltpu.sync_copy(ay_hbm, ay_v)
    pltpu.sync_copy(jid_hbm, jid_v)
    def rep_body(rep, _):
        b = wid + rep * _NW
        bc = jnp.minimum(b, _NB - 1)
        pltpu.sync_copy(mx_hbm.at[pl.ds(bc * M_BLK, M_BLK + 8)],
                        mx_v.at[pl.ds(0, M_BLK + 8)])
        pltpu.sync_copy(my_hbm.at[pl.ds(bc * M_BLK, M_BLK + 8)],
                        my_v.at[pl.ds(0, M_BLK + 8)])

        def init(i, _):
            codes_v[pl.ds(i * 16, 16)] = jnp.full((16,), _FILL, jnp.int32)
            dx_v[pl.ds(i * 16, 16)] = jnp.zeros((16,), jnp.float32)
            dy_v[pl.ds(i * 16, 16)] = jnp.zeros((16,), jnp.float32)
            return 0

        jax.lax.fori_loop(0, _CAP // 16, init, 0)

        def vstep(v, cnt):
            mxv = mx_v[pl.ds(v * 16, 16)]
            myv = my_v[pl.ds(v * 16, 16)]
            lov = jnp.zeros((16,), jnp.int32)
            upv = jnp.zeros((16,), jnp.int32)
            hi1 = jnp.full((16,), N_ACT, jnp.int32)
            hi2 = jnp.full((16,), N_ACT, jnp.int32)
            xlo = mxv - _TH
            xhi = mxv + _TH
            for _u in range(9):
                mid1 = (lov + hi1) // 2
                val1 = plsc.load_gather(ax_v, [mid1])
                c1 = val1 < xlo
                lov = jnp.where(c1, mid1 + 1, lov)
                hi1 = jnp.where(c1, hi1, mid1)
                mid2 = (upv + hi2) // 2
                val2 = plsc.load_gather(ax_v, [mid2])
                c2 = val2 <= xhi
                upv = jnp.where(c2, mid2 + 1, upv)
                hi2 = jnp.where(c2, hi2, mid2)
            tmax = plsc.cummax(upv - lov)[15]
            rowbase = (v * jnp.int32(16 * N_ACT)
                       + jax.lax.iota(jnp.int32, 16) * N_ACT)

            def tstep(t, cnt):
                idx = lov + t
                valid = idx < upv
                idxc = jnp.minimum(idx, N_ACT - 1)
                axg = plsc.load_gather(ax_v, [idxc])
                ayg = plsc.load_gather(ay_v, [idxc])
                dx = axg - mxv
                dy = ayg - myv
                d2 = dx * dx + dy * dy
                pred = jnp.logical_and(d2 <= _TH * _TH, valid)
                inc = plsc.all_reduce_population_count(pred)[0]

                @pl.when(inc > 0)
                def _():
                    jg = plsc.load_gather(jid_v, [idxc])
                    code = rowbase + jg
                    plsc.store_compressed(
                        codes_v.at[pl.ds(cnt, 16)], code, mask=pred)
                    plsc.store_compressed(
                        dx_v.at[pl.ds(cnt, 16)], -dx, mask=pred)
                    plsc.store_compressed(
                        dy_v.at[pl.ds(cnt, 16)], -dy, mask=pred)
                return cnt + inc

            return jax.lax.fori_loop(0, tmax, tstep, cnt)

        jax.lax.fori_loop(0, (M_BLK + 15) // 16, vstep, jnp.int32(0))
        pltpu.sync_copy(codes_v.at[pl.ds(0, E_BLK)], out_hbm.at[b])
        pltpu.sync_copy(dx_v.at[pl.ds(0, E_BLK)], dxo_hbm.at[b])
        pltpu.sync_copy(dy_v.at[pl.ds(0, E_BLK)], dyo_hbm.at[b])
        return 0

    jax.lax.fori_loop(0, _REPS, rep_body, 0)


def _discover(map_ctrs, actor_ctrs):
    mxp = jnp.pad(map_ctrs[:, 0], (0, 64), constant_values=1e9)
    myp = jnp.pad(map_ctrs[:, 1], (0, 64), constant_values=1e9)
    order = jnp.argsort(actor_ctrs[:, 0])
    ax = actor_ctrs[order, 0]
    ay = actor_ctrs[order, 1]
    jid = order.astype(jnp.int32)
    mesh = plsc.VectorSubcoreMesh(core_axis_name="c", subcore_axis_name="s")
    codes = pl.kernel(
        _disc_body,
        mesh=mesh,
        compiler_params=pltpu.CompilerParams(needs_layout_passes=False),
        out_type=[jax.ShapeDtypeStruct((_NW * _REPS, E_BLK), jnp.int32),
                  jax.ShapeDtypeStruct((_NW * _REPS, E_BLK), jnp.float32),
                  jax.ShapeDtypeStruct((_NW * _REPS, E_BLK), jnp.float32)],
        scratch_types=[
            pltpu.VMEM((_CAP,), jnp.int32),
            pltpu.VMEM((_CAP,), jnp.float32),
            pltpu.VMEM((_CAP,), jnp.float32),
            pltpu.VMEM((M_BLK + 16,), jnp.float32),
            pltpu.VMEM((M_BLK + 16,), jnp.float32),
            pltpu.VMEM((N_ACT,), jnp.float32),
            pltpu.VMEM((N_ACT,), jnp.float32),
            pltpu.VMEM((N_ACT,), jnp.int32),
        ],
    )(mxp, myp, ax, ay, jid)
    codes, dxs, dys = codes
    return (codes[:_NB].reshape(_NB, 1, E_BLK),
            dxs[:_NB].reshape(_NB, 1, E_BLK),
            dys[:_NB].reshape(_NB, 1, E_BLK))


def _layer_body(fuse_meta,
                agts_ref, codes_ref, dx_ref, dy_ref, cw_ref,
                mw_ref, mg_ref, mb_ref,
                qw_ref, qg_ref, qb_ref, wq_ref,
                w1x_ref, w1y_ref, b1_ref, w2_ref, g2_ref, be2_ref,
                wd_ref, cg1_ref, cb1_ref, cw2_ref,
                agtw_ref, linw_ref, ling_ref, linb_ref,
                out_ref):
    x = agts_ref[...]
    if fuse_meta:
        x = jax.nn.relu(_gn(_mm(x, mw_ref[...]), mg_ref[...], mb_ref[...]))
    res = x
    q = jax.nn.relu(_gn(_mm(x, qw_ref[...]), qg_ref[...], qb_ref[...]))
    qW = _mm(q, wq_ref[...])
    agts0 = _mm(x, agtw_ref[...])

    codes = codes_ref[0, 0, :]
    li = codes // N_ACT
    aj = codes % N_ACT
    e_iota_m = jax.lax.broadcasted_iota(jnp.int32, (E_BLK, M_BLK), 1)
    oh_li = (e_iota_m == li[:, None]).astype(jnp.bfloat16)
    e_iota_a = jax.lax.broadcasted_iota(jnp.int32, (E_BLK, N_ACT), 1)
    oh_aj = (e_iota_a == aj[:, None]).astype(jnp.bfloat16)

    s_q = _oh_mm(oh_li, qW)
    cw_e = _oh_mm(oh_aj, cw_ref[...])

    dx = dx_ref[0, 0, :][:, None]
    dy = dy_ref[0, 0, :][:, None]
    h = jax.nn.relu(dx * w1x_ref[...] + dy * w1y_ref[...] + b1_ref[...])
    d = jax.nn.relu(_gn(_mm(h, w2_ref[...]), g2_ref[...], be2_ref[...]))
    pre = _mm(d, wd_ref[...]) + s_q + cw_e
    cc = jax.nn.relu(_gn(pre, cg1_ref[...], cb1_ref[...]))
    ce = _mm(cc, cw2_ref[...])

    acc = agts0 + _oh_tmm(oh_li, ce)

    x2 = jax.nn.relu(acc)
    y = _gn(_mm(x2, linw_ref[...]), ling_ref[...], linb_ref[...])
    out_ref[...] = jax.nn.relu(y + res)


def _cw_body(actors_ref, wc0_ref, wc1_ref, cw0_ref, cw1_ref):
    a = actors_ref[...]
    cw0_ref[...] = _mm(a, wc0_ref[...])
    cw1_ref[...] = _mm(a, wc1_ref[...])


def _row(shape):
    return pl.BlockSpec(shape, lambda i: (0,) * len(shape))


def _layer_call(fuse_meta, agts, codes, dxs, dys, cw, pars):
    n_map = agts.shape[0]
    nb = n_map // M_BLK
    in_specs = [
        pl.BlockSpec((M_BLK, 128), lambda i: (i, 0)),
        pl.BlockSpec((1, 1, E_BLK), lambda i: (i, 0, 0)),
        pl.BlockSpec((1, 1, E_BLK), lambda i: (i, 0, 0)),
        pl.BlockSpec((1, 1, E_BLK), lambda i: (i, 0, 0)),
        _row((N_ACT, 128)),
    ] + [_row(p.shape) for p in pars]
    return pl.pallas_call(
        functools.partial(_layer_body, fuse_meta),
        grid=(nb,),
        in_specs=in_specs,
        out_specs=pl.BlockSpec((M_BLK, 128), lambda i: (i, 0)),
        out_shape=jax.ShapeDtypeStruct((n_map, 128), jnp.float32),
    )(agts, codes, dxs, dys, cw, *pars)


def _att_pars(p):
    r = lambda v: v.reshape(1, -1)
    ctx_w1 = p['ctx_w1']
    return (
        p['query_w'], r(p['query_g']), r(p['query_b']), ctx_w1[:, 128:256],
        r(p['dist_w1'][:, 0]), r(p['dist_w1'][:, 1]), r(p['dist_b1']),
        p['dist_w2'], r(p['dist_g2']), r(p['dist_be2']),
        ctx_w1[:, 0:128], r(p['ctx_g1']), r(p['ctx_b1']), p['ctx_w2'],
        p['agt_w'], p['lin_w'], r(p['lin_g']), r(p['lin_b']),
    )


def kernel(feat, map_ctrs, actors, actor_ctrs, params, map_idcs, actor_idcs):
    n_map = feat.shape[0]
    nb = n_map // M_BLK

    codes, dxs, dys = _discover(map_ctrs, actor_ctrs)

    cw0, cw1 = pl.pallas_call(
        _cw_body,
        out_shape=[jax.ShapeDtypeStruct((N_ACT, 128), jnp.float32)] * 2,
    )(actors, params['att0']['ctx_w1'][:, 256:],
      params['att1']['ctx_w1'][:, 256:])

    meta = (params['meta_w'], params['meta_g'].reshape(1, -1),
            params['meta_b'].reshape(1, -1))
    p0 = meta + _att_pars(params['att0'])
    p1 = meta + _att_pars(params['att1'])

    x = _layer_call(True, feat, codes, dxs, dys, cw0, p0)
    x = _layer_call(False, x, codes, dxs, dys, cw1, p1)
    return x

# --- scband reference (transcript-rebuilt; emitter-appended) ---
"""Pipeline reference for scband-a2-m-60189671686743 (READ-ONLY COPY).

The authoritative reference and input builder live on the scoring server;
editing this copy changes nothing except your own understanding.
"""

import jax, jax.numpy as jnp
import numpy as np

N_MAP = 20000
N_ACTOR = 512
N_MAP_FEAT = 128
N_ACTOR_FEAT = 128
DIST_TH = 7.0
EPS = 1e-5


def group_norm(x, gamma, beta):
    mu = x.mean(axis=1, keepdims=True)
    var = x.var(axis=1, keepdims=True)
    return (x - mu) / jnp.sqrt(var + EPS) * gamma + beta


def linear_block(x, w, gamma, beta, act=True):
    x = x @ w.T
    x = group_norm(x, gamma, beta)
    if act:
        x = jax.nn.relu(x)
    return x


def make_att_params(key, n_agt, n_ctx):
    ks = jax.random.split(key, 8)

    def gl(k, o, i):
        return jax.random.normal(k, (o, i), jnp.float32) * (1.0 / np.sqrt(i))

    return {
        'dist_w1': gl(ks[0], n_ctx, 2),
        'dist_b1': jnp.zeros((n_ctx,), jnp.float32),
        'dist_w2': gl(ks[1], n_ctx, n_ctx),
        'dist_g2': jnp.ones((n_ctx,), jnp.float32),
        'dist_be2': jnp.zeros((n_ctx,), jnp.float32),
        'query_w': gl(ks[2], n_ctx, n_agt),
        'query_g': jnp.ones((n_ctx,), jnp.float32),
        'query_b': jnp.zeros((n_ctx,), jnp.float32),
        'ctx_w1': gl(ks[3], n_agt, 3 * n_ctx),
        'ctx_g1': jnp.ones((n_agt,), jnp.float32),
        'ctx_b1': jnp.zeros((n_agt,), jnp.float32),
        'ctx_w2': gl(ks[4], n_agt, n_agt),
        'agt_w': gl(ks[5], n_agt, n_agt),
        'lin_w': gl(ks[6], n_agt, n_agt),
        'lin_g': jnp.ones((n_agt,), jnp.float32),
        'lin_b': jnp.zeros((n_agt,), jnp.float32),
    }


def setup_inputs(seed: int = 0):
    key = jax.random.key(seed)
    ks = jax.random.split(key, 8)
    feat = jax.random.normal(ks[0], (N_MAP, N_MAP_FEAT), jnp.float32)
    map_ctrs = jax.random.uniform(ks[1], (N_MAP, 2), jnp.float32) * 200.0
    actors = jax.random.normal(ks[2], (N_ACTOR, N_ACTOR_FEAT), jnp.float32)
    actor_ctrs = jax.random.uniform(ks[3], (N_ACTOR, 2), jnp.float32) * 200.0
    params = {
        'meta_w': jax.random.normal(ks[4], (N_MAP_FEAT, N_MAP_FEAT), jnp.float32) * (1.0 / np.sqrt(N_MAP_FEAT)),
        'meta_g': jnp.ones((N_MAP_FEAT,), jnp.float32),
        'meta_b': jnp.zeros((N_MAP_FEAT,), jnp.float32),
        'att0': make_att_params(ks[5], N_MAP_FEAT, N_ACTOR_FEAT),
        'att1': make_att_params(ks[6], N_MAP_FEAT, N_ACTOR_FEAT),
    }
    map_idcs = jnp.arange(N_MAP, dtype=jnp.int64)
    actor_idcs = jnp.arange(N_ACTOR, dtype=jnp.int64)
    return {'feat': feat, 'map_ctrs': map_ctrs, 'actors': actors,
            'actor_ctrs': actor_ctrs, 'params': params,
            'map_idcs': map_idcs, 'actor_idcs': actor_idcs}


def compute_edges(map_ctrs, actor_ctrs):
    # batch_size == 1 (single flattened scene); full cross-product distance test
    diff = map_ctrs[:, None, :] - actor_ctrs[None, :, :]
    dist = jnp.sqrt((diff ** 2).sum(-1))
    return dist <= DIST_TH


def att_forward(p, agts, agt_ctrs, ctx, ctx_ctrs, mask):
    res = agts
    # query from lane-node feats (depends only on the map node, hoisted out of the loop)
    q = linear_block(agts, p['query_w'], p['query_g'], p['query_b'])
    # agt transform; edge messages accumulated below in ascending actor order,
    # matching the (i, j)-sorted edge list of the original scatter-add
    agts0 = agts @ p['agt_w'].T
    n_map = agts.shape[0]
    n_ctx_feat = ctx.shape[1]

    def body(j, acc):
        # dist embedding MLP on relative positions of (lane, actor j) pairs
        dist = agt_ctrs - ctx_ctrs[j]
        d = dist @ p['dist_w1'].T + p['dist_b1']
        d = jax.nn.relu(d)
        d = linear_block(d, p['dist_w2'], p['dist_g2'], p['dist_be2'])
        # context: concat(dist, query, actor j feats)
        cj = jnp.broadcast_to(ctx[j][None, :], (n_map, n_ctx_feat))
        c = jnp.concatenate([d, q, cj], axis=1)
        c = linear_block(c, p['ctx_w1'], p['ctx_g1'], p['ctx_b1'])
        c = c @ p['ctx_w2'].T
        return jnp.where(mask[:, j, None], acc + c, acc)

    agts = jax.lax.fori_loop(0, ctx_ctrs.shape[0], body, agts0)
    agts = jax.nn.relu(agts)
    agts = linear_block(agts, p['lin_w'], p['lin_g'], p['lin_b'], act=False)
    agts = agts + res
    return jax.nn.relu(agts)


def reference(feat, map_ctrs, actors, actor_ctrs, params, map_idcs, actor_idcs):
    mask = compute_edges(map_ctrs, actor_ctrs)
    x = linear_block(feat, params['meta_w'], params['meta_g'], params['meta_b'])
    x = att_forward(params['att0'], x, map_ctrs, actors, actor_ctrs, mask)
    x = att_forward(params['att1'], x, map_ctrs, actors, actor_ctrs, mask)
    return x

if __name__ == "__main__":
    import jax
    _d = setup_inputs()
    print(jax.jit(kernel)(*tuple(_d.values())))

</pallas_src>

<mosaic_0001>
#map = affine_map<(d0, d1) -> (0)>
#map1 = affine_map<(d0, d1) -> (0, 0)>
module attributes {stable_mosaic.version = 14 : i64} {
  func.func @_disc_body(%arg0: i32, %arg1: i32, %arg2: memref<20064xf32, #tpu.memory_space<hbm>>, %arg3: memref<20064xf32, #tpu.memory_space<hbm>>, %arg4: memref<512xf32, #tpu.memory_space<hbm>>, %arg5: memref<512xf32, #tpu.memory_space<hbm>>, %arg6: memref<512xi32, #tpu.memory_space<hbm>>, %arg7: memref<128x640xi32, #tpu.memory_space<hbm>>, %arg8: memref<128x640xf32, #tpu.memory_space<hbm>>, %arg9: memref<128x640xf32, #tpu.memory_space<hbm>>, %arg10: memref<768xi32, #tpu.memory_space<vmem>>, %arg11: memref<768xf32, #tpu.memory_space<vmem>>, %arg12: memref<768xf32, #tpu.memory_space<vmem>>, %arg13: memref<216xf32, #tpu.memory_space<vmem>>, %arg14: memref<216xf32, #tpu.memory_space<vmem>>, %arg15: memref<512xf32, #tpu.memory_space<vmem>>, %arg16: memref<512xf32, #tpu.memory_space<vmem>>, %arg17: memref<512xi32, #tpu.memory_space<vmem>>) attributes {dimension_semantics = [#tpu.dimension_semantics<core_parallel>, #tpu.dimension_semantics<subcore_parallel>], iteration_bounds = array<i64: 2, 16>, scalar_prefetch = 0 : i64, scratch_operands = 8 : i64, tpu.core_type = #tpu.core_type<sc_vector_subcore>, window_params = [{transform_indices = #map}, {transform_indices = #map}, {transform_indices = #map}, {transform_indices = #map}, {transform_indices = #map}, {transform_indices = #map1}, {transform_indices = #map1}, {transform_indices = #map1}]} {
    %mul3A = arith.constant 2 : i32
    %mul3A_0 = arith.muli %arg1, %mul3A : i32
    %add3A = arith.addi %mul3A_0, %arg0 : i32
    "tpu.region"() ({
      %run_scoped3A = tpu.sem_alloc : memref<!tpu.dma_semaphore, #tpu.memory_space<semaphore_mem>>
      tpu.enqueue_dma source(%arg4 : memref<512xf32, #tpu.memory_space<hbm>>) target(%arg15 : memref<512xf32, #tpu.memory_space<vmem>>) target_semaphore(%run_scoped3A : memref<!tpu.dma_semaphore, #tpu.memory_space<semaphore_mem>>)
      tpu.wait_dma2 semaphore(%run_scoped3A : memref<!tpu.dma_semaphore, #tpu.memory_space<semaphore_mem>>) src(%arg4 : memref<512xf32, #tpu.memory_space<hbm>>) dst(%arg15 : memref<512xf32, #tpu.memory_space<vmem>>)
      tpu.yield
    }) : () -> ()
    "tpu.region"() ({
      %run_scoped3A = tpu.sem_alloc : memref<!tpu.dma_semaphore, #tpu.memory_space<semaphore_mem>>
      tpu.enqueue_dma source(%arg5 : memref<512xf32, #tpu.memory_space<hbm>>) target(%arg16 : memref<512xf32, #tpu.memory_space<vmem>>) target_semaphore(%run_scoped3A : memref<!tpu.dma_semaphore, #tpu.memory_space<semaphore_mem>>)
      tpu.wait_dma2 semaphore(%run_scoped3A : memref<!tpu.dma_semaphore, #tpu.memory_space<semaphore_mem>>) src(%arg5 : memref<512xf32, #tpu.memory_space<hbm>>) dst(%arg16 : memref<512xf32, #tpu.memory_space<vmem>>)
      tpu.yield
    }) : () -> ()
    "tpu.region"() ({
      %run_scoped3A = tpu.sem_alloc : memref<!tpu.dma_semaphore, #tpu.memory_space<semaphore_mem>>
      tpu.enqueue_dma source(%arg6 : memref<512xi32, #tpu.memory_space<hbm>>) target(%arg17 : memref<512xi32, #tpu.memory_space<vmem>>) target_semaphore(%run_scoped3A : memref<!tpu.dma_semaphore, #tpu.memory_space<semaphore_mem>>)
      tpu.wait_dma2 semaphore(%run_scoped3A : memref<!tpu.dma_semaphore, #tpu.memory_space<semaphore_mem>>) src(%arg6 : memref<512xi32, #tpu.memory_space<hbm>>) dst(%arg17 : memref<512xi32, #tpu.memory_space<vmem>>)
      tpu.yield
    }) : () -> ()
    %scan3A = arith.constant 0 : i32
    %scan3A_1 = arith.constant 0 : i32
    %scan3A_2 = arith.constant 4 : i32
    %scan3A_3 = arith.addi %scan3A_1, %scan3A_2 : i32
    %scan3A_4 = arith.constant 1 : i32
    %scan3A_5 = scf.for %scan3A_7 = %scan3A_1 to %scan3A_3 step %scan3A_4 iter_args(%scan3A_8 = %scan3A) -> (i32)  : i32 {
      %mul3A_9 = arith.constant 32 : i32
      %mul3A_10 = arith.muli %scan3A_7, %mul3A_9 : i32
      %add3A_11 = arith.addi %add3A, %mul3A_10 : i32
      %min3A = arith.constant 99 : i32
      %min3A_12 = arith.minsi %add3A_11, %min3A : i32
      %mul3A_13 = arith.constant 200 : i32
      %mul3A_14 = arith.muli %min3A_12, %mul3A_13 : i32
      "tpu.region"() ({
        %run_scoped3A = tpu.sem_alloc : memref<!tpu.dma_semaphore, #tpu.memory_space<semaphore_mem>>
        %dma_start3A = arith.constant 0 : i32
        %dma_start3A_32 = tpu.memref_slice %arg13[%dma_start3A] : memref<216xf32, #tpu.memory_space<vmem>> -> memref<208xf32, #tpu.memory_space<vmem>>
        %dma_start3A_33 = tpu.memref_slice %arg2[%mul3A_14] : memref<20064xf32, #tpu.memory_space<hbm>> -> memref<208xf32, #tpu.memory_space<hbm>>
        %dma_start3A_34 = arith.constant 0 : i32
        %dma_start3A_35 = tpu.memref_slice %arg13[%dma_start3A_34] : memref<216xf32, #tpu.memory_space<vmem>> -> memref<208xf32, #tpu.memory_space<vmem>>
        %dma_start3A_36 = tpu.memref_slice %arg2[%mul3A_14] : memref<20064xf32, #tpu.memory_space<hbm>> -> memref<208xf32, #tpu.memory_space<hbm>>
        tpu.enqueue_dma source(%dma_start3A_36 : memref<208xf32, #tpu.memory_space<hbm>>) target(%dma_start3A_35 : memref<208xf32, #tpu.memory_space<vmem>>) target_semaphore(%run_scoped3A : memref<!tpu.dma_semaphore, #tpu.memory_space<semaphore_mem>>)
        %dma_wait3A = arith.constant 0 : i32
        %dma_wait3A_37 = tpu.memref_slice %arg13[%dma_wait3A] : memref<216xf32, #tpu.memory_space<vmem>> -> memref<208xf32, #tpu.memory_space<vmem>>
        %dma_wait3A_38 = tpu.memref_slice %arg2[%mul3A_14] : memref<20064xf32, #tpu.memory_space<hbm>> -> memref<208xf32, #tpu.memory_space<hbm>>
        %dma_wait3A_39 = arith.constant 0 : i32
        %dma_wait3A_40 = tpu.memref_slice %arg13[%dma_wait3A_39] : memref<216xf32, #tpu.memory_space<vmem>> -> memref<208xf32, #tpu.memory_space<vmem>>
        %dma_wait3A_41 = tpu.memref_slice %arg2[%mul3A_14] : memref<20064xf32, #tpu.memory_space<hbm>> -> memref<208xf32, #tpu.memory_space<hbm>>
        tpu.wait_dma2 semaphore(%run_scoped3A : memref<!tpu.dma_semaphore, #tpu.memory_space<semaphore_mem>>) src(%dma_wait3A_41 : memref<208xf32, #tpu.memory_space<hbm>>) dst(%dma_wait3A_40 : memref<208xf32, #tpu.memory_space<vmem>>)
        tpu.yield
      }) : () -> ()
      %mul3A_15 = arith.constant 200 : i32
      %mul3A_16 = arith.muli %min3A_12, %mul3A_15 : i32
      "tpu.region"() ({
        %run_scoped3A = tpu.sem_alloc : memref<!tpu.dma_semaphore, #tpu.memory_space<semaphore_mem>>
        %dma_start3A = arith.constant 0 : i32
        %dma_start3A_32 = tpu.memref_slice %arg14[%dma_start3A] : memref<216xf32, #tpu.memory_space<vmem>> -> memref<208xf32, #tpu.memory_space<vmem>>
        %dma_start3A_33 = tpu.memref_slice %arg3[%mul3A_16] : memref<20064xf32, #tpu.memory_space<hbm>> -> memref<208xf32, #tpu.memory_space<hbm>>
        %dma_start3A_34 = arith.constant 0 : i32
        %dma_start3A_35 = tpu.memref_slice %arg14[%dma_start3A_34] : memref<216xf32, #tpu.memory_space<vmem>> -> memref<208xf32, #tpu.memory_space<vmem>>
        %dma_start3A_36 = tpu.memref_slice %arg3[%mul3A_16] : memref<20064xf32, #tpu.memory_space<hbm>> -> memref<208xf32, #tpu.memory_space<hbm>>
        tpu.enqueue_dma source(%dma_start3A_36 : memref<208xf32, #tpu.memory_space<hbm>>) target(%dma_start3A_35 : memref<208xf32, #tpu.memory_space<vmem>>) target_semaphore(%run_scoped3A : memref<!tpu.dma_semaphore, #tpu.memory_space<semaphore_mem>>)
        %dma_wait3A = arith.constant 0 : i32
        %dma_wait3A_37 = tpu.memref_slice %arg14[%dma_wait3A] : memref<216xf32, #tpu.memory_space<vmem>> -> memref<208xf32, #tpu.memory_space<vmem>>
        %dma_wait3A_38 = tpu.memref_slice %arg3[%mul3A_16] : memref<20064xf32, #tpu.memory_space<hbm>> -> memref<208xf32, #tpu.memory_space<hbm>>
        %dma_wait3A_39 = arith.constant 0 : i32
        %dma_wait3A_40 = tpu.memref_slice %arg14[%dma_wait3A_39] : memref<216xf32, #tpu.memory_space<vmem>> -> memref<208xf32, #tpu.memory_space<vmem>>
        %dma_wait3A_41 = tpu.memref_slice %arg3[%mul3A_16] : memref<20064xf32, #tpu.memory_space<hbm>> -> memref<208xf32, #tpu.memory_space<hbm>>
        tpu.wait_dma2 semaphore(%run_scoped3A : memref<!tpu.dma_semaphore, #tpu.memory_space<semaphore_mem>>) src(%dma_wait3A_41 : memref<208xf32, #tpu.memory_space<hbm>>) dst(%dma_wait3A_40 : memref<208xf32, #tpu.memory_space<vmem>>)
        tpu.yield
      }) : () -> ()
      %scan3A_17 = arith.constant 0 : i32
      %scan3A_18 = arith.constant 0 : i32
      %scan3A_19 = arith.constant 48 : i32
      %scan3A_20 = arith.addi %scan3A_18, %scan3A_19 : i32
      %scan3A_21 = arith.constant 1 : i32
      %scan3A_22 = scf.for %scan3A_32 = %scan3A_18 to %scan3A_20 step %scan3A_21 iter_args(%scan3A_33 = %scan3A_17) -> (i32)  : i32 {
        %broadcast_in_dim3A = arith.constant 102400 : i32
        %broadcast_in_dim3A_34 = vector.broadcast %broadcast_in_dim3A : i32 to vector<16xi32>
        %mul3A_35 = arith.constant 16 : i32
        %mul3A_36 = arith.muli %scan3A_32, %mul3A_35 : i32
        %swap3A = arith.index_cast %mul3A_36 : i32 to index
        %swap3A_37 = tpu.vector_load %arg10[%swap3A] {strides = array<i32>} : memref<768xi32, #tpu.memory_space<vmem>>, vector<16xi32>,
        tpu.vector_store %arg10[%swap3A], %broadcast_in_dim3A_34 {strides = array<i32>} : memref<768xi32, #tpu.memory_space<vmem>>, vector<16xi32>,
        %broadcast_in_dim3A_38 = arith.constant 0.000000e+00 : f32
        %broadcast_in_dim3A_39 = vector.broadcast %broadcast_in_dim3A_38 : f32 to vector<16xf32>
        %mul3A_40 = arith.constant 16 : i32
        %mul3A_41 = arith.muli %scan3A_32, %mul3A_40 : i32
        %swap3A_42 = arith.index_cast %mul3A_41 : i32 to index
        %swap3A_43 = tpu.vector_load %arg11[%swap3A_42] {strides = array<i32>} : memref<768xf32, #tpu.memory_space<vmem>>, vector<16xf32>,
        tpu.vector_store %arg11[%swap3A_42], %broadcast_in_dim3A_39 {strides = array<i32>} : memref<768xf32, #tpu.memory_space<vmem>>, vector<16xf32>,
        %broadcast_in_dim3A_44 = arith.constant 0.000000e+00 : f32
        %broadcast_in_dim3A_45 = vector.broadcast %broadcast_in_dim3A_44 : f32 to vector<16xf32>
        %mul3A_46 = arith.constant 16 : i32
        %mul3A_47 = arith.muli %scan3A_32, %mul3A_46 : i32
        %swap3A_48 = arith.index_cast %mul3A_47 : i32 to index
        %swap3A_49 = tpu.vector_load %arg12[%swap3A_48] {strides = array<i32>} : memref<768xf32, #tpu.memory_space<vmem>>, vector<16xf32>,
        tpu.vector_store %arg12[%swap3A_48], %broadcast_in_dim3A_45 {strides = array<i32>} : memref<768xf32, #tpu.memory_space<vmem>>, vector<16xf32>,
        %scan3A_50 = arith.constant 0 : i32
        scf.yield %scan3A_50 : i32
      }
      %scan3A_23 = arith.constant 48 : i32
      %scan3A_24 = arith.constant 0 : i32
      %scan3A_25 = arith.constant 0 : i32
      %scan3A_26 = arith.constant 13 : i32
      %scan3A_27 = arith.addi %scan3A_25, %scan3A_26 : i32
      %scan3A_28 = arith.constant 1 : i32
      %scan3A_29 = scf.for %scan3A_32 = %scan3A_25 to %scan3A_27 step %scan3A_28 iter_args(%scan3A_33 = %scan3A_24) -> (i32)  : i32 {
        %mul3A_34 = arith.constant 16 : i32
        %mul3A_35 = arith.muli %scan3A_32, %mul3A_34 : i32
        %get3A = arith.index_cast %mul3A_35 : i32 to index
        %get3A_36 = tpu.vector_load %arg13[%get3A] {strides = array<i32>} : memref<216xf32, #tpu.memory_space<vmem>>, vector<16xf32>,
        %mul3A_37 = arith.constant 16 : i32
        %mul3A_38 = arith.muli %scan3A_32, %mul3A_37 : i32
        %get3A_39 = arith.index_cast %mul3A_38 : i32 to index
        %get3A_40 = tpu.vector_load %arg14[%get3A_39] {strides = array<i32>} : memref<216xf32, #tpu.memory_space<vmem>>, vector<16xf32>,
        %broadcast_in_dim3A = arith.constant 0 : i32
        %broadcast_in_dim3A_41 = vector.broadcast %broadcast_in_dim3A : i32 to vector<16xi32>
        %broadcast_in_dim3A_42 = arith.constant 0 : i32
        %broadcast_in_dim3A_43 = vector.broadcast %broadcast_in_dim3A_42 : i32 to vector<16xi32>
        %broadcast_in_dim3A_44 = arith.constant 512 : i32
        %broadcast_in_dim3A_45 = vector.broadcast %broadcast_in_dim3A_44 : i32 to vector<16xi32>
        %broadcast_in_dim3A_46 = arith.constant 512 : i32
        %broadcast_in_dim3A_47 = vector.broadcast %broadcast_in_dim3A_46 : i32 to vector<16xi32>
        %sub3A = arith.constant 7.000000e+00 : f32
        %sub3A_48 = vector.broadcast %sub3A : f32 to vector<16xf32>
        %sub3A_49 = arith.subf %get3A_36, %sub3A_48 : vector<16xf32>
        %add3A_50 = arith.constant 7.000000e+00 : f32
        %add3A_51 = vector.broadcast %add3A_50 : f32 to vector<16xf32>
        %add3A_52 = arith.addf %get3A_36, %add3A_51 : vector<16xf32>
        %add3A_53 = arith.addi %broadcast_in_dim3A_41, %broadcast_in_dim3A_45 : vector<16xi32>
        %jit3A = arith.constant 2 : i32
        %div3A = vector.broadcast %jit3A : i32 to vector<16xi32>
        %div3A_54 = arith.divsi %add3A_53, %div3A : vector<16xi32>
        %sign3A = arith.constant 0 : i32
        %sign3A_55 = vector.broadcast %sign3A : i32 to vector<16xi32>
        %sign3A_56 = arith.cmpi sgt, %add3A_53, %sign3A_55 : vector<16xi32>
        %sign3A_57 = arith.extui %sign3A_56 : vector<16xi1> to vector<16xi32>
        %sign3A_58 = arith.constant 0 : i32
        %sign3A_59 = vector.broadcast %sign3A_58 : i32 to vector<16xi32>
        %sign3A_60 = arith.cmpi slt, %add3A_53, %sign3A_59 : vector<16xi32>
        %sign3A_61 = arith.extui %sign3A_60 : vector<16xi1> to vector<16xi32>
        %sign3A_62 = arith.subi %sign3A_57, %sign3A_61 : vector<16xi32>
        %sign3A_63 = arith.constant 0 : i32
        %sign3A_64 = arith.cmpi sgt, %jit3A, %sign3A_63 : i32
        %sign3A_65 = arith.extui %sign3A_64 : i1 to i32
        %sign3A_66 = arith.constant 0 : i32
        %sign3A_67 = arith.cmpi slt, %jit3A, %sign3A_66 : i32
        %sign3A_68 = arith.extui %sign3A_67 : i1 to i32
        %sign3A_69 = arith.subi %sign3A_65, %sign3A_68 : i32
        %ne3A = vector.broadcast %sign3A_69 : i32 to vector<16xi32>
        %ne3A_70 = arith.cmpi ne, %sign3A_62, %ne3A : vector<16xi32>
        %rem3A = vector.broadcast %jit3A : i32 to vector<16xi32>
        %rem3A_71 = arith.remsi %add3A_53, %rem3A : vector<16xi32>
        %ne3A_72 = arith.constant 0 : i32
        %ne3A_73 = vector.broadcast %ne3A_72 : i32 to vector<16xi32>
        %ne3A_74 = arith.cmpi ne, %rem3A_71, %ne3A_73 : vector<16xi32>
        %and3A = arith.andi %ne3A_70, %ne3A_74 : vector<16xi1>
        %sub3A_75 = arith.constant 1 : i32
        %sub3A_76 = vector.broadcast %sub3A_75 : i32 to vector<16xi32>
        %sub3A_77 = arith.subi %div3A_54, %sub3A_76 : vector<16xi32>
        %select_n3A = arith.select %and3A, %sub3A_77, %div3A_54 : vector<16xi1>, vector<16xi32>
        %gather3A = tpu.vector_load_idx %arg15[%select_n3A] : memref<512xf32, #tpu.memory_space<vmem>>[vector<16xi32>], vector<16xf32>,
        %lt3A = arith.cmpf olt, %gather3A, %sub3A_49 : vector<16xf32>
        %add3A_78 = arith.constant 1 : i32
        %add3A_79 = vector.broadcast %add3A_78 : i32 to vector<16xi32>
        %add3A_80 = arith.addi %select_n3A, %add3A_79 : vector<16xi32>
        %select_n3A_81 = arith.select %lt3A, %add3A_80, %broadcast_in_dim3A_41 : vector<16xi1>, vector<16xi32>
        %select_n3A_82 = arith.select %lt3A, %broadcast_in_dim3A_45, %select_n3A : vector<16xi1>, vector<16xi32>
        %add3A_83 = arith.addi %broadcast_in_dim3A_43, %broadcast_in_dim3A_47 : vector<16xi32>
        %jit3A_84 = arith.constant 2 : i32
        %div3A_85 = vector.broadcast %jit3A_84 : i32 to vector<16xi32>
        %div3A_86 = arith.divsi %add3A_83, %div3A_85 : vector<16xi32>
        %sign3A_87 = arith.constant 0 : i32
        %sign3A_88 = vector.broadcast %sign3A_87 : i32 to vector<16xi32>
        %sign3A_89 = arith.cmpi sgt, %add3A_83, %sign3A_88 : vector<16xi32>
        %sign3A_90 = arith.extui %sign3A_89 : vector<16xi1> to vector<16xi32>
        %sign3A_91 = arith.constant 0 : i32
        %sign3A_92 = vector.broadcast %sign3A_91 : i32 to vector<16xi32>
        %sign3A_93 = arith.cmpi slt, %add3A_83, %sign3A_92 : vector<16xi32>
        %sign3A_94 = arith.extui %sign3A_93 : vector<16xi1> to vector<16xi32>
        %sign3A_95 = arith.subi %sign3A_90, %sign3A_94 : vector<16xi32>
        %sign3A_96 = arith.constant 0 : i32
        %sign3A_97 = arith.cmpi sgt, %jit3A_84, %sign3A_96 : i32
        %sign3A_98 = arith.extui %sign3A_97 : i1 to i32
        %sign3A_99 = arith.constant 0 : i32
        %sign3A_100 = arith.cmpi slt, %jit3A_84, %sign3A_99 : i32
        %sign3A_101 = arith.extui %sign3A_100 : i1 to i32
        %sign3A_102 = arith.subi %sign3A_98, %sign3A_101 : i32
        %ne3A_103 = vector.broadcast %sign3A_102 : i32 to vector<16xi32>
        %ne3A_104 = arith.cmpi ne, %sign3A_95, %ne3A_103 : vector<16xi32>
        %rem3A_105 = vector.broadcast %jit3A_84 : i32 to vector<16xi32>
        %rem3A_106 = arith.remsi %add3A_83, %rem3A_105 : vector<16xi32>
        %ne3A_107 = arith.constant 0 : i32
        %ne3A_108 = vector.broadcast %ne3A_107 : i32 to vector<16xi32>
        %ne3A_109 = arith.cmpi ne, %rem3A_106, %ne3A_108 : vector<16xi32>
        %and3A_110 = arith.andi %ne3A_104, %ne3A_109 : vector<16xi1>
        %sub3A_111 = arith.constant 1 : i32
        %sub3A_112 = vector.broadcast %sub3A_111 : i32 to vector<16xi32>
        %sub3A_113 = arith.subi %div3A_86, %sub3A_112 : vector<16xi32>
        %select_n3A_114 = arith.select %and3A_110, %sub3A_113, %div3A_86 : vector<16xi1>, vector<16xi32>
        %gather3A_115 = tpu.vector_load_idx %arg15[%select_n3A_114] : memref<512xf32, #tpu.memory_space<vmem>>[vector<16xi32>], vector<16xf32>,
        %le3A = arith.cmpf ole, %gather3A_115, %add3A_52 : vector<16xf32>
        %add3A_116 = arith.constant 1 : i32
        %add3A_117 = vector.broadcast %add3A_116 : i32 to vector<16xi32>
        %add3A_118 = arith.addi %select_n3A_114, %add3A_117 : vector<16xi32>
        %select_n3A_119 = arith.select %le3A, %add3A_118, %broadcast_in_dim3A_43 : vector<16xi1>, vector<16xi32>
        %select_n3A_120 = arith.select %le3A, %broadcast_in_dim3A_47, %select_n3A_114 : vector<16xi1>, vector<16xi32>
        %add3A_121 = arith.addi %select_n3A_81, %select_n3A_82 : vector<16xi32>
        %jit3A_122 = arith.constant 2 : i32
        %div3A_123 = vector.broadcast %jit3A_122 : i32 to vector<16xi32>
        %div3A_124 = arith.divsi %add3A_121, %div3A_123 : vector<16xi32>
        %sign3A_125 = arith.constant 0 : i32
        %sign3A_126 = vector.broadcast %sign3A_125 : i32 to vector<16xi32>
        %sign3A_127 = arith.cmpi sgt, %add3A_121, %sign3A_126 : vector<16xi32>
        %sign3A_128 = arith.extui %sign3A_127 : vector<16xi1> to vector<16xi32>
        %sign3A_129 = arith.constant 0 : i32
        %sign3A_130 = vector.broadcast %sign3A_129 : i32 to vector<16xi32>
        %sign3A_131 = arith.cmpi slt, %add3A_121, %sign3A_130 : vector<16xi32>
        %sign3A_132 = arith.extui %sign3A_131 : vector<16xi1> to vector<16xi32>
        %sign3A_133 = arith.subi %sign3A_128, %sign3A_132 : vector<16xi32>
        %sign3A_134 = arith.constant 0 : i32
        %sign3A_135 = arith.cmpi sgt, %jit3A_122, %sign3A_134 : i32
        %sign3A_136 = arith.extui %sign3A_135 : i1 to i32
        %sign3A_137 = arith.constant 0 : i32
        %sign3A_138 = arith.cmpi slt, %jit3A_122, %sign3A_137 : i32
        %sign3A_139 = arith.extui %sign3A_138 : i1 to i32
        %sign3A_140 = arith.subi %sign3A_136, %sign3A_139 : i32
        %ne3A_141 = vector.broadcast %sign3A_140 : i32 to vector<16xi32>
        %ne3A_142 = arith.cmpi ne, %sign3A_133, %ne3A_141 : vector<16xi32>
        %rem3A_143 = vector.broadcast %jit3A_122 : i32 to vector<16xi32>
        %rem3A_144 = arith.remsi %add3A_121, %rem3A_143 : vector<16xi32>
        %ne3A_145 = arith.constant 0 : i32
        %ne3A_146 = vector.broadcast %ne3A_145 : i32 to vector<16xi32>
        %ne3A_147 = arith.cmpi ne, %rem3A_144, %ne3A_146 : vector<16xi32>
        %and3A_148 = arith.andi %ne3A_142, %ne3A_147 : vector<16xi1>
        %sub3A_149 = arith.constant 1 : i32
        %sub3A_150 = vector.broadcast %sub3A_149 : i32 to vector<16xi32>
        %sub3A_151 = arith.subi %div3A_124, %sub3A_150 : vector<16xi32>
        %select_n3A_152 = arith.select %and3A_148, %sub3A_151, %div3A_124 : vector<16xi1>, vector<16xi32>
        %gather3A_153 = tpu.vector_load_idx %arg15[%select_n3A_152] : memref<512xf32, #tpu.memory_space<vmem>>[vector<16xi32>], vector<16xf32>,
        %lt3A_154 = arith.cmpf olt, %gather3A_153, %sub3A_49 : vector<16xf32>
        %add3A_155 = arith.constant 1 : i32
        %add3A_156 = vector.broadcast %add3A_155 : i32 to vector<16xi32>
        %add3A_157 = arith.addi %select_n3A_152, %add3A_156 : vector<16xi32>
        %select_n3A_158 = arith.select %lt3A_154, %add3A_157, %select_n3A_81 : vector<16xi1>, vector<16xi32>
        %select_n3A_159 = arith.select %lt3A_154, %select_n3A_82, %select_n3A_152 : vector<16xi1>, vector<16xi32>
        %add3A_160 = arith.addi %select_n3A_119, %select_n3A_120 : vector<16xi32>
        %jit3A_161 = arith.constant 2 : i32
        %div3A_162 = vector.broadcast %jit3A_161 : i32 to vector<16xi32>
        %div3A_163 = arith.divsi %add3A_160, %div3A_162 : vector<16xi32>
        %sign3A_164 = arith.constant 0 : i32
        %sign3A_165 = vector.broadcast %sign3A_164 : i32 to vector<16xi32>
        %sign3A_166 = arith.cmpi sgt, %add3A_160, %sign3A_165 : vector<16xi32>
        %sign3A_167 = arith.extui %sign3A_166 : vector<16xi1> to vector<16xi32>
        %sign3A_168 = arith.constant 0 : i32
        %sign3A_169 = vector.broadcast %sign3A_168 : i32 to vector<16xi32>
        %sign3A_170 = arith.cmpi slt, %add3A_160, %sign3A_169 : vector<16xi32>
        %sign3A_171 = arith.extui %sign3A_170 : vector<16xi1> to vector<16xi32>
        %sign3A_172 = arith.subi %sign3A_167, %sign3A_171 : vector<16xi32>
        %sign3A_173 = arith.constant 0 : i32
        %sign3A_174 = arith.cmpi sgt, %jit3A_161, %sign3A_173 : i32
        %sign3A_175 = arith.extui %sign3A_174 : i1 to i32
        %sign3A_176 = arith.constant 0 : i32
        %sign3A_177 = arith.cmpi slt, %jit3A_161, %sign3A_176 : i32
        %sign3A_178 = arith.extui %sign3A_177 : i1 to i32
        %sign3A_179 = arith.subi %sign3A_175, %sign3A_178 : i32
        %ne3A_180 = vector.broadcast %sign3A_179 : i32 to vector<16xi32>
        %ne3A_181 = arith.cmpi ne, %sign3A_172, %ne3A_180 : vector<16xi32>
        %rem3A_182 = vector.broadcast %jit3A_161 : i32 to vector<16xi32>
        %rem3A_183 = arith.remsi %add3A_160, %rem3A_182 : vector<16xi32>
        %ne3A_184 = arith.constant 0 : i32
        %ne3A_185 = vector.broadcast %ne3A_184 : i32 to vector<16xi32>
        %ne3A_186 = arith.cmpi ne, %rem3A_183, %ne3A_185 : vector<16xi32>
        %and3A_187 = arith.andi %ne3A_181, %ne3A_186 : vector<16xi1>
        %sub3A_188 = arith.constant 1 : i32
        %sub3A_189 = vector.broadcast %sub3A_188 : i32 to vector<16xi32>
        %sub3A_190 = arith.subi %div3A_163, %sub3A_189 : vector<16xi32>
        %select_n3A_191 = arith.select %and3A_187, %sub3A_190, %div3A_163 : vector<16xi1>, vector<16xi32>
        %gather3A_192 = tpu.vector_load_idx %arg15[%select_n3A_191] : memref<512xf32, #tpu.memory_space<vmem>>[vector<16xi32>], vector<16xf32>,
        %le3A_193 = arith.cmpf ole, %gather3A_192, %add3A_52 : vector<16xf32>
        %add3A_194 = arith.constant 1 : i32
        %add3A_195 = vector.broadcast %add3A_194 : i32 to vector<16xi32>
        %add3A_196 = arith.addi %select_n3A_191, %add3A_195 : vector<16xi32>
        %select_n3A_197 = arith.select %le3A_193, %add3A_196, %select_n3A_119 : vector<16xi1>, vector<16xi32>
        %select_n3A_198 = arith.select %le3A_193, %select_n3A_120, %select_n3A_191 : vector<16xi1>, vector<16xi32>
        %add3A_199 = arith.addi %select_n3A_158, %select_n3A_159 : vector<16xi32>
        %jit3A_200 = arith.constant 2 : i32
        %div3A_201 = vector.broadcast %jit3A_200 : i32 to vector<16xi32>
        %div3A_202 = arith.divsi %add3A_199, %div3A_201 : vector<16xi32>
        %sign3A_203 = arith.constant 0 : i32
        %sign3A_204 = vector.broadcast %sign3A_203 : i32 to vector<16xi32>
        %sign3A_205 = arith.cmpi sgt, %add3A_199, %sign3A_204 : vector<16xi32>
        %sign3A_206 = arith.extui %sign3A_205 : vector<16xi1> to vector<16xi32>
        %sign3A_207 = arith.constant 0 : i32
        %sign3A_208 = vector.broadcast %sign3A_207 : i32 to vector<16xi32>
        %sign3A_209 = arith.cmpi slt, %add3A_199, %sign3A_208 : vector<16xi32>
        %sign3A_210 = arith.extui %sign3A_209 : vector<16xi1> to vector<16xi32>
        %sign3A_211 = arith.subi %sign3A_206, %sign3A_210 : vector<16xi32>
        %sign3A_212 = arith.constant 0 : i32
        %sign3A_213 = arith.cmpi sgt, %jit3A_200, %sign3A_212 : i32
        %sign3A_214 = arith.extui %sign3A_213 : i1 to i32
        %sign3A_215 = arith.constant 0 : i32
        %sign3A_216 = arith.cmpi slt, %jit3A_200, %sign3A_215 : i32
        %sign3A_217 = arith.extui %sign3A_216 : i1 to i32
        %sign3A_218 = arith.subi %sign3A_214, %sign3A_217 : i32
        %ne3A_219 = vector.broadcast %sign3A_218 : i32 to vector<16xi32>
        %ne3A_220 = arith.cmpi ne, %sign3A_211, %ne3A_219 : vector<16xi32>
        %rem3A_221 = vector.broadcast %jit3A_200 : i32 to vector<16xi32>
        %rem3A_222 = arith.remsi %add3A_199, %rem3A_221 : vector<16xi32>
        %ne3A_223 = arith.constant 0 : i32
        %ne3A_224 = vector.broadcast %ne3A_223 : i32 to vector<16xi32>
        %ne3A_225 = arith.cmpi ne, %rem3A_222, %ne3A_224 : vector<16xi32>
        %and3A_226 = arith.andi %ne3A_220, %ne3A_225 : vector<16xi1>
        %sub3A_227 = arith.constant 1 : i32
        %sub3A_228 = vector.broadcast %sub3A_227 : i32 to vector<16xi32>
        %sub3A_229 = arith.subi %div3A_202, %sub3A_228 : vector<16xi32>
        %select_n3A_230 = arith.select %and3A_226, %sub3A_229, %div3A_202 : vector<16xi1>, vector<16xi32>
        %gather3A_231 = tpu.vector_load_idx %arg15[%select_n3A_230] : memref<512xf32, #tpu.memory_space<vmem>>[vector<16xi32>], vector<16xf32>,
        %lt3A_232 = arith.cmpf olt, %gather3A_231, %sub3A_49 : vector<16xf32>
        %add3A_233 = arith.constant 1 : i32
        %add3A_234 = vector.broadcast %add3A_233 : i32 to vector<16xi32>
        %add3A_235 = arith.addi %select_n3A_230, %add3A_234 : vector<16xi32>
        %select_n3A_236 = arith.select %lt3A_232, %add3A_235, %select_n3A_158 : vector<16xi1>, vector<16xi32>
        %select_n3A_237 = arith.select %lt3A_232, %select_n3A_159, %select_n3A_230 : vector<16xi1>, vector<16xi32>
        %add3A_238 = arith.addi %select_n3A_197, %select_n3A_198 : vector<16xi32>
        %jit3A_239 = arith.constant 2 : i32
        %div3A_240 = vector.broadcast %jit3A_239 : i32 to vector<16xi32>
        %div3A_241 = arith.divsi %add3A_238, %div3A_240 : vector<16xi32>
        %sign3A_242 = arith.constant 0 : i32
        %sign3A_243 = vector.broadcast %sign3A_242 : i32 to vector<16xi32>
        %sign3A_244 = arith.cmpi sgt, %add3A_238, %sign3A_243 : vector<16xi32>
        %sign3A_245 = arith.extui %sign3A_244 : vector<16xi1> to vector<16xi32>
        %sign3A_246 = arith.constant 0 : i32
        %sign3A_247 = vector.broadcast %sign3A_246 : i32 to vector<16xi32>
        %sign3A_248 = arith.cmpi slt, %add3A_238, %sign3A_247 : vector<16xi32>
        %sign3A_249 = arith.extui %sign3A_248 : vector<16xi1> to vector<16xi32>
        %sign3A_250 = arith.subi %sign3A_245, %sign3A_249 : vector<16xi32>
        %sign3A_251 = arith.constant 0 : i32
        %sign3A_252 = arith.cmpi sgt, %jit3A_239, %sign3A_251 : i32
        %sign3A_253 = arith.extui %sign3A_252 : i1 to i32
        %sign3A_254 = arith.constant 0 : i32
        %sign3A_255 = arith.cmpi slt, %jit3A_239, %sign3A_254 : i32
        %sign3A_256 = arith.extui %sign3A_255 : i1 to i32
        %sign3A_257 = arith.subi %sign3A_253, %sign3A_256 : i32
        %ne3A_258 = vector.broadcast %sign3A_257 : i32 to vector<16xi32>
        %ne3A_259 = arith.cmpi ne, %sign3A_250, %ne3A_258 : vector<16xi32>
        %rem3A_260 = vector.broadcast %jit3A_239 : i32 to vector<16xi32>
        %rem3A_261 = arith.remsi %add3A_238, %rem3A_260 : vector<16xi32>
        %ne3A_262 = arith.constant 0 : i32
        %ne3A_263 = vector.broadcast %ne3A_262 : i32 to vector<16xi32>
        %ne3A_264 = arith.cmpi ne, %rem3A_261, %ne3A_263 : vector<16xi32>
        %and3A_265 = arith.andi %ne3A_259, %ne3A_264 : vector<16xi1>
        %sub3A_266 = arith.constant 1 : i32
        %sub3A_267 = vector.broadcast %sub3A_266 : i32 to vector<16xi32>
        %sub3A_268 = arith.subi %div3A_241, %sub3A_267 : vector<16xi32>
        %select_n3A_269 = arith.select %and3A_265, %sub3A_268, %div3A_241 : vector<16xi1>, vector<16xi32>
        %gather3A_270 = tpu.vector_load_idx %arg15[%select_n3A_269] : memref<512xf32, #tpu.memory_space<vmem>>[vector<16xi32>], vector<16xf32>,
        %le3A_271 = arith.cmpf ole, %gather3A_270, %add3A_52 : vector<16xf32>
        %add3A_272 = arith.constant 1 : i32
        %add3A_273 = vector.broadcast %add3A_272 : i32 to vector<16xi32>
        %add3A_274 = arith.addi %select_n3A_269, %add3A_273 : vector<16xi32>
        %select_n3A_275 = arith.select %le3A_271, %add3A_274, %select_n3A_197 : vector<16xi1>, vector<16xi32>
        %select_n3A_276 = arith.select %le3A_271, %select_n3A_198, %select_n3A_269 : vector<16xi1>, vector<16xi32>
        %add3A_277 = arith.addi %select_n3A_236, %select_n3A_237 : vector<16xi32>
        %jit3A_278 = arith.constant 2 : i32
        %div3A_279 = vector.broadcast %jit3A_278 : i32 to vector<16xi32>
        %div3A_280 = arith.divsi %add3A_277, %div3A_279 : vector<16xi32>
        %sign3A_281 = arith.constant 0 : i32
        %sign3A_282 = vector.broadcast %sign3A_281 : i32 to vector<16xi32>
        %sign3A_283 = arith.cmpi sgt, %add3A_277, %sign3A_282 : vector<16xi32>
        %sign3A_284 = arith.extui %sign3A_283 : vector<16xi1> to vector<16xi32>
        %sign3A_285 = arith.constant 0 : i32
        %sign3A_286 = vector.broadcast %sign3A_285 : i32 to vector<16xi32>
        %sign3A_287 = arith.cmpi slt, %add3A_277, %sign3A_286 : vector<16xi32>
        %sign3A_288 = arith.extui %sign3A_287 : vector<16xi1> to vector<16xi32>
        %sign3A_289 = arith.subi %sign3A_284, %sign3A_288 : vector<16xi32>
        %sign3A_290 = arith.constant 0 : i32
        %sign3A_291 = arith.cmpi sgt, %jit3A_278, %sign3A_290 : i32
        %sign3A_292 = arith.extui %sign3A_291 : i1 to i32
        %sign3A_293 = arith.constant 0 : i32
        %sign3A_294 = arith.cmpi slt, %jit3A_278, %sign3A_293 : i32
        %sign3A_295 = arith.extui %sign3A_294 : i1 to i32
        %sign3A_296 = arith.subi %sign3A_292, %sign3A_295 : i32
        %ne3A_297 = vector.broadcast %sign3A_296 : i32 to vector<16xi32>
        %ne3A_298 = arith.cmpi ne, %sign3A_289, %ne3A_297 : vector<16xi32>
        %rem3A_299 = vector.broadcast %jit3A_278 : i32 to vector<16xi32>
        %rem3A_300 = arith.remsi %add3A_277, %rem3A_299 : vector<16xi32>
        %ne3A_301 = arith.constant 0 : i32
        %ne3A_302 = vector.broadcast %ne3A_301 : i32 to vector<16xi32>
        %ne3A_303 = arith.cmpi ne, %rem3A_300, %ne3A_302 : vector<16xi32>
        %and3A_304 = arith.andi %ne3A_298, %ne3A_303 : vector<16xi1>
        %sub3A_305 = arith.constant 1 : i32
        %sub3A_306 = vector.broadcast %sub3A_305 : i32 to vector<16xi32>
        %sub3A_307 = arith.subi %div3A_280, %sub3A_306 : vector<16xi32>
        %select_n3A_308 = arith.select %and3A_304, %sub3A_307, %div3A_280 : vector<16xi1>, vector<16xi32>
        %gather3A_309 = tpu.vector_load_idx %arg15[%select_n3A_308] : memref<512xf32, #tpu.memory_space<vmem>>[vector<16xi32>], vector<16xf32>,
        %lt3A_310 = arith.cmpf olt, %gather3A_309, %sub3A_49 : vector<16xf32>
        %add3A_311 = arith.constant 1 : i32
        %add3A_312 = vector.broadcast %add3A_311 : i32 to vector<16xi32>
        %add3A_313 = arith.addi %select_n3A_308, %add3A_312 : vector<16xi32>
        %select_n3A_314 = arith.select %lt3A_310, %add3A_313, %select_n3A_236 : vector<16xi1>, vector<16xi32>
        %select_n3A_315 = arith.select %lt3A_310, %select_n3A_237, %select_n3A_308 : vector<16xi1>, vector<16xi32>
        %add3A_316 = arith.addi %select_n3A_275, %select_n3A_276 : vector<16xi32>
        %jit3A_317 = arith.constant 2 : i32
        %div3A_318 = vector.broadcast %jit3A_317 : i32 to vector<16xi32>
        %div3A_319 = arith.divsi %add3A_316, %div3A_318 : vector<16xi32>
        %sign3A_320 = arith.constant 0 : i32
        %sign3A_321 = vector.broadcast %sign3A_320 : i32 to vector<16xi32>
        %sign3A_322 = arith.cmpi sgt, %add3A_316, %sign3A_321 : vector<16xi32>
        %sign3A_323 = arith.extui %sign3A_322 : vector<16xi1> to vector<16xi32>
        %sign3A_324 = arith.constant 0 : i32
        %sign3A_325 = vector.broadcast %sign3A_324 : i32 to vector<16xi32>
        %sign3A_326 = arith.cmpi slt, %add3A_316, %sign3A_325 : vector<16xi32>
        %sign3A_327 = arith.extui %sign3A_326 : vector<16xi1> to vector<16xi32>
        %sign3A_328 = arith.subi %sign3A_323, %sign3A_327 : vector<16xi32>
        %sign3A_329 = arith.constant 0 : i32
        %sign3A_330 = arith.cmpi sgt, %jit3A_317, %sign3A_329 : i32
        %sign3A_331 = arith.extui %sign3A_330 : i1 to i32
        %sign3A_332 = arith.constant 0 : i32
        %sign3A_333 = arith.cmpi slt, %jit3A_317, %sign3A_332 : i32
        %sign3A_334 = arith.extui %sign3A_333 : i1 to i32
        %sign3A_335 = arith.subi %sign3A_331, %sign3A_334 : i32
        %ne3A_336 = vector.broadcast %sign3A_335 : i32 to vector<16xi32>
        %ne3A_337 = arith.cmpi ne, %sign3A_328, %ne3A_336 : vector<16xi32>
        %rem3A_338 = vector.broadcast %jit3A_317 : i32 to vector<16xi32>
        %rem3A_339 = arith.remsi %add3A_316, %rem3A_338 : vector<16xi32>
        %ne3A_340 = arith.constant 0 : i32
        %ne3A_341 = vector.broadcast %ne3A_340 : i32 to vector<16xi32>
        %ne3A_342 = arith.cmpi ne, %rem3A_339, %ne3A_341 : vector<16xi32>
        %and3A_343 = arith.andi %ne3A_337, %ne3A_342 : vector<16xi1>
        %sub3A_344 = arith.constant 1 : i32
        %sub3A_345 = vector.broadcast %sub3A_344 : i32 to vector<16xi32>
        %sub3A_346 = arith.subi %div3A_319, %sub3A_345 : vector<16xi32>
        %select_n3A_347 = arith.select %and3A_343, %sub3A_346, %div3A_319 : vector<16xi1>, vector<16xi32>
        %gather3A_348 = tpu.vector_load_idx %arg15[%select_n3A_347] : memref<512xf32, #tpu.memory_space<vmem>>[vector<16xi32>], vector<16xf32>,
        %le3A_349 = arith.cmpf ole, %gather3A_348, %add3A_52 : vector<16xf32>
        %add3A_350 = arith.constant 1 : i32
        %add3A_351 = vector.broadcast %add3A_350 : i32 to vector<16xi32>
        %add3A_352 = arith.addi %select_n3A_347, %add3A_351 : vector<16xi32>
        %select_n3A_353 = arith.select %le3A_349, %add3A_352, %select_n3A_275 : vector<16xi1>, vector<16xi32>
        %select_n3A_354 = arith.select %le3A_349, %select_n3A_276, %select_n3A_347 : vector<16xi1>, vector<16xi32>
        %add3A_355 = arith.addi %select_n3A_314, %select_n3A_315 : vector<16xi32>
        %jit3A_356 = arith.constant 2 : i32
        %div3A_357 = vector.broadcast %jit3A_356 : i32 to vector<16xi32>
        %div3A_358 = arith.divsi %add3A_355, %div3A_357 : vector<16xi32>
        %sign3A_359 = arith.constant 0 : i32
        %sign3A_360 = vector.broadcast %sign3A_359 : i32 to vector<16xi32>
        %sign3A_361 = arith.cmpi sgt, %add3A_355, %sign3A_360 : vector<16xi32>
        %sign3A_362 = arith.extui %sign3A_361 : vector<16xi1> to vector<16xi32>
        %sign3A_363 = arith.constant 0 : i32
        %sign3A_364 = vector.broadcast %sign3A_363 : i32 to vector<16xi32>
        %sign3A_365 = arith.cmpi slt, %add3A_355, %sign3A_364 : vector<16xi32>
        %sign3A_366 = arith.extui %sign3A_365 : vector<16xi1> to vector<16xi32>
        %sign3A_367 = arith.subi %sign3A_362, %sign3A_366 : vector<16xi32>
        %sign3A_368 = arith.constant 0 : i32
        %sign3A_369 = arith.cmpi sgt, %jit3A_356, %sign3A_368 : i32
        %sign3A_370 = arith.extui %sign3A_369 : i1 to i32
        %sign3A_371 = arith.constant 0 : i32
        %sign3A_372 = arith.cmpi slt, %jit3A_356, %sign3A_371 : i32
        %sign3A_373 = arith.extui %sign3A_372 : i1 to i32
        %sign3A_374 = arith.subi %sign3A_370, %sign3A_373 : i32
        %ne3A_375 = vector.broadcast %sign3A_374 : i32 to vector<16xi32>
        %ne3A_376 = arith.cmpi ne, %sign3A_367, %ne3A_375 : vector<16xi32>
        %rem3A_377 = vector.broadcast %jit3A_356 : i32 to vector<16xi32>
        %rem3A_378 = arith.remsi %add3A_355, %rem3A_377 : vector<16xi32>
        %ne3A_379 = arith.constant 0 : i32
        %ne3A_380 = vector.broadcast %ne3A_379 : i32 to vector<16xi32>
        %ne3A_381 = arith.cmpi ne, %rem3A_378, %ne3A_380 : vector<16xi32>
        %and3A_382 = arith.andi %ne3A_376, %ne3A_381 : vector<16xi1>
        %sub3A_383 = arith.constant 1 : i32
        %sub3A_384 = vector.broadcast %sub3A_383 : i32 to vector<16xi32>
        %sub3A_385 = arith.subi %div3A_358, %sub3A_384 : vector<16xi32>
        %select_n3A_386 = arith.select %and3A_382, %sub3A_385, %div3A_358 : vector<16xi1>, vector<16xi32>
        %gather3A_387 = tpu.vector_load_idx %arg15[%select_n3A_386] : memref<512xf32, #tpu.memory_space<vmem>>[vector<16xi32>], vector<16xf32>,
        %lt3A_388 = arith.cmpf olt, %gather3A_387, %sub3A_49 : vector<16xf32>
        %add3A_389 = arith.constant 1 : i32
        %add3A_390 = vector.broadcast %add3A_389 : i32 to vector<16xi32>
        %add3A_391 = arith.addi %select_n3A_386, %add3A_390 : vector<16xi32>
        %select_n3A_392 = arith.select %lt3A_388, %add3A_391, %select_n3A_314 : vector<16xi1>, vector<16xi32>
        %select_n3A_393 = arith.select %lt3A_388, %select_n3A_315, %select_n3A_386 : vector<16xi1>, vector<16xi32>
        %add3A_394 = arith.addi %select_n3A_353, %select_n3A_354 : vector<16xi32>
        %jit3A_395 = arith.constant 2 : i32
        %div3A_396 = vector.broadcast %jit3A_395 : i32 to vector<16xi32>
        %div3A_397 = arith.divsi %add3A_394, %div3A_396 : vector<16xi32>
        %sign3A_398 = arith.constant 0 : i32
        %sign3A_399 = vector.broadcast %sign3A_398 : i32 to vector<16xi32>
        %sign3A_400 = arith.cmpi sgt, %add3A_394, %sign3A_399 : vector<16xi32>
        %sign3A_401 = arith.extui %sign3A_400 : vector<16xi1> to vector<16xi32>
        %sign3A_402 = arith.constant 0 : i32
        %sign3A_403 = vector.broadcast %sign3A_402 : i32 to vector<16xi32>
        %sign3A_404 = arith.cmpi slt, %add3A_394, %sign3A_403 : vector<16xi32>
        %sign3A_405 = arith.extui %sign3A_404 : vector<16xi1> to vector<16xi32>
        %sign3A_406 = arith.subi %sign3A_401, %sign3A_405 : vector<16xi32>
        %sign3A_407 = arith.constant 0 : i32
        %sign3A_408 = arith.cmpi sgt, %jit3A_395, %sign3A_407 : i32
        %sign3A_409 = arith.extui %sign3A_408 : i1 to i32
        %sign3A_410 = arith.constant 0 : i32
        %sign3A_411 = arith.cmpi slt, %jit3A_395, %sign3A_410 : i32
        %sign3A_412 = arith.extui %sign3A_411 : i1 to i32
        %sign3A_413 = arith.subi %sign3A_409, %sign3A_412 : i32
        %ne3A_414 = vector.broadcast %sign3A_413 : i32 to vector<16xi32>
        %ne3A_415 = arith.cmpi ne, %sign3A_406, %ne3A_414 : vector<16xi32>
        %rem3A_416 = vector.broadcast %jit3A_395 : i32 to vector<16xi32>
        %rem3A_417 = arith.remsi %add3A_394, %rem3A_416 : vector<16xi32>
        %ne3A_418 = arith.constant 0 : i32
        %ne3A_419 = vector.broadcast %ne3A_418 : i32 to vector<16xi32>
        %ne3A_420 = arith.cmpi ne, %rem3A_417, %ne3A_419 : vector<16xi32>
        %and3A_421 = arith.andi %ne3A_415, %ne3A_420 : vector<16xi1>
        %sub3A_422 = arith.constant 1 : i32
        %sub3A_423 = vector.broadcast %sub3A_422 : i32 to vector<16xi32>
        %sub3A_424 = arith.subi %div3A_397, %sub3A_423 : vector<16xi32>
        %select_n3A_425 = arith.select %and3A_421, %sub3A_424, %div3A_397 : vector<16xi1>, vector<16xi32>
        %gather3A_426 = tpu.vector_load_idx %arg15[%select_n3A_425] : memref<512xf32, #tpu.memory_space<vmem>>[vector<16xi32>], vector<16xf32>,
        %le3A_427 = arith.cmpf ole, %gather3A_426, %add3A_52 : vector<16xf32>
        %add3A_428 = arith.constant 1 : i32
        %add3A_429 = vector.broadcast %add3A_428 : i32 to vector<16xi32>
        %add3A_430 = arith.addi %select_n3A_425, %add3A_429 : vector<16xi32>
        %select_n3A_431 = arith.select %le3A_427, %add3A_430, %select_n3A_353 : vector<16xi1>, vector<16xi32>
        %select_n3A_432 = arith.select %le3A_427, %select_n3A_354, %select_n3A_425 : vector<16xi1>, vector<16xi32>
        %add3A_433 = arith.addi %select_n3A_392, %select_n3A_393 : vector<16xi32>
        %jit3A_434 = arith.constant 2 : i32
        %div3A_435 = vector.broadcast %jit3A_434 : i32 to vector<16xi32>
        %div3A_436 = arith.divsi %add3A_433, %div3A_435 : vector<16xi32>
        %sign3A_437 = arith.constant 0 : i32
        %sign3A_438 = vector.broadcast %sign3A_437 : i32 to vector<16xi32>
        %sign3A_439 = arith.cmpi sgt, %add3A_433, %sign3A_438 : vector<16xi32>
        %sign3A_440 = arith.extui %sign3A_439 : vector<16xi1> to vector<16xi32>
        %sign3A_441 = arith.constant 0 : i32
        %sign3A_442 = vector.broadcast %sign3A_441 : i32 to vector<16xi32>
        %sign3A_443 = arith.cmpi slt, %add3A_433, %sign3A_442 : vector<16xi32>
        %sign3A_444 = arith.extui %sign3A_443 : vector<16xi1> to vector<16xi32>
        %sign3A_445 = arith.subi %sign3A_440, %sign3A_444 : vector<16xi32>
        %sign3A_446 = arith.constant 0 : i32
        %sign3A_447 = arith.cmpi sgt, %jit3A_434, %sign3A_446 : i32
        %sign3A_448 = arith.extui %sign3A_447 : i1 to i32
        %sign3A_449 = arith.constant 0 : i32
        %sign3A_450 = arith.cmpi slt, %jit3A_434, %sign3A_449 : i32
        %sign3A_451 = arith.extui %sign3A_450 : i1 to i32
        %sign3A_452 = arith.subi %sign3A_448, %sign3A_451 : i32
        %ne3A_453 = vector.broadcast %sign3A_452 : i32 to vector<16xi32>
        %ne3A_454 = arith.cmpi ne, %sign3A_445, %ne3A_453 : vector<16xi32>
        %rem3A_455 = vector.broadcast %jit3A_434 : i32 to vector<16xi32>
        %rem3A_456 = arith.remsi %add3A_433, %rem3A_455 : vector<16xi32>
        %ne3A_457 = arith.constant 0 : i32
        %ne3A_458 = vector.broadcast %ne3A_457 : i32 to vector<16xi32>
        %ne3A_459 = arith.cmpi ne, %rem3A_456, %ne3A_458 : vector<16xi32>
        %and3A_460 = arith.andi %ne3A_454, %ne3A_459 : vector<16xi1>
        %sub3A_461 = arith.constant 1 : i32
        %sub3A_462 = vector.broadcast %sub3A_461 : i32 to vector<16xi32>
        %sub3A_463 = arith.subi %div3A_436, %sub3A_462 : vector<16xi32>
        %select_n3A_464 = arith.select %and3A_460, %sub3A_463, %div3A_436 : vector<16xi1>, vector<16xi32>
        %gather3A_465 = tpu.vector_load_idx %arg15[%select_n3A_464] : memref<512xf32, #tpu.memory_space<vmem>>[vector<16xi32>], vector<16xf32>,
        %lt3A_466 = arith.cmpf olt, %gather3A_465, %sub3A_49 : vector<16xf32>
        %add3A_467 = arith.constant 1 : i32
        %add3A_468 = vector.broadcast %add3A_467 : i32 to vector<16xi32>
        %add3A_469 = arith.addi %select_n3A_464, %add3A_468 : vector<16xi32>
        %select_n3A_470 = arith.select %lt3A_466, %add3A_469, %select_n3A_392 : vector<16xi1>, vector<16xi32>
        %select_n3A_471 = arith.select %lt3A_466, %select_n3A_393, %select_n3A_464 : vector<16xi1>, vector<16xi32>
        %add3A_472 = arith.addi %select_n3A_431, %select_n3A_432 : vector<16xi32>
        %jit3A_473 = arith.constant 2 : i32
        %div3A_474 = vector.broadcast %jit3A_473 : i32 to vector<16xi32>
        %div3A_475 = arith.divsi %add3A_472, %div3A_474 : vector<16xi32>
        %sign3A_476 = arith.constant 0 : i32
        %sign3A_477 = vector.broadcast %sign3A_476 : i32 to vector<16xi32>
        %sign3A_478 = arith.cmpi sgt, %add3A_472, %sign3A_477 : vector<16xi32>
        %sign3A_479 = arith.extui %sign3A_478 : vector<16xi1> to vector<16xi32>
        %sign3A_480 = arith.constant 0 : i32
        %sign3A_481 = vector.broadcast %sign3A_480 : i32 to vector<16xi32>
        %sign3A_482 = arith.cmpi slt, %add3A_472, %sign3A_481 : vector<16xi32>
        %sign3A_483 = arith.extui %sign3A_482 : vector<16xi1> to vector<16xi32>
        %sign3A_484 = arith.subi %sign3A_479, %sign3A_483 : vector<16xi32>
        %sign3A_485 = arith.constant 0 : i32
        %sign3A_486 = arith.cmpi sgt, %jit3A_473, %sign3A_485 : i32
        %sign3A_487 = arith.extui %sign3A_486 : i1 to i32
        %sign3A_488 = arith.constant 0 : i32
        %sign3A_489 = arith.cmpi slt, %jit3A_473, %sign3A_488 : i32
        %sign3A_490 = arith.extui %sign3A_489 : i1 to i32
        %sign3A_491 = arith.subi %sign3A_487, %sign3A_490 : i32
        %ne3A_492 = vector.broadcast %sign3A_491 : i32 to vector<16xi32>
        %ne3A_493 = arith.cmpi ne, %sign3A_484, %ne3A_492 : vector<16xi32>
        %rem3A_494 = vector.broadcast %jit3A_473 : i32 to vector<16xi32>
        %rem3A_495 = arith.remsi %add3A_472, %rem3A_494 : vector<16xi32>
        %ne3A_496 = arith.constant 0 : i32
        %ne3A_497 = vector.broadcast %ne3A_496 : i32 to vector<16xi32>
        %ne3A_498 = arith.cmpi ne, %rem3A_495, %ne3A_497 : vector<16xi32>
        %and3A_499 = arith.andi %ne3A_493, %ne3A_498 : vector<16xi1>
        %sub3A_500 = arith.constant 1 : i32
        %sub3A_501 = vector.broadcast %sub3A_500 : i32 to vector<16xi32>
        %sub3A_502 = arith.subi %div3A_475, %sub3A_501 : vector<16xi32>
        %select_n3A_503 = arith.select %and3A_499, %sub3A_502, %div3A_475 : vector<16xi1>, vector<16xi32>
        %gather3A_504 = tpu.vector_load_idx %arg15[%select_n3A_503] : memref<512xf32, #tpu.memory_space<vmem>>[vector<16xi32>], vector<16xf32>,
        %le3A_505 = arith.cmpf ole, %gather3A_504, %add3A_52 : vector<16xf32>
        %add3A_506 = arith.constant 1 : i32
        %add3A_507 = vector.broadcast %add3A_506 : i32 to vector<16xi32>
        %add3A_508 = arith.addi %select_n3A_503, %add3A_507 : vector<16xi32>
        %select_n3A_509 = arith.select %le3A_505, %add3A_508, %select_n3A_431 : vector<16xi1>, vector<16xi32>
        %select_n3A_510 = arith.select %le3A_505, %select_n3A_432, %select_n3A_503 : vector<16xi1>, vector<16xi32>
        %add3A_511 = arith.addi %select_n3A_470, %select_n3A_471 : vector<16xi32>
        %jit3A_512 = arith.constant 2 : i32
        %div3A_513 = vector.broadcast %jit3A_512 : i32 to vector<16xi32>
        %div3A_514 = arith.divsi %add3A_511, %div3A_513 : vector<16xi32>
        %sign3A_515 = arith.constant 0 : i32
        %sign3A_516 = vector.broadcast %sign3A_515 : i32 to vector<16xi32>
        %sign3A_517 = arith.cmpi sgt, %add3A_511, %sign3A_516 : vector<16xi32>
        %sign3A_518 = arith.extui %sign3A_517 : vector<16xi1> to vector<16xi32>
        %sign3A_519 = arith.constant 0 : i32
        %sign3A_520 = vector.broadcast %sign3A_519 : i32 to vector<16xi32>
        %sign3A_521 = arith.cmpi slt, %add3A_511, %sign3A_520 : vector<16xi32>
        %sign3A_522 = arith.extui %sign3A_521 : vector<16xi1> to vector<16xi32>
        %sign3A_523 = arith.subi %sign3A_518, %sign3A_522 : vector<16xi32>
        %sign3A_524 = arith.constant 0 : i32
        %sign3A_525 = arith.cmpi sgt, %jit3A_512, %sign3A_524 : i32
        %sign3A_526 = arith.extui %sign3A_525 : i1 to i32
        %sign3A_527 = arith.constant 0 : i32
        %sign3A_528 = arith.cmpi slt, %jit3A_512, %sign3A_527 : i32
        %sign3A_529 = arith.extui %sign3A_528 : i1 to i32
        %sign3A_530 = arith.subi %sign3A_526, %sign3A_529 : i32
        %ne3A_531 = vector.broadcast %sign3A_530 : i32 to vector<16xi32>
        %ne3A_532 = arith.cmpi ne, %sign3A_523, %ne3A_531 : vector<16xi32>
        %rem3A_533 = vector.broadcast %jit3A_512 : i32 to vector<16xi32>
        %rem3A_534 = arith.remsi %add3A_511, %rem3A_533 : vector<16xi32>
        %ne3A_535 = arith.constant 0 : i32
        %ne3A_536 = vector.broadcast %ne3A_535 : i32 to vector<16xi32>
        %ne3A_537 = arith.cmpi ne, %rem3A_534, %ne3A_536 : vector<16xi32>
        %and3A_538 = arith.andi %ne3A_532, %ne3A_537 : vector<16xi1>
        %sub3A_539 = arith.constant 1 : i32
        %sub3A_540 = vector.broadcast %sub3A_539 : i32 to vector<16xi32>
        %sub3A_541 = arith.subi %div3A_514, %sub3A_540 : vector<16xi32>
        %select_n3A_542 = arith.select %and3A_538, %sub3A_541, %div3A_514 : vector<16xi1>, vector<16xi32>
        %gather3A_543 = tpu.vector_load_idx %arg15[%select_n3A_542] : memref<512xf32, #tpu.memory_space<vmem>>[vector<16xi32>], vector<16xf32>,
        %lt3A_544 = arith.cmpf olt, %gather3A_543, %sub3A_49 : vector<16xf32>
        %add3A_545 = arith.constant 1 : i32
        %add3A_546 = vector.broadcast %add3A_545 : i32 to vector<16xi32>
        %add3A_547 = arith.addi %select_n3A_542, %add3A_546 : vector<16xi32>
        %select_n3A_548 = arith.select %lt3A_544, %add3A_547, %select_n3A_470 : vector<16xi1>, vector<16xi32>
        %select_n3A_549 = arith.select %lt3A_544, %select_n3A_471, %select_n3A_542 : vector<16xi1>, vector<16xi32>
        %add3A_550 = arith.addi %select_n3A_509, %select_n3A_510 : vector<16xi32>
        %jit3A_551 = arith.constant 2 : i32
        %div3A_552 = vector.broadcast %jit3A_551 : i32 to vector<16xi32>
        %div3A_553 = arith.divsi %add3A_550, %div3A_552 : vector<16xi32>
        %sign3A_554 = arith.constant 0 : i32
        %sign3A_555 = vector.broadcast %sign3A_554 : i32 to vector<16xi32>
        %sign3A_556 = arith.cmpi sgt, %add3A_550, %sign3A_555 : vector<16xi32>
        %sign3A_557 = arith.extui %sign3A_556 : vector<16xi1> to vector<16xi32>
        %sign3A_558 = arith.constant 0 : i32
        %sign3A_559 = vector.broadcast %sign3A_558 : i32 to vector<16xi32>
        %sign3A_560 = arith.cmpi slt, %add3A_550, %sign3A_559 : vector<16xi32>
        %sign3A_561 = arith.extui %sign3A_560 : vector<16xi1> to vector<16xi32>
        %sign3A_562 = arith.subi %sign3A_557, %sign3A_561 : vector<16xi32>
        %sign3A_563 = arith.constant 0 : i32
        %sign3A_564 = arith.cmpi sgt, %jit3A_551, %sign3A_563 : i32
        %sign3A_565 = arith.extui %sign3A_564 : i1 to i32
        %sign3A_566 = arith.constant 0 : i32
        %sign3A_567 = arith.cmpi slt, %jit3A_551, %sign3A_566 : i32
        %sign3A_568 = arith.extui %sign3A_567 : i1 to i32
        %sign3A_569 = arith.subi %sign3A_565, %sign3A_568 : i32
        %ne3A_570 = vector.broadcast %sign3A_569 : i32 to vector<16xi32>
        %ne3A_571 = arith.cmpi ne, %sign3A_562, %ne3A_570 : vector<16xi32>
        %rem3A_572 = vector.broadcast %jit3A_551 : i32 to vector<16xi32>
        %rem3A_573 = arith.remsi %add3A_550, %rem3A_572 : vector<16xi32>
        %ne3A_574 = arith.constant 0 : i32
        %ne3A_575 = vector.broadcast %ne3A_574 : i32 to vector<16xi32>
        %ne3A_576 = arith.cmpi ne, %rem3A_573, %ne3A_575 : vector<16xi32>
        %and3A_577 = arith.andi %ne3A_571, %ne3A_576 : vector<16xi1>
        %sub3A_578 = arith.constant 1 : i32
        %sub3A_579 = vector.broadcast %sub3A_578 : i32 to vector<16xi32>
        %sub3A_580 = arith.subi %div3A_553, %sub3A_579 : vector<16xi32>
        %select_n3A_581 = arith.select %and3A_577, %sub3A_580, %div3A_553 : vector<16xi1>, vector<16xi32>
        %gather3A_582 = tpu.vector_load_idx %arg15[%select_n3A_581] : memref<512xf32, #tpu.memory_space<vmem>>[vector<16xi32>], vector<16xf32>,
        %le3A_583 = arith.cmpf ole, %gather3A_582, %add3A_52 : vector<16xf32>
        %add3A_584 = arith.constant 1 : i32
        %add3A_585 = vector.broadcast %add3A_584 : i32 to vector<16xi32>
        %add3A_586 = arith.addi %select_n3A_581, %add3A_585 : vector<16xi32>
        %select_n3A_587 = arith.select %le3A_583, %add3A_586, %select_n3A_509 : vector<16xi1>, vector<16xi32>
        %select_n3A_588 = arith.select %le3A_583, %select_n3A_510, %select_n3A_581 : vector<16xi1>, vector<16xi32>
        %add3A_589 = arith.addi %select_n3A_548, %select_n3A_549 : vector<16xi32>
        %jit3A_590 = arith.constant 2 : i32
        %div3A_591 = vector.broadcast %jit3A_590 : i32 to vector<16xi32>
        %div3A_592 = arith.divsi %add3A_589, %div3A_591 : vector<16xi32>
        %sign3A_593 = arith.constant 0 : i32
        %sign3A_594 = vector.broadcast %sign3A_593 : i32 to vector<16xi32>
        %sign3A_595 = arith.cmpi sgt, %add3A_589, %sign3A_594 : vector<16xi32>
        %sign3A_596 = arith.extui %sign3A_595 : vector<16xi1> to vector<16xi32>
        %sign3A_597 = arith.constant 0 : i32
        %sign3A_598 = vector.broadcast %sign3A_597 : i32 to vector<16xi32>
        %sign3A_599 = arith.cmpi slt, %add3A_589, %sign3A_598 : vector<16xi32>
        %sign3A_600 = arith.extui %sign3A_599 : vector<16xi1> to vector<16xi32>
        %sign3A_601 = arith.subi %sign3A_596, %sign3A_600 : vector<16xi32>
        %sign3A_602 = arith.constant 0 : i32
        %sign3A_603 = arith.cmpi sgt, %jit3A_590, %sign3A_602 : i32
        %sign3A_604 = arith.extui %sign3A_603 : i1 to i32
        %sign3A_605 = arith.constant 0 : i32
        %sign3A_606 = arith.cmpi slt, %jit3A_590, %sign3A_605 : i32
        %sign3A_607 = arith.extui %sign3A_606 : i1 to i32
        %sign3A_608 = arith.subi %sign3A_604, %sign3A_607 : i32
        %ne3A_609 = vector.broadcast %sign3A_608 : i32 to vector<16xi32>
        %ne3A_610 = arith.cmpi ne, %sign3A_601, %ne3A_609 : vector<16xi32>
        %rem3A_611 = vector.broadcast %jit3A_590 : i32 to vector<16xi32>
        %rem3A_612 = arith.remsi %add3A_589, %rem3A_611 : vector<16xi32>
        %ne3A_613 = arith.constant 0 : i32
        %ne3A_614 = vector.broadcast %ne3A_613 : i32 to vector<16xi32>
        %ne3A_615 = arith.cmpi ne, %rem3A_612, %ne3A_614 : vector<16xi32>
        %and3A_616 = arith.andi %ne3A_610, %ne3A_615 : vector<16xi1>
        %sub3A_617 = arith.constant 1 : i32
        %sub3A_618 = vector.broadcast %sub3A_617 : i32 to vector<16xi32>
        %sub3A_619 = arith.subi %div3A_592, %sub3A_618 : vector<16xi32>
        %select_n3A_620 = arith.select %and3A_616, %sub3A_619, %div3A_592 : vector<16xi1>, vector<16xi32>
        %gather3A_621 = tpu.vector_load_idx %arg15[%select_n3A_620] : memref<512xf32, #tpu.memory_space<vmem>>[vector<16xi32>], vector<16xf32>,
        %lt3A_622 = arith.cmpf olt, %gather3A_621, %sub3A_49 : vector<16xf32>
        %add3A_623 = arith.constant 1 : i32
        %add3A_624 = vector.broadcast %add3A_623 : i32 to vector<16xi32>
        %add3A_625 = arith.addi %select_n3A_620, %add3A_624 : vector<16xi32>
        %select_n3A_626 = arith.select %lt3A_622, %add3A_625, %select_n3A_548 : vector<16xi1>, vector<16xi32>
        %select_n3A_627 = arith.select %lt3A_622, %select_n3A_549, %select_n3A_620 : vector<16xi1>, vector<16xi32>
        %add3A_628 = arith.addi %select_n3A_587, %select_n3A_588 : vector<16xi32>
        %jit3A_629 = arith.constant 2 : i32
        %div3A_630 = vector.broadcast %jit3A_629 : i32 to vector<16xi32>
        %div3A_631 = arith.divsi %add3A_628, %div3A_630 : vector<16xi32>
        %sign3A_632 = arith.constant 0 : i32
        %sign3A_633 = vector.broadcast %sign3A_632 : i32 to vector<16xi32>
        %sign3A_634 = arith.cmpi sgt, %add3A_628, %sign3A_633 : vector<16xi32>
        %sign3A_635 = arith.extui %sign3A_634 : vector<16xi1> to vector<16xi32>
        %sign3A_636 = arith.constant 0 : i32
        %sign3A_637 = vector.broadcast %sign3A_636 : i32 to vector<16xi32>
        %sign3A_638 = arith.cmpi slt, %add3A_628, %sign3A_637 : vector<16xi32>
        %sign3A_639 = arith.extui %sign3A_638 : vector<16xi1> to vector<16xi32>
        %sign3A_640 = arith.subi %sign3A_635, %sign3A_639 : vector<16xi32>
        %sign3A_641 = arith.constant 0 : i32
        %sign3A_642 = arith.cmpi sgt, %jit3A_629, %sign3A_641 : i32
        %sign3A_643 = arith.extui %sign3A_642 : i1 to i32
        %sign3A_644 = arith.constant 0 : i32
        %sign3A_645 = arith.cmpi slt, %jit3A_629, %sign3A_644 : i32
        %sign3A_646 = arith.extui %sign3A_645 : i1 to i32
        %sign3A_647 = arith.subi %sign3A_643, %sign3A_646 : i32
        %ne3A_648 = vector.broadcast %sign3A_647 : i32 to vector<16xi32>
        %ne3A_649 = arith.cmpi ne, %sign3A_640, %ne3A_648 : vector<16xi32>
        %rem3A_650 = vector.broadcast %jit3A_629 : i32 to vector<16xi32>
        %rem3A_651 = arith.remsi %add3A_628, %rem3A_650 : vector<16xi32>
        %ne3A_652 = arith.constant 0 : i32
        %ne3A_653 = vector.broadcast %ne3A_652 : i32 to vector<16xi32>
        %ne3A_654 = arith.cmpi ne, %rem3A_651, %ne3A_653 : vector<16xi32>
        %and3A_655 = arith.andi %ne3A_649, %ne3A_654 : vector<16xi1>
        %sub3A_656 = arith.constant 1 : i32
        %sub3A_657 = vector.broadcast %sub3A_656 : i32 to vector<16xi32>
        %sub3A_658 = arith.subi %div3A_631, %sub3A_657 : vector<16xi32>
        %select_n3A_659 = arith.select %and3A_655, %sub3A_658, %div3A_631 : vector<16xi1>, vector<16xi32>
        %gather3A_660 = tpu.vector_load_idx %arg15[%select_n3A_659] : memref<512xf32, #tpu.memory_space<vmem>>[vector<16xi32>], vector<16xf32>,
        %le3A_661 = arith.cmpf ole, %gather3A_660, %add3A_52 : vector<16xf32>
        %add3A_662 = arith.constant 1 : i32
        %add3A_663 = vector.broadcast %add3A_662 : i32 to vector<16xi32>
        %add3A_664 = arith.addi %select_n3A_659, %add3A_663 : vector<16xi32>
        %select_n3A_665 = arith.select %le3A_661, %add3A_664, %select_n3A_587 : vector<16xi1>, vector<16xi32>
        %select_n3A_666 = arith.select %le3A_661, %select_n3A_588, %select_n3A_659 : vector<16xi1>, vector<16xi32>
        %add3A_667 = arith.addi %select_n3A_626, %select_n3A_627 : vector<16xi32>
        %jit3A_668 = arith.constant 2 : i32
        %div3A_669 = vector.broadcast %jit3A_668 : i32 to vector<16xi32>
        %div3A_670 = arith.divsi %add3A_667, %div3A_669 : vector<16xi32>
        %sign3A_671 = arith.constant 0 : i32
        %sign3A_672 = vector.broadcast %sign3A_671 : i32 to vector<16xi32>
        %sign3A_673 = arith.cmpi sgt, %add3A_667, %sign3A_672 : vector<16xi32>
        %sign3A_674 = arith.extui %sign3A_673 : vector<16xi1> to vector<16xi32>
        %sign3A_675 = arith.constant 0 : i32
        %sign3A_676 = vector.broadcast %sign3A_675 : i32 to vector<16xi32>
        %sign3A_677 = arith.cmpi slt, %add3A_667, %sign3A_676 : vector<16xi32>
        %sign3A_678 = arith.extui %sign3A_677 : vector<16xi1> to vector<16xi32>
        %sign3A_679 = arith.subi %sign3A_674, %sign3A_678 : vector<16xi32>
        %sign3A_680 = arith.constant 0 : i32
        %sign3A_681 = arith.cmpi sgt, %jit3A_668, %sign3A_680 : i32
        %sign3A_682 = arith.extui %sign3A_681 : i1 to i32
        %sign3A_683 = arith.constant 0 : i32
        %sign3A_684 = arith.cmpi slt, %jit3A_668, %sign3A_683 : i32
        %sign3A_685 = arith.extui %sign3A_684 : i1 to i32
        %sign3A_686 = arith.subi %sign3A_682, %sign3A_685 : i32
        %ne3A_687 = vector.broadcast %sign3A_686 : i32 to vector<16xi32>
        %ne3A_688 = arith.cmpi ne, %sign3A_679, %ne3A_687 : vector<16xi32>
        %rem3A_689 = vector.broadcast %jit3A_668 : i32 to vector<16xi32>
        %rem3A_690 = arith.remsi %add3A_667, %rem3A_689 : vector<16xi32>
        %ne3A_691 = arith.constant 0 : i32
        %ne3A_692 = vector.broadcast %ne3A_691 : i32 to vector<16xi32>
        %ne3A_693 = arith.cmpi ne, %rem3A_690, %ne3A_692 : vector<16xi32>
        %and3A_694 = arith.andi %ne3A_688, %ne3A_693 : vector<16xi1>
        %sub3A_695 = arith.constant 1 : i32
        %sub3A_696 = vector.broadcast %sub3A_695 : i32 to vector<16xi32>
        %sub3A_697 = arith.subi %div3A_670, %sub3A_696 : vector<16xi32>
        %select_n3A_698 = arith.select %and3A_694, %sub3A_697, %div3A_670 : vector<16xi1>, vector<16xi32>
        %gather3A_699 = tpu.vector_load_idx %arg15[%select_n3A_698] : memref<512xf32, #tpu.memory_space<vmem>>[vector<16xi32>], vector<16xf32>,
        %lt3A_700 = arith.cmpf olt, %gather3A_699, %sub3A_49 : vector<16xf32>
        %add3A_701 = arith.constant 1 : i32
        %add3A_702 = vector.broadcast %add3A_701 : i32 to vector<16xi32>
        %add3A_703 = arith.addi %select_n3A_698, %add3A_702 : vector<16xi32>
        %select_n3A_704 = arith.select %lt3A_700, %add3A_703, %select_n3A_626 : vector<16xi1>, vector<16xi32>
        %select_n3A_705 = arith.select %lt3A_700, %select_n3A_627, %select_n3A_698 : vector<16xi1>, vector<16xi32>
        %add3A_706 = arith.addi %select_n3A_665, %select_n3A_666 : vector<16xi32>
        %jit3A_707 = arith.constant 2 : i32
        %div3A_708 = vector.broadcast %jit3A_707 : i32 to vector<16xi32>
        %div3A_709 = arith.divsi %add3A_706, %div3A_708 : vector<16xi32>
        %sign3A_710 = arith.constant 0 : i32
        %sign3A_711 = vector.broadcast %sign3A_710 : i32 to vector<16xi32>
        %sign3A_712 = arith.cmpi sgt, %add3A_706, %sign3A_711 : vector<16xi32>
        %sign3A_713 = arith.extui %sign3A_712 : vector<16xi1> to vector<16xi32>
        %sign3A_714 = arith.constant 0 : i32
        %sign3A_715 = vector.broadcast %sign3A_714 : i32 to vector<16xi32>
        %sign3A_716 = arith.cmpi slt, %add3A_706, %sign3A_715 : vector<16xi32>
        %sign3A_717 = arith.extui %sign3A_716 : vector<16xi1> to vector<16xi32>
        %sign3A_718 = arith.subi %sign3A_713, %sign3A_717 : vector<16xi32>
        %sign3A_719 = arith.constant 0 : i32
        %sign3A_720 = arith.cmpi sgt, %jit3A_707, %sign3A_719 : i32
        %sign3A_721 = arith.extui %sign3A_720 : i1 to i32
        %sign3A_722 = arith.constant 0 : i32
        %sign3A_723 = arith.cmpi slt, %jit3A_707, %sign3A_722 : i32
        %sign3A_724 = arith.extui %sign3A_723 : i1 to i32
        %sign3A_725 = arith.subi %sign3A_721, %sign3A_724 : i32
        %ne3A_726 = vector.broadcast %sign3A_725 : i32 to vector<16xi32>
        %ne3A_727 = arith.cmpi ne, %sign3A_718, %ne3A_726 : vector<16xi32>
        %rem3A_728 = vector.broadcast %jit3A_707 : i32 to vector<16xi32>
        %rem3A_729 = arith.remsi %add3A_706, %rem3A_728 : vector<16xi32>
        %ne3A_730 = arith.constant 0 : i32
        %ne3A_731 = vector.broadcast %ne3A_730 : i32 to vector<16xi32>
        %ne3A_732 = arith.cmpi ne, %rem3A_729, %ne3A_731 : vector<16xi32>
        %and3A_733 = arith.andi %ne3A_727, %ne3A_732 : vector<16xi1>
        %sub3A_734 = arith.constant 1 : i32
        %sub3A_735 = vector.broadcast %sub3A_734 : i32 to vector<16xi32>
        %sub3A_736 = arith.subi %div3A_709, %sub3A_735 : vector<16xi32>
        %select_n3A_737 = arith.select %and3A_733, %sub3A_736, %div3A_709 : vector<16xi1>, vector<16xi32>
        %gather3A_738 = tpu.vector_load_idx %arg15[%select_n3A_737] : memref<512xf32, #tpu.memory_space<vmem>>[vector<16xi32>], vector<16xf32>,
        %le3A_739 = arith.cmpf ole, %gather3A_738, %add3A_52 : vector<16xf32>
        %add3A_740 = arith.constant 1 : i32
        %add3A_741 = vector.broadcast %add3A_740 : i32 to vector<16xi32>
        %add3A_742 = arith.addi %select_n3A_737, %add3A_741 : vector<16xi32>
        %select_n3A_743 = arith.select %le3A_739, %add3A_742, %select_n3A_665 : vector<16xi1>, vector<16xi32>
        %select_n3A_744 = arith.select %le3A_739, %select_n3A_666, %select_n3A_737 : vector<16xi1>, vector<16xi32>
        %sub3A_745 = arith.subi %select_n3A_743, %select_n3A_704 : vector<16xi32>
        %broadcast_in_dim3A_746 = arith.constant true
        %broadcast_in_dim3A_747 = vector.broadcast %broadcast_in_dim3A_746 : i1 to vector<16xi1>
        %masked_cummax3A = arith.constant -2147483648 : i32
        %masked_cummax3A_748 = vector.broadcast %masked_cummax3A : i32 to vector<16xi32>
        %masked_cummax3A_749 = arith.xori %sub3A_745, %masked_cummax3A_748 : vector<16xi32>
        %masked_cummax3A_750 = tpu.scan <max>, %masked_cummax3A_749 masked %broadcast_in_dim3A_747 : vector<16xi32>, vector<16xi1> -> vector<16xi32>
        %masked_cummax3A_751 = arith.xori %masked_cummax3A_750, %masked_cummax3A_748 : vector<16xi32>
        %slice3A = vector.extract_strided_slice %masked_cummax3A_751 {offsets = [15], sizes = [1], strides = [1]} : vector<16xi32> to vector<1xi32>
        %squeeze3A = vector.extract %slice3A[0] : i32 from vector<1xi32>
        %mul3A_752 = arith.constant 8192 : i32
        %mul3A_753 = arith.muli %scan3A_32, %mul3A_752 : i32
        %iota3A = tpu.iota {dimensions = array<i32: 0>} : vector<16xi32>
        %mul3A_754 = arith.constant 512 : i32
        %mul3A_755 = vector.broadcast %mul3A_754 : i32 to vector<16xi32>
        %mul3A_756 = arith.muli %iota3A, %mul3A_755 : vector<16xi32>
        %add3A_757 = vector.broadcast %mul3A_753 : i32 to vector<16xi32>
        %add3A_758 = arith.addi %add3A_757, %mul3A_756 : vector<16xi32>
        %while3A = arith.constant 0 : i32
        %while3A_759 = arith.subi %squeeze3A, %while3A : i32
        %while3A_760 = arith.addi %while3A, %while3A_759 : i32
        %while3A_761 = arith.constant 1 : i32
        %while3A_762 = arith.divsi %while3A_759, %while3A_761 : i32
        %while3A_763 = arith.muli %while3A_762, %while3A_761 : i32
        %while3A_764 = arith.addi %while3A, %while3A_763 : i32
        %while3A_765 = arith.constant 1 : i32
        %while3A_766 = scf.for %while3A_769 = %while3A to %while3A_764 step %while3A_765 iter_args(%while3A_770 = %scan3A_33) -> (i32)  : i32 {
          %add3A_771 = vector.broadcast %while3A_769 : i32 to vector<16xi32>
          %add3A_772 = arith.addi %select_n3A_704, %add3A_771 : vector<16xi32>
          %lt3A_773 = arith.cmpi slt, %add3A_772, %select_n3A_743 : vector<16xi32>
          %min3A_774 = arith.constant 511 : i32
          %min3A_775 = vector.broadcast %min3A_774 : i32 to vector<16xi32>
          %min3A_776 = arith.minsi %add3A_772, %min3A_775 : vector<16xi32>
          %gather3A_777 = tpu.vector_load_idx %arg15[%min3A_776] : memref<512xf32, #tpu.memory_space<vmem>>[vector<16xi32>], vector<16xf32>,
          %gather3A_778 = tpu.vector_load_idx %arg16[%min3A_776] : memref<512xf32, #tpu.memory_space<vmem>>[vector<16xi32>], vector<16xf32>,
          %sub3A_779 = arith.subf %gather3A_777, %get3A_36 : vector<16xf32>
          %sub3A_780 = arith.subf %gather3A_778, %get3A_40 : vector<16xf32>
          %mul3A_781 = arith.mulf %sub3A_779, %sub3A_779 : vector<16xf32>
          %mul3A_782 = arith.mulf %sub3A_780, %sub3A_780 : vector<16xf32>
          %add3A_783 = arith.addf %mul3A_781, %mul3A_782 : vector<16xf32>
          %le3A_784 = arith.constant 4.900000e+01 : f32
          %le3A_785 = vector.broadcast %le3A_784 : f32 to vector<16xf32>
          %le3A_786 = arith.cmpf ole, %add3A_783, %le3A_785 : vector<16xf32>
          %and3A_787 = arith.andi %le3A_786, %lt3A_773 : vector<16xi1>
          %all_reduce_population_count3A = tpu.all_reduce %and3A_787 {dim = 0 : i64, kind = #tpu.reduction_kind<sum>} : vector<16xi1> -> vector<16xi32>
          %slice3A_788 = vector.extract_strided_slice %all_reduce_population_count3A {offsets = [0], sizes = [1], strides = [1]} : vector<16xi32> to vector<1xi32>
          %squeeze3A_789 = vector.extract %slice3A_788[0] : i32 from vector<1xi32>
          %gt3A = arith.constant 0 : i32
          %gt3A_790 = arith.cmpi sgt, %squeeze3A_789, %gt3A : i32
          %convert_element_type3A = arith.extui %gt3A_790 : i1 to i32
          %cond3A = arith.constant 0 : i32
          %cond3A_791 = arith.cmpi ne, %convert_element_type3A, %cond3A : i32
          scf.if %cond3A_791 {
            %gather3A_793 = tpu.vector_load_idx %arg17[%min3A_776] : memref<512xi32, #tpu.memory_space<vmem>>[vector<16xi32>], vector<16xi32>,
            %add3A_794 = arith.addi %add3A_758, %gather3A_793 : vector<16xi32>
            %swap3A = arith.index_cast %while3A_770 : i32 to index
            %swap3A_795 = tpu.vector_load %arg10[%swap3A] masked %and3A_787 {strides = array<i32>} : memref<768xi32, #tpu.memory_space<vmem>>, vector<16xi32>, vector<16xi1>
            tpu.vector_store %arg10[%swap3A], %add3A_794 masked %and3A_787 {strides = array<i32>} : memref<768xi32, #tpu.memory_space<vmem>>, vector<16xi32>, vector<16xi1>
            %neg3A = arith.constant 0.000000e+00 : f32
            %neg3A_796 = vector.broadcast %neg3A : f32 to vector<16xf32>
            %neg3A_797 = arith.subf %neg3A_796, %sub3A_779 : vector<16xf32>
            %swap3A_798 = arith.index_cast %while3A_770 : i32 to index
            %swap3A_799 = tpu.vector_load %arg11[%swap3A_798] masked %and3A_787 {strides = array<i32>} : memref<768xf32, #tpu.memory_space<vmem>>, vector<16xf32>, vector<16xi1>
            tpu.vector_store %arg11[%swap3A_798], %neg3A_797 masked %and3A_787 {strides = array<i32>} : memref<768xf32, #tpu.memory_space<vmem>>, vector<16xf32>, vector<16xi1>
            %neg3A_800 = arith.constant 0.000000e+00 : f32
            %neg3A_801 = vector.broadcast %neg3A_800 : f32 to vector<16xf32>
            %neg3A_802 = arith.subf %neg3A_801, %sub3A_780 : vector<16xf32>
            %swap3A_803 = arith.index_cast %while3A_770 : i32 to index
            %swap3A_804 = tpu.vector_load %arg12[%swap3A_803] masked %and3A_787 {strides = array<i32>} : memref<768xf32, #tpu.memory_space<vmem>>, vector<16xf32>, vector<16xi1>
            tpu.vector_store %arg12[%swap3A_803], %neg3A_802 masked %and3A_787 {strides = array<i32>} : memref<768xf32, #tpu.memory_space<vmem>>, vector<16xf32>, vector<16xi1>
          } else {
          }
          %add3A_792 = arith.addi %while3A_770, %squeeze3A_789 : i32
          scf.yield %add3A_792 : i32
        }
        %while3A_767 = arith.constant 1 : i32
        %while3A_768 = scf.for %while3A_769 = %while3A_764 to %while3A_760 step %while3A_767 iter_args(%while3A_770 = %while3A_766) -> (i32)  : i32 {
          %add3A_771 = vector.broadcast %while3A_769 : i32 to vector<16xi32>
          %add3A_772 = arith.addi %select_n3A_704, %add3A_771 : vector<16xi32>
          %lt3A_773 = arith.cmpi slt, %add3A_772, %select_n3A_743 : vector<16xi32>
          %min3A_774 = arith.constant 511 : i32
          %min3A_775 = vector.broadcast %min3A_774 : i32 to vector<16xi32>
          %min3A_776 = arith.minsi %add3A_772, %min3A_775 : vector<16xi32>
          %gather3A_777 = tpu.vector_load_idx %arg15[%min3A_776] : memref<512xf32, #tpu.memory_space<vmem>>[vector<16xi32>], vector<16xf32>,
          %gather3A_778 = tpu.vector_load_idx %arg16[%min3A_776] : memref<512xf32, #tpu.memory_space<vmem>>[vector<16xi32>], vector<16xf32>,
          %sub3A_779 = arith.subf %gather3A_777, %get3A_36 : vector<16xf32>
          %sub3A_780 = arith.subf %gather3A_778, %get3A_40 : vector<16xf32>
          %mul3A_781 = arith.mulf %sub3A_779, %sub3A_779 : vector<16xf32>
          %mul3A_782 = arith.mulf %sub3A_780, %sub3A_780 : vector<16xf32>
          %add3A_783 = arith.addf %mul3A_781, %mul3A_782 : vector<16xf32>
          %le3A_784 = arith.constant 4.900000e+01 : f32
          %le3A_785 = vector.broadcast %le3A_784 : f32 to vector<16xf32>
          %le3A_786 = arith.cmpf ole, %add3A_783, %le3A_785 : vector<16xf32>
          %and3A_787 = arith.andi %le3A_786, %lt3A_773 : vector<16xi1>
          %all_reduce_population_count3A = tpu.all_reduce %and3A_787 {dim = 0 : i64, kind = #tpu.reduction_kind<sum>} : vector<16xi1> -> vector<16xi32>
          %slice3A_788 = vector.extract_strided_slice %all_reduce_population_count3A {offsets = [0], sizes = [1], strides = [1]} : vector<16xi32> to vector<1xi32>
          %squeeze3A_789 = vector.extract %slice3A_788[0] : i32 from vector<1xi32>
          %gt3A = arith.constant 0 : i32
          %gt3A_790 = arith.cmpi sgt, %squeeze3A_789, %gt3A : i32
          %convert_element_type3A = arith.extui %gt3A_790 : i1 to i32
          %cond3A = arith.constant 0 : i32
          %cond3A_791 = arith.cmpi ne, %convert_element_type3A, %cond3A : i32
          scf.if %cond3A_791 {
            %gather3A_793 = tpu.vector_load_idx %arg17[%min3A_776] : memref<512xi32, #tpu.memory_space<vmem>>[vector<16xi32>], vector<16xi32>,
            %add3A_794 = arith.addi %add3A_758, %gather3A_793 : vector<16xi32>
            %swap3A = arith.index_cast %while3A_770 : i32 to index
            %swap3A_795 = tpu.vector_load %arg10[%swap3A] masked %and3A_787 {strides = array<i32>} : memref<768xi32, #tpu.memory_space<vmem>>, vector<16xi32>, vector<16xi1>
            tpu.vector_store %arg10[%swap3A], %add3A_794 masked %and3A_787 {strides = array<i32>} : memref<768xi32, #tpu.memory_space<vmem>>, vector<16xi32>, vector<16xi1>
            %neg3A = arith.constant 0.000000e+00 : f32
            %neg3A_796 = vector.broadcast %neg3A : f32 to vector<16xf32>
            %neg3A_797 = arith.subf %neg3A_796, %sub3A_779 : vector<16xf32>
            %swap3A_798 = arith.index_cast %while3A_770 : i32 to index
            %swap3A_799 = tpu.vector_load %arg11[%swap3A_798] masked %and3A_787 {strides = array<i32>} : memref<768xf32, #tpu.memory_space<vmem>>, vector<16xf32>, vector<16xi1>
            tpu.vector_store %arg11[%swap3A_798], %neg3A_797 masked %and3A_787 {strides = array<i32>} : memref<768xf32, #tpu.memory_space<vmem>>, vector<16xf32>, vector<16xi1>
            %neg3A_800 = arith.constant 0.000000e+00 : f32
            %neg3A_801 = vector.broadcast %neg3A_800 : f32 to vector<16xf32>
            %neg3A_802 = arith.subf %neg3A_801, %sub3A_780 : vector<16xf32>
            %swap3A_803 = arith.index_cast %while3A_770 : i32 to index
            %swap3A_804 = tpu.vector_load %arg12[%swap3A_803] masked %and3A_787 {strides = array<i32>} : memref<768xf32, #tpu.memory_space<vmem>>, vector<16xf32>, vector<16xi1>
            tpu.vector_store %arg12[%swap3A_803], %neg3A_802 masked %and3A_787 {strides = array<i32>} : memref<768xf32, #tpu.memory_space<vmem>>, vector<16xf32>, vector<16xi1>
          } else {
          }
          %add3A_792 = arith.addi %while3A_770, %squeeze3A_789 : i32
          scf.yield %add3A_792 : i32
        }
        scf.yield %while3A_768 : i32
      }
      %scan3A_30 = arith.constant 13 : i32
      "tpu.region"() ({
        %run_scoped3A = tpu.sem_alloc : memref<!tpu.dma_semaphore, #tpu.memory_space<semaphore_mem>>
        %dma_start3A = arith.constant 0 : i32
        %dma_start3A_32 = tpu.memref_slice %arg10[%dma_start3A] : memref<768xi32, #tpu.memory_space<vmem>> -> memref<640xi32, #tpu.memory_space<vmem>>
        %dma_start3A_33 = arith.constant 0 : i32
        %dma_start3A_34 = tpu.memref_slice %arg7[%add3A_11, %dma_start3A_33] : memref<128x640xi32, #tpu.memory_space<hbm>> -> memref<1x640xi32, #tpu.memory_space<hbm>>
        %dma_start3A_35 = tpu.memref_squeeze %dma_start3A_34 : memref<1x640xi32, #tpu.memory_space<hbm>> -> memref<640xi32, #tpu.memory_space<hbm>>
        %dma_start3A_36 = arith.constant 0 : i32
        %dma_start3A_37 = tpu.memref_slice %arg7[%add3A_11, %dma_start3A_36] : memref<128x640xi32, #tpu.memory_space<hbm>> -> memref<1x640xi32, #tpu.memory_space<hbm>>
        %dma_start3A_38 = tpu.memref_squeeze %dma_start3A_37 : memref<1x640xi32, #tpu.memory_space<hbm>> -> memref<640xi32, #tpu.memory_space<hbm>>
        %dma_start3A_39 = arith.constant 0 : i32
        %dma_start3A_40 = tpu.memref_slice %arg10[%dma_start3A_39] : memref<768xi32, #tpu.memory_space<vmem>> -> memref<640xi32, #tpu.memory_space<vmem>>
        tpu.enqueue_dma source(%dma_start3A_40 : memref<640xi32, #tpu.memory_space<vmem>>) target(%dma_start3A_38 : memref<640xi32, #tpu.memory_space<hbm>>) target_semaphore(%run_scoped3A : memref<!tpu.dma_semaphore, #tpu.memory_space<semaphore_mem>>)
        %dma_wait3A = arith.constant 0 : i32
        %dma_wait3A_41 = tpu.memref_slice %arg10[%dma_wait3A] : memref<768xi32, #tpu.memory_space<vmem>> -> memref<640xi32, #tpu.memory_space<vmem>>
        %dma_wait3A_42 = arith.constant 0 : i32
        %dma_wait3A_43 = tpu.memref_slice %arg7[%add3A_11, %dma_wait3A_42] : memref<128x640xi32, #tpu.memory_space<hbm>> -> memref<1x640xi32, #tpu.memory_space<hbm>>
        %dma_wait3A_44 = tpu.memref_squeeze %dma_wait3A_43 : memref<1x640xi32, #tpu.memory_space<hbm>> -> memref<640xi32, #tpu.memory_space<hbm>>
        %dma_wait3A_45 = arith.constant 0 : i32
        %dma_wait3A_46 = tpu.memref_slice %arg7[%add3A_11, %dma_wait3A_45] : memref<128x640xi32, #tpu.memory_space<hbm>> -> memref<1x640xi32, #tpu.memory_space<hbm>>
        %dma_wait3A_47 = tpu.memref_squeeze %dma_wait3A_46 : memref<1x640xi32, #tpu.memory_space<hbm>> -> memref<640xi32, #tpu.memory_space<hbm>>
        %dma_wait3A_48 = arith.constant 0 : i32
        %dma_wait3A_49 = tpu.memref_slice %arg10[%dma_wait3A_48] : memref<768xi32, #tpu.memory_space<vmem>> -> memref<640xi32, #tpu.memory_space<vmem>>
        tpu.wait_dma2 semaphore(%run_scoped3A : memref<!tpu.dma_semaphore, #tpu.memory_space<semaphore_mem>>) src(%dma_wait3A_49 : memref<640xi32, #tpu.memory_space<vmem>>) dst(%dma_wait3A_47 : memref<640xi32, #tpu.memory_space<hbm>>)
        tpu.yield
      }) : () -> ()
      "tpu.region"() ({
        %run_scoped3A = tpu.sem_alloc : memref<!tpu.dma_semaphore, #tpu.memory_space<semaphore_mem>>
        %dma_start3A = arith.constant 0 : i32
        %dma_start3A_32 = tpu.memref_slice %arg11[%dma_start3A] : memref<768xf32, #tpu.memory_space<vmem>> -> memref<640xf32, #tpu.memory_space<vmem>>
        %dma_start3A_33 = arith.constant 0 : i32
        %dma_start3A_34 = tpu.memref_slice %arg8[%add3A_11, %dma_start3A_33] : memref<128x640xf32, #tpu.memory_space<hbm>> -> memref<1x640xf32, #tpu.memory_space<hbm>>
        %dma_start3A_35 = tpu.memref_squeeze %dma_start3A_34 : memref<1x640xf32, #tpu.memory_space<hbm>> -> memref<640xf32, #tpu.memory_space<hbm>>
        %dma_start3A_36 = arith.constant 0 : i32
        %dma_start3A_37 = tpu.memref_slice %arg8[%add3A_11, %dma_start3A_36] : memref<128x640xf32, #tpu.memory_space<hbm>> -> memref<1x640xf32, #tpu.memory_space<hbm>>
        %dma_start3A_38 = tpu.memref_squeeze %dma_start3A_37 : memref<1x640xf32, #tpu.memory_space<hbm>> -> memref<640xf32, #tpu.memory_space<hbm>>
        %dma_start3A_39 = arith.constant 0 : i32
        %dma_start3A_40 = tpu.memref_slice %arg11[%dma_start3A_39] : memref<768xf32, #tpu.memory_space<vmem>> -> memref<640xf32, #tpu.memory_space<vmem>>
        tpu.enqueue_dma source(%dma_start3A_40 : memref<640xf32, #tpu.memory_space<vmem>>) target(%dma_start3A_38 : memref<640xf32, #tpu.memory_space<hbm>>) target_semaphore(%run_scoped3A : memref<!tpu.dma_semaphore, #tpu.memory_space<semaphore_mem>>)
        %dma_wait3A = arith.constant 0 : i32
        %dma_wait3A_41 = tpu.memref_slice %arg11[%dma_wait3A] : memref<768xf32, #tpu.memory_space<vmem>> -> memref<640xf32, #tpu.memory_space<vmem>>
        %dma_wait3A_42 = arith.constant 0 : i32
        %dma_wait3A_43 = tpu.memref_slice %arg8[%add3A_11, %dma_wait3A_42] : memref<128x640xf32, #tpu.memory_space<hbm>> -> memref<1x640xf32, #tpu.memory_space<hbm>>
        %dma_wait3A_44 = tpu.memref_squeeze %dma_wait3A_43 : memref<1x640xf32, #tpu.memory_space<hbm>> -> memref<640xf32, #tpu.memory_space<hbm>>
        %dma_wait3A_45 = arith.constant 0 : i32
        %dma_wait3A_46 = tpu.memref_slice %arg8[%add3A_11, %dma_wait3A_45] : memref<128x640xf32, #tpu.memory_space<hbm>> -> memref<1x640xf32, #tpu.memory_space<hbm>>
        %dma_wait3A_47 = tpu.memref_squeeze %dma_wait3A_46 : memref<1x640xf32, #tpu.memory_space<hbm>> -> memref<640xf32, #tpu.memory_space<hbm>>
        %dma_wait3A_48 = arith.constant 0 : i32
        %dma_wait3A_49 = tpu.memref_slice %arg11[%dma_wait3A_48] : memref<768xf32, #tpu.memory_space<vmem>> -> memref<640xf32, #tpu.memory_space<vmem>>
        tpu.wait_dma2 semaphore(%run_scoped3A : memref<!tpu.dma_semaphore, #tpu.memory_space<semaphore_mem>>) src(%dma_wait3A_49 : memref<640xf32, #tpu.memory_space<vmem>>) dst(%dma_wait3A_47 : memref<640xf32, #tpu.memory_space<hbm>>)
        tpu.yield
      }) : () -> ()
      "tpu.region"() ({
        %run_scoped3A = tpu.sem_alloc : memref<!tpu.dma_semaphore, #tpu.memory_space<semaphore_mem>>
        %dma_start3A = arith.constant 0 : i32
        %dma_start3A_32 = tpu.memref_slice %arg12[%dma_start3A] : memref<768xf32, #tpu.memory_space<vmem>> -> memref<640xf32, #tpu.memory_space<vmem>>
        %dma_start3A_33 = arith.constant 0 : i32
        %dma_start3A_34 = tpu.memref_slice %arg9[%add3A_11, %dma_start3A_33] : memref<128x640xf32, #tpu.memory_space<hbm>> -> memref<1x640xf32, #tpu.memory_space<hbm>>
        %dma_start3A_35 = tpu.memref_squeeze %dma_start3A_34 : memref<1x640xf32, #tpu.memory_space<hbm>> -> memref<640xf32, #tpu.memory_space<hbm>>
        %dma_start3A_36 = arith.constant 0 : i32
        %dma_start3A_37 = tpu.memref_slice %arg9[%add3A_11, %dma_start3A_36] : memref<128x640xf32, #tpu.memory_space<hbm>> -> memref<1x640xf32, #tpu.memory_space<hbm>>
        %dma_start3A_38 = tpu.memref_squeeze %dma_start3A_37 : memref<1x640xf32, #tpu.memory_space<hbm>> -> memref<640xf32, #tpu.memory_space<hbm>>
        %dma_start3A_39 = arith.constant 0 : i32
        %dma_start3A_40 = tpu.memref_slice %arg12[%dma_start3A_39] : memref<768xf32, #tpu.memory_space<vmem>> -> memref<640xf32, #tpu.memory_space<vmem>>
        tpu.enqueue_dma source(%dma_start3A_40 : memref<640xf32, #tpu.memory_space<vmem>>) target(%dma_start3A_38 : memref<640xf32, #tpu.memory_space<hbm>>) target_semaphore(%run_scoped3A : memref<!tpu.dma_semaphore, #tpu.memory_space<semaphore_mem>>)
        %dma_wait3A = arith.constant 0 : i32
        %dma_wait3A_41 = tpu.memref_slice %arg12[%dma_wait3A] : memref<768xf32, #tpu.memory_space<vmem>> -> memref<640xf32, #tpu.memory_space<vmem>>
        %dma_wait3A_42 = arith.constant 0 : i32
        %dma_wait3A_43 = tpu.memref_slice %arg9[%add3A_11, %dma_wait3A_42] : memref<128x640xf32, #tpu.memory_space<hbm>> -> memref<1x640xf32, #tpu.memory_space<hbm>>
        %dma_wait3A_44 = tpu.memref_squeeze %dma_wait3A_43 : memref<1x640xf32, #tpu.memory_space<hbm>> -> memref<640xf32, #tpu.memory_space<hbm>>
        %dma_wait3A_45 = arith.constant 0 : i32
        %dma_wait3A_46 = tpu.memref_slice %arg9[%add3A_11, %dma_wait3A_45] : memref<128x640xf32, #tpu.memory_space<hbm>> -> memref<1x640xf32, #tpu.memory_space<hbm>>
        %dma_wait3A_47 = tpu.memref_squeeze %dma_wait3A_46 : memref<1x640xf32, #tpu.memory_space<hbm>> -> memref<640xf32, #tpu.memory_space<hbm>>
        %dma_wait3A_48 = arith.constant 0 : i32
        %dma_wait3A_49 = tpu.memref_slice %arg12[%dma_wait3A_48] : memref<768xf32, #tpu.memory_space<vmem>> -> memref<640xf32, #tpu.memory_space<vmem>>
        tpu.wait_dma2 semaphore(%run_scoped3A : memref<!tpu.dma_semaphore, #tpu.memory_space<semaphore_mem>>) src(%dma_wait3A_49 : memref<640xf32, #tpu.memory_space<vmem>>) dst(%dma_wait3A_47 : memref<640xf32, #tpu.memory_space<hbm>>)
        tpu.yield
      }) : () -> ()
      %scan3A_31 = arith.constant 0 : i32
      scf.yield %scan3A_31 : i32
    }
    %scan3A_6 = arith.constant 4 : i32
    return
  }
}

module attributes {stable_mosaic.version = 14 : i64} {
  func.func @_cw_body(%arg0: memref<512x128xf32, #tpu.memory_space<vmem>>, %arg1: memref<128x128xf32, #tpu.memory_space<vmem>>, %arg2: memref<128x128xf32, #tpu.memory_space<vmem>>, %arg3: memref<512x128xf32, #tpu.memory_space<vmem>>, %arg4: memref<512x128xf32, #tpu.memory_space<vmem>>) attributes {dimension_semantics = [], scalar_prefetch = 0 : i64, scratch_operands = 0 : i64, tpu.core_type = #tpu.core_type<tc>} {
    %get3A = arith.constant 0 : index
    %get3A_0 = arith.constant 0 : index
    %get3A_1 = vector.load %arg0[%get3A, %get3A_0] : memref<512x128xf32, #tpu.memory_space<vmem>>, vector<512x128xf32>
    %get3A_2 = arith.constant 0 : index
    %get3A_3 = arith.constant 0 : index
    %get3A_4 = vector.load %arg1[%get3A_2, %get3A_3] : memref<128x128xf32, #tpu.memory_space<vmem>>, vector<128x128xf32>
    %convert_element_type3A = arith.truncf %get3A_1 : vector<512x128xf32> to vector<512x128xbf16>
    %convert_element_type3A_5 = arith.extf %convert_element_type3A : vector<512x128xbf16> to vector<512x128xf32>
    %sub3A = arith.subf %get3A_1, %convert_element_type3A_5 : vector<512x128xf32>
    %convert_element_type3A_6 = arith.truncf %get3A_4 : vector<128x128xf32> to vector<128x128xbf16>
    %convert_element_type3A_7 = arith.extf %convert_element_type3A_6 : vector<128x128xbf16> to vector<128x128xf32>
    %sub3A_8 = arith.subf %get3A_4, %convert_element_type3A_7 : vector<128x128xf32>
    %convert_element_type3A_9 = arith.truncf %convert_element_type3A_5 : vector<512x128xf32> to vector<512x128xbf16>
    %convert_element_type3A_10 = arith.truncf %convert_element_type3A_7 : vector<128x128xf32> to vector<128x128xbf16>
    %dot_general3A = arith.constant dense<0.000000e+00> : vector<512x128xf32>
    %dot_general3A_11 = tpu.matmul %convert_element_type3A_9, %convert_element_type3A_10, %dot_general3A {dimension_numbers = #tpu.dot_dimension_numbers<[1], [1], [0], [0], [0, 0, 1, 0], [], []>, transpose_lhs_hint = false} : vector<512x128xbf16>, vector<128x128xbf16>, vector<512x128xf32> -> vector<512x128xf32>
    %convert_element_type3A_12 = arith.truncf %sub3A : vector<512x128xf32> to vector<512x128xbf16>
    %convert_element_type3A_13 = arith.truncf %convert_element_type3A_7 : vector<128x128xf32> to vector<128x128xbf16>
    %dot_general3A_14 = arith.constant dense<0.000000e+00> : vector<512x128xf32>
    %dot_general3A_15 = tpu.matmul %convert_element_type3A_12, %convert_element_type3A_13, %dot_general3A_14 {dimension_numbers = #tpu.dot_dimension_numbers<[1], [1], [0], [0], [0, 0, 1, 0], [], []>, transpose_lhs_hint = false} : vector<512x128xbf16>, vector<128x128xbf16>, vector<512x128xf32> -> vector<512x128xf32>
    %convert_element_type3A_16 = arith.truncf %convert_element_type3A_5 : vector<512x128xf32> to vector<512x128xbf16>
    %convert_element_type3A_17 = arith.truncf %sub3A_8 : vector<128x128xf32> to vector<128x128xbf16>
    %dot_general3A_18 = arith.constant dense<0.000000e+00> : vector<512x128xf32>
    %dot_general3A_19 = tpu.matmul %convert_element_type3A_16, %convert_element_type3A_17, %dot_general3A_18 {dimension_numbers = #tpu.dot_dimension_numbers<[1], [1], [0], [0], [0, 0, 1, 0], [], []>, transpose_lhs_hint = false} : vector<512x128xbf16>, vector<128x128xbf16>, vector<512x128xf32> -> vector<512x128xf32>
    %add3A = arith.addf %dot_general3A_15, %dot_general3A_19 : vector<512x128xf32>
    %add3A_20 = arith.addf %dot_general3A_11, %add3A : vector<512x128xf32>
    %swap3A = arith.constant 0 : index
    %swap3A_21 = arith.constant 0 : index
    %swap3A_22 = vector.load %arg3[%swap3A, %swap3A_21] : memref<512x128xf32, #tpu.memory_space<vmem>>, vector<512x128xf32>
    tpu.vector_store %arg3[%swap3A, %swap3A_21], %add3A_20 {strides = array<i32>} : memref<512x128xf32, #tpu.memory_space<vmem>>, vector<512x128xf32>,
    %get3A_23 = arith.constant 0 : index
    %get3A_24 = arith.constant 0 : index
    %get3A_25 = vector.load %arg2[%get3A_23, %get3A_24] : memref<128x128xf32, #tpu.memory_space<vmem>>, vector<128x128xf32>
    %convert_element_type3A_26 = arith.truncf %get3A_1 : vector<512x128xf32> to vector<512x128xbf16>
    %convert_element_type3A_27 = arith.extf %convert_element_type3A_26 : vector<512x128xbf16> to vector<512x128xf32>
    %sub3A_28 = arith.subf %get3A_1, %convert_element_type3A_27 : vector<512x128xf32>
    %convert_element_type3A_29 = arith.truncf %get3A_25 : vector<128x128xf32> to vector<128x128xbf16>
    %convert_element_type3A_30 = arith.extf %convert_element_type3A_29 : vector<128x128xbf16> to vector<128x128xf32>
    %sub3A_31 = arith.subf %get3A_25, %convert_element_type3A_30 : vector<128x128xf32>
    %convert_element_type3A_32 = arith.truncf %convert_element_type3A_27 : vector<512x128xf32> to vector<512x128xbf16>
    %convert_element_type3A_33 = arith.truncf %convert_element_type3A_30 : vector<128x128xf32> to vector<128x128xbf16>
    %dot_general3A_34 = arith.constant dense<0.000000e+00> : vector<512x128xf32>
    %dot_general3A_35 = tpu.matmul %convert_element_type3A_32, %convert_element_type3A_33, %dot_general3A_34 {dimension_numbers = #tpu.dot_dimension_numbers<[1], [1], [0], [0], [0, 0, 1, 0], [], []>, transpose_lhs_hint = false} : vector<512x128xbf16>, vector<128x128xbf16>, vector<512x128xf32> -> vector<512x128xf32>
    %convert_element_type3A_36 = arith.truncf %sub3A_28 : vector<512x128xf32> to vector<512x128xbf16>
    %convert_element_type3A_37 = arith.truncf %convert_element_type3A_30 : vector<128x128xf32> to vector<128x128xbf16>
    %dot_general3A_38 = arith.constant dense<0.000000e+00> : vector<512x128xf32>
    %dot_general3A_39 = tpu.matmul %convert_element_type3A_36, %convert_element_type3A_37, %dot_general3A_38 {dimension_numbers = #tpu.dot_dimension_numbers<[1], [1], [0], [0], [0, 0, 1, 0], [], []>, transpose_lhs_hint = false} : vector<512x128xbf16>, vector<128x128xbf16>, vector<512x128xf32> -> vector<512x128xf32>
    %convert_element_type3A_40 = arith.truncf %convert_element_type3A_27 : vector<512x128xf32> to vector<512x128xbf16>
    %convert_element_type3A_41 = arith.truncf %sub3A_31 : vector<128x128xf32> to vector<128x128xbf16>
    %dot_general3A_42 = arith.constant dense<0.000000e+00> : vector<512x128xf32>
    %dot_general3A_43 = tpu.matmul %convert_element_type3A_40, %convert_element_type3A_41, %dot_general3A_42 {dimension_numbers = #tpu.dot_dimension_numbers<[1], [1], [0], [0], [0, 0, 1, 0], [], []>, transpose_lhs_hint = false} : vector<512x128xbf16>, vector<128x128xbf16>, vector<512x128xf32> -> vector<512x128xf32>
    %add3A_44 = arith.addf %dot_general3A_39, %dot_general3A_43 : vector<512x128xf32>
    %add3A_45 = arith.addf %dot_general3A_35, %add3A_44 : vector<512x128xf32>
    %swap3A_46 = arith.constant 0 : index
    %swap3A_47 = arith.constant 0 : index
    %swap3A_48 = vector.load %arg4[%swap3A_46, %swap3A_47] : memref<512x128xf32, #tpu.memory_space<vmem>>, vector<512x128xf32>
    tpu.vector_store %arg4[%swap3A_46, %swap3A_47], %add3A_45 {strides = array<i32>} : memref<512x128xf32, #tpu.memory_space<vmem>>, vector<512x128xf32>,
    return
  }
}

module attributes {stable_mosaic.version = 14 : i64} {
  func.func @_layer_body(%arg0: i32, %arg1: memref<200x128xf32, #tpu.memory_space<vmem>>, %arg2: memref<1x1x640xi32, #tpu.memory_space<vmem>>, %arg3: memref<1x1x640xf32, #tpu.memory_space<vmem>>, %arg4: memref<1x1x640xf32, #tpu.memory_space<vmem>>, %arg5: memref<512x128xf32, #tpu.memory_space<vmem>>, %arg6: memref<128x128xf32, #tpu.memory_space<vmem>>, %arg7: memref<1x128xf32, #tpu.memory_space<vmem>>, %arg8: memref<1x128xf32, #tpu.memory_space<vmem>>, %arg9: memref<128x128xf32, #tpu.memory_space<vmem>>, %arg10: memref<1x128xf32, #tpu.memory_space<vmem>>, %arg11: memref<1x128xf32, #tpu.memory_space<vmem>>, %arg12: memref<128x128xf32, #tpu.memory_space<vmem>>, %arg13: memref<1x128xf32, #tpu.memory_space<vmem>>, %arg14: memref<1x128xf32, #tpu.memory_space<vmem>>, %arg15: memref<1x128xf32, #tpu.memory_space<vmem>>, %arg16: memref<128x128xf32, #tpu.memory_space<vmem>>, %arg17: memref<1x128xf32, #tpu.memory_space<vmem>>, %arg18: memref<1x128xf32, #tpu.memory_space<vmem>>, %arg19: memref<128x128xf32, #tpu.memory_space<vmem>>, %arg20: memref<1x128xf32, #tpu.memory_space<vmem>>, %arg21: memref<1x128xf32, #tpu.memory_space<vmem>>, %arg22: memref<128x128xf32, #tpu.memory_space<vmem>>, %arg23: memref<128x128xf32, #tpu.memory_space<vmem>>, %arg24: memref<128x128xf32, #tpu.memory_space<vmem>>, %arg25: memref<1x128xf32, #tpu.memory_space<vmem>>, %arg26: memref<1x128xf32, #tpu.memory_space<vmem>>, %arg27: memref<200x128xf32, #tpu.memory_space<vmem>>) attributes {dimension_semantics = [#tpu.dimension_semantics<arbitrary>], iteration_bounds = array<i64: 100>, scalar_prefetch = 0 : i64, scratch_operands = 0 : i64, tpu.core_type = #tpu.core_type<tc>, window_params = [{transform_indices = @transform_0, window_bounds = array<i64: 200, 128>}, {transform_indices = @transform_1, window_bounds = array<i64: 1, 1, 640>}, {transform_indices = @transform_2, window_bounds = array<i64: 1, 1, 640>}, {transform_indices = @transform_3, window_bounds = array<i64: 1, 1, 640>}, {pipeline_mode = #tpu.pipeline_mode<synchronous>, transform_indices = @transform_4, window_bounds = array<i64: 512, 128>}, {pipeline_mode = #tpu.pipeline_mode<synchronous>, transform_indices = @transform_5, window_bounds = array<i64: 128, 128>}, {pipeline_mode = #tpu.pipeline_mode<synchronous>, transform_indices = @transform_6, window_bounds = array<i64: 1, 128>}, {pipeline_mode = #tpu.pipeline_mode<synchronous>, transform_indices = @transform_7, window_bounds = array<i64: 1, 128>}, {pipeline_mode = #tpu.pipeline_mode<synchronous>, transform_indices = @transform_8, window_bounds = array<i64: 128, 128>}, {pipeline_mode = #tpu.pipeline_mode<synchronous>, transform_indices = @transform_9, window_bounds = array<i64: 1, 128>}, {pipeline_mode = #tpu.pipeline_mode<synchronous>, transform_indices = @transform_10, window_bounds = array<i64: 1, 128>}, {pipeline_mode = #tpu.pipeline_mode<synchronous>, transform_indices = @transform_11, window_bounds = array<i64: 128, 128>}, {pipeline_mode = #tpu.pipeline_mode<synchronous>, transform_indices = @transform_12, window_bounds = array<i64: 1, 128>}, {pipeline_mode = #tpu.pipeline_mode<synchronous>, transform_indices = @transform_13, window_bounds = array<i64: 1, 128>}, {pipeline_mode = #tpu.pipeline_mode<synchronous>, transform_indices = @transform_14, window_bounds = array<i64: 1, 128>}, {pipeline_mode = #tpu.pipeline_mode<synchronous>, transform_indices = @transform_15, window_bounds = array<i64: 128, 128>}, {pipeline_mode = #tpu.pipeline_mode<synchronous>, transform_indices = @transform_16, window_bounds = array<i64: 1, 128>}, {pipeline_mode = #tpu.pipeline_mode<synchronous>, transform_indices = @transform_17, window_bounds = array<i64: 1, 128>}, {pipeline_mode = #tpu.pipeline_mode<synchronous>, transform_indices = @transform_18, window_bounds = array<i64: 128, 128>}, {pipeline_mode = #tpu.pipeline_mode<synchronous>, transform_indices = @transform_19, window_bounds = array<i64: 1, 128>}, {pipeline_mode = #tpu.pipeline_mode<synchronous>, transform_indices = @transform_20, window_bounds = array<i64: 1, 128>}, {pipeline_mode = #tpu.pipeline_mode<synchronous>, transform_indices = @transform_21, window_bounds = array<i64: 128, 128>}, {pipeline_mode = #tpu.pipeline_mode<synchronous>, transform_indices = @transform_22, window_bounds = array<i64: 128, 128>}, {pipeline_mode = #tpu.pipeline_mode<synchronous>, transform_indices = @transform_23, window_bounds = array<i64: 128, 128>}, {pipeline_mode = #tpu.pipeline_mode<synchronous>, transform_indices = @transform_24, window_bounds = array<i64: 1, 128>}, {pipeline_mode = #tpu.pipeline_mode<synchronous>, transform_indices = @transform_25, window_bounds = array<i64: 1, 128>}, {transform_indices = @transform_26, window_bounds = array<i64: 200, 128>}]} {
    %get3A = arith.constant 0 : index
    %get3A_0 = arith.constant 0 : index
    %get3A_1 = vector.load %arg1[%get3A, %get3A_0] : memref<200x128xf32, #tpu.memory_space<vmem>>, vector<200x128xf32>
    %get3A_2 = arith.constant 0 : index
    %get3A_3 = arith.constant 0 : index
    %get3A_4 = vector.load %arg6[%get3A_2, %get3A_3] : memref<128x128xf32, #tpu.memory_space<vmem>>, vector<128x128xf32>
    %convert_element_type3A = arith.truncf %get3A_1 : vector<200x128xf32> to vector<200x128xbf16>
    %convert_element_type3A_5 = arith.extf %convert_element_type3A : vector<200x128xbf16> to vector<200x128xf32>
    %sub3A = arith.subf %get3A_1, %convert_element_type3A_5 : vector<200x128xf32>
    %convert_element_type3A_6 = arith.truncf %get3A_4 : vector<128x128xf32> to vector<128x128xbf16>
    %convert_element_type3A_7 = arith.extf %convert_element_type3A_6 : vector<128x128xbf16> to vector<128x128xf32>
    %sub3A_8 = arith.subf %get3A_4, %convert_element_type3A_7 : vector<128x128xf32>
    %convert_element_type3A_9 = arith.truncf %convert_element_type3A_5 : vector<200x128xf32> to vector<200x128xbf16>
    %convert_element_type3A_10 = arith.truncf %convert_element_type3A_7 : vector<128x128xf32> to vector<128x128xbf16>
    %dot_general3A = arith.constant dense<0.000000e+00> : vector<200x128xf32>
    %dot_general3A_11 = tpu.matmul %convert_element_type3A_9, %convert_element_type3A_10, %dot_general3A {dimension_numbers = #tpu.dot_dimension_numbers<[1], [1], [0], [0], [0, 0, 1, 0], [], []>, transpose_lhs_hint = false} : vector<200x128xbf16>, vector<128x128xbf16>, vector<200x128xf32> -> vector<200x128xf32>
    %convert_element_type3A_12 = arith.truncf %sub3A : vector<200x128xf32> to vector<200x128xbf16>
    %convert_element_type3A_13 = arith.truncf %convert_element_type3A_7 : vector<128x128xf32> to vector<128x128xbf16>
    %dot_general3A_14 = arith.constant dense<0.000000e+00> : vector<200x128xf32>
    %dot_general3A_15 = tpu.matmul %convert_element_type3A_12, %convert_element_type3A_13, %dot_general3A_14 {dimension_numbers = #tpu.dot_dimension_numbers<[1], [1], [0], [0], [0, 0, 1, 0], [], []>, transpose_lhs_hint = false} : vector<200x128xbf16>, vector<128x128xbf16>, vector<200x128xf32> -> vector<200x128xf32>
    %convert_element_type3A_16 = arith.truncf %convert_element_type3A_5 : vector<200x128xf32> to vector<200x128xbf16>
    %convert_element_type3A_17 = arith.truncf %sub3A_8 : vector<128x128xf32> to vector<128x128xbf16>
    %dot_general3A_18 = arith.constant dense<0.000000e+00> : vector<200x128xf32>
    %dot_general3A_19 = tpu.matmul %convert_element_type3A_16, %convert_element_type3A_17, %dot_general3A_18 {dimension_numbers = #tpu.dot_dimension_numbers<[1], [1], [0], [0], [0, 0, 1, 0], [], []>, transpose_lhs_hint = false} : vector<200x128xbf16>, vector<128x128xbf16>, vector<200x128xf32> -> vector<200x128xf32>
    %add3A = arith.addf %dot_general3A_15, %dot_general3A_19 : vector<200x128xf32>
    %add3A_20 = arith.addf %dot_general3A_11, %add3A : vector<200x128xf32>
    %get3A_21 = arith.constant 0 : index
    %get3A_22 = arith.constant 0 : index
    %get3A_23 = vector.load %arg7[%get3A_21, %get3A_22] : memref<1x128xf32, #tpu.memory_space<vmem>>, vector<1x128xf32>
    %get3A_24 = arith.constant 0 : index
    %get3A_25 = arith.constant 0 : index
    %get3A_26 = vector.load %arg8[%get3A_24, %get3A_25] : memref<1x128xf32, #tpu.memory_space<vmem>>, vector<1x128xf32>
    %reduce_sum3A = arith.constant dense<0.000000e+00> : vector<200xf32>
    %reduce_sum3A_27 = vector.multi_reduction <add>, %add3A_20, %reduce_sum3A [1] : vector<200x128xf32> to vector<200xf32>
    %broadcast_in_dim3A = vector.shape_cast %reduce_sum3A_27 : vector<200xf32> to vector<200x1xf32>
    %div3A = arith.constant 1.280000e+02 : f32
    %div3A_28 = vector.broadcast %div3A : f32 to vector<200x1xf32>
    %div3A_29 = arith.divf %broadcast_in_dim3A, %div3A_28 : vector<200x1xf32>
    %sub3A_30 = vector.broadcast %div3A_29 : vector<200x1xf32> to vector<200x128xf32>
    %sub3A_31 = arith.subf %add3A_20, %sub3A_30 : vector<200x128xf32>
    %mul3A = arith.mulf %sub3A_31, %sub3A_31 : vector<200x128xf32>
    %reduce_sum3A_32 = arith.constant dense<0.000000e+00> : vector<200xf32>
    %reduce_sum3A_33 = vector.multi_reduction <add>, %mul3A, %reduce_sum3A_32 [1] : vector<200x128xf32> to vector<200xf32>
    %broadcast_in_dim3A_34 = vector.shape_cast %reduce_sum3A_33 : vector<200xf32> to vector<200x1xf32>
    %div3A_35 = arith.constant 1.280000e+02 : f32
    %div3A_36 = vector.broadcast %div3A_35 : f32 to vector<200x1xf32>
    %div3A_37 = arith.divf %broadcast_in_dim3A_34, %div3A_36 : vector<200x1xf32>
    %add3A_38 = arith.constant 9.99999974E-6 : f32
    %add3A_39 = vector.broadcast %add3A_38 : f32 to vector<200x1xf32>
    %add3A_40 = arith.addf %div3A_37, %add3A_39 : vector<200x1xf32>
    %sqrt3A = math.sqrt %add3A_40 : vector<200x1xf32>
    %div3A_41 = vector.broadcast %sqrt3A : vector<200x1xf32> to vector<200x128xf32>
    %div3A_42 = arith.divf %sub3A_31, %div3A_41 : vector<200x128xf32>
    %mul3A_43 = vector.broadcast %get3A_23 : vector<1x128xf32> to vector<200x128xf32>
    %mul3A_44 = arith.mulf %div3A_42, %mul3A_43 : vector<200x128xf32>
    %add3A_45 = vector.broadcast %get3A_26 : vector<1x128xf32> to vector<200x128xf32>
    %add3A_46 = arith.addf %mul3A_44, %add3A_45 : vector<200x128xf32>
    %max3A = arith.constant 0.000000e+00 : f32
    %max3A_47 = vector.broadcast %max3A : f32 to vector<200x128xf32>
    %max3A_48 = arith.maximumf %add3A_46, %max3A_47 : vector<200x128xf32>
    %get3A_49 = arith.constant 0 : index
    %get3A_50 = arith.constant 0 : index
    %get3A_51 = vector.load %arg9[%get3A_49, %get3A_50] : memref<128x128xf32, #tpu.memory_space<vmem>>, vector<128x128xf32>
    %convert_element_type3A_52 = arith.truncf %max3A_48 : vector<200x128xf32> to vector<200x128xbf16>
    %convert_element_type3A_53 = arith.extf %convert_element_type3A_52 : vector<200x128xbf16> to vector<200x128xf32>
    %sub3A_54 = arith.subf %max3A_48, %convert_element_type3A_53 : vector<200x128xf32>
    %convert_element_type3A_55 = arith.truncf %get3A_51 : vector<128x128xf32> to vector<128x128xbf16>
    %convert_element_type3A_56 = arith.extf %convert_element_type3A_55 : vector<128x128xbf16> to vector<128x128xf32>
    %sub3A_57 = arith.subf %get3A_51, %convert_element_type3A_56 : vector<128x128xf32>
    %convert_element_type3A_58 = arith.truncf %convert_element_type3A_53 : vector<200x128xf32> to vector<200x128xbf16>
    %convert_element_type3A_59 = arith.truncf %convert_element_type3A_56 : vector<128x128xf32> to vector<128x128xbf16>
    %dot_general3A_60 = arith.constant dense<0.000000e+00> : vector<200x128xf32>
    %dot_general3A_61 = tpu.matmul %convert_element_type3A_58, %convert_element_type3A_59, %dot_general3A_60 {dimension_numbers = #tpu.dot_dimension_numbers<[1], [1], [0], [0], [0, 0, 1, 0], [], []>, transpose_lhs_hint = false} : vector<200x128xbf16>, vector<128x128xbf16>, vector<200x128xf32> -> vector<200x128xf32>
    %convert_element_type3A_62 = arith.truncf %sub3A_54 : vector<200x128xf32> to vector<200x128xbf16>
    %convert_element_type3A_63 = arith.truncf %convert_element_type3A_56 : vector<128x128xf32> to vector<128x128xbf16>
    %dot_general3A_64 = arith.constant dense<0.000000e+00> : vector<200x128xf32>
    %dot_general3A_65 = tpu.matmul %convert_element_type3A_62, %convert_element_type3A_63, %dot_general3A_64 {dimension_numbers = #tpu.dot_dimension_numbers<[1], [1], [0], [0], [0, 0, 1, 0], [], []>, transpose_lhs_hint = false} : vector<200x128xbf16>, vector<128x128xbf16>, vector<200x128xf32> -> vector<200x128xf32>
    %convert_element_type3A_66 = arith.truncf %convert_element_type3A_53 : vector<200x128xf32> to vector<200x128xbf16>
    %convert_element_type3A_67 = arith.truncf %sub3A_57 : vector<128x128xf32> to vector<128x128xbf16>
    %dot_general3A_68 = arith.constant dense<0.000000e+00> : vector<200x128xf32>
    %dot_general3A_69 = tpu.matmul %convert_element_type3A_66, %convert_element_type3A_67, %dot_general3A_68 {dimension_numbers = #tpu.dot_dimension_numbers<[1], [1], [0], [0], [0, 0, 1, 0], [], []>, transpose_lhs_hint = false} : vector<200x128xbf16>, vector<128x128xbf16>, vector<200x128xf32> -> vector<200x128xf32>
    %add3A_70 = arith.addf %dot_general3A_65, %dot_general3A_69 : vector<200x128xf32>
    %add3A_71 = arith.addf %dot_general3A_61, %add3A_70 : vector<200x128xf32>
    %get3A_72 = arith.constant 0 : index
    %get3A_73 = arith.constant 0 : index
    %get3A_74 = vector.load %arg10[%get3A_72, %get3A_73] : memref<1x128xf32, #tpu.memory_space<vmem>>, vector<1x128xf32>
    %get3A_75 = arith.constant 0 : index
    %get3A_76 = arith.constant 0 : index
    %get3A_77 = vector.load %arg11[%get3A_75, %get3A_76] : memref<1x128xf32, #tpu.memory_space<vmem>>, vector<1x128xf32>
    %reduce_sum3A_78 = arith.constant dense<0.000000e+00> : vector<200xf32>
    %reduce_sum3A_79 = vector.multi_reduction <add>, %add3A_71, %reduce_sum3A_78 [1] : vector<200x128xf32> to vector<200xf32>
    %broadcast_in_dim3A_80 = vector.shape_cast %reduce_sum3A_79 : vector<200xf32> to vector<200x1xf32>
    %div3A_81 = arith.constant 1.280000e+02 : f32
    %div3A_82 = vector.broadcast %div3A_81 : f32 to vector<200x1xf32>
    %div3A_83 = arith.divf %broadcast_in_dim3A_80, %div3A_82 : vector<200x1xf32>
    %sub3A_84 = vector.broadcast %div3A_83 : vector<200x1xf32> to vector<200x128xf32>
    %sub3A_85 = arith.subf %add3A_71, %sub3A_84 : vector<200x128xf32>
    %mul3A_86 = arith.mulf %sub3A_85, %sub3A_85 : vector<200x128xf32>
    %reduce_sum3A_87 = arith.constant dense<0.000000e+00> : vector<200xf32>
    %reduce_sum3A_88 = vector.multi_reduction <add>, %mul3A_86, %reduce_sum3A_87 [1] : vector<200x128xf32> to vector<200xf32>
    %broadcast_in_dim3A_89 = vector.shape_cast %reduce_sum3A_88 : vector<200xf32> to vector<200x1xf32>
    %div3A_90 = arith.constant 1.280000e+02 : f32
    %div3A_91 = vector.broadcast %div3A_90 : f32 to vector<200x1xf32>
    %div3A_92 = arith.divf %broadcast_in_dim3A_89, %div3A_91 : vector<200x1xf32>
    %add3A_93 = arith.constant 9.99999974E-6 : f32
    %add3A_94 = vector.broadcast %add3A_93 : f32 to vector<200x1xf32>
    %add3A_95 = arith.addf %div3A_92, %add3A_94 : vector<200x1xf32>
    %sqrt3A_96 = math.sqrt %add3A_95 : vector<200x1xf32>
    %div3A_97 = vector.broadcast %sqrt3A_96 : vector<200x1xf32> to vector<200x128xf32>
    %div3A_98 = arith.divf %sub3A_85, %div3A_97 : vector<200x128xf32>
    %mul3A_99 = vector.broadcast %get3A_74 : vector<1x128xf32> to vector<200x128xf32>
    %mul3A_100 = arith.mulf %div3A_98, %mul3A_99 : vector<200x128xf32>
    %add3A_101 = vector.broadcast %get3A_77 : vector<1x128xf32> to vector<200x128xf32>
    %add3A_102 = arith.addf %mul3A_100, %add3A_101 : vector<200x128xf32>
    %max3A_103 = arith.constant 0.000000e+00 : f32
    %max3A_104 = vector.broadcast %max3A_103 : f32 to vector<200x128xf32>
    %max3A_105 = arith.maximumf %add3A_102, %max3A_104 : vector<200x128xf32>
    %get3A_106 = arith.constant 0 : index
    %get3A_107 = arith.constant 0 : index
    %get3A_108 = vector.load %arg12[%get3A_106, %get3A_107] : memref<128x128xf32, #tpu.memory_space<vmem>>, vector<128x128xf32>
    %convert_element_type3A_109 = arith.truncf %max3A_105 : vector<200x128xf32> to vector<200x128xbf16>
    %convert_element_type3A_110 = arith.extf %convert_element_type3A_109 : vector<200x128xbf16> to vector<200x128xf32>
    %sub3A_111 = arith.subf %max3A_105, %convert_element_type3A_110 : vector<200x128xf32>
    %convert_element_type3A_112 = arith.truncf %get3A_108 : vector<128x128xf32> to vector<128x128xbf16>
    %convert_element_type3A_113 = arith.extf %convert_element_type3A_112 : vector<128x128xbf16> to vector<128x128xf32>
    %sub3A_114 = arith.subf %get3A_108, %convert_element_type3A_113 : vector<128x128xf32>
    %convert_element_type3A_115 = arith.truncf %convert_element_type3A_110 : vector<200x128xf32> to vector<200x128xbf16>
    %convert_element_type3A_116 = arith.truncf %convert_element_type3A_113 : vector<128x128xf32> to vector<128x128xbf16>
    %dot_general3A_117 = arith.constant dense<0.000000e+00> : vector<200x128xf32>
    %dot_general3A_118 = tpu.matmul %convert_element_type3A_115, %convert_element_type3A_116, %dot_general3A_117 {dimension_numbers = #tpu.dot_dimension_numbers<[1], [1], [0], [0], [0, 0, 1, 0], [], []>, transpose_lhs_hint = false} : vector<200x128xbf16>, vector<128x128xbf16>, vector<200x128xf32> -> vector<200x128xf32>
    %convert_element_type3A_119 = arith.truncf %sub3A_111 : vector<200x128xf32> to vector<200x128xbf16>
    %convert_element_type3A_120 = arith.truncf %convert_element_type3A_113 : vector<128x128xf32> to vector<128x128xbf16>
    %dot_general3A_121 = arith.constant dense<0.000000e+00> : vector<200x128xf32>
    %dot_general3A_122 = tpu.matmul %convert_element_type3A_119, %convert_element_type3A_120, %dot_general3A_121 {dimension_numbers = #tpu.dot_dimension_numbers<[1], [1], [0], [0], [0, 0, 1, 0], [], []>, transpose_lhs_hint = false} : vector<200x128xbf16>, vector<128x128xbf16>, vector<200x128xf32> -> vector<200x128xf32>
    %convert_element_type3A_123 = arith.truncf %convert_element_type3A_110 : vector<200x128xf32> to vector<200x128xbf16>
    %convert_element_type3A_124 = arith.truncf %sub3A_114 : vector<128x128xf32> to vector<128x128xbf16>
    %dot_general3A_125 = arith.constant dense<0.000000e+00> : vector<200x128xf32>
    %dot_general3A_126 = tpu.matmul %convert_element_type3A_123, %convert_element_type3A_124, %dot_general3A_125 {dimension_numbers = #tpu.dot_dimension_numbers<[1], [1], [0], [0], [0, 0, 1, 0], [], []>, transpose_lhs_hint = false} : vector<200x128xbf16>, vector<128x128xbf16>, vector<200x128xf32> -> vector<200x128xf32>
    %add3A_127 = arith.addf %dot_general3A_122, %dot_general3A_126 : vector<200x128xf32>
    %add3A_128 = arith.addf %dot_general3A_118, %add3A_127 : vector<200x128xf32>
    %get3A_129 = arith.constant 0 : index
    %get3A_130 = arith.constant 0 : index
    %get3A_131 = vector.load %arg23[%get3A_129, %get3A_130] : memref<128x128xf32, #tpu.memory_space<vmem>>, vector<128x128xf32>
    %convert_element_type3A_132 = arith.truncf %max3A_48 : vector<200x128xf32> to vector<200x128xbf16>
    %convert_element_type3A_133 = arith.extf %convert_element_type3A_132 : vector<200x128xbf16> to vector<200x128xf32>
    %sub3A_134 = arith.subf %max3A_48, %convert_element_type3A_133 : vector<200x128xf32>
    %convert_element_type3A_135 = arith.truncf %get3A_131 : vector<128x128xf32> to vector<128x128xbf16>
    %convert_element_type3A_136 = arith.extf %convert_element_type3A_135 : vector<128x128xbf16> to vector<128x128xf32>
    %sub3A_137 = arith.subf %get3A_131, %convert_element_type3A_136 : vector<128x128xf32>
    %convert_element_type3A_138 = arith.truncf %convert_element_type3A_133 : vector<200x128xf32> to vector<200x128xbf16>
    %convert_element_type3A_139 = arith.truncf %convert_element_type3A_136 : vector<128x128xf32> to vector<128x128xbf16>
    %dot_general3A_140 = arith.constant dense<0.000000e+00> : vector<200x128xf32>
    %dot_general3A_141 = tpu.matmul %convert_element_type3A_138, %convert_element_type3A_139, %dot_general3A_140 {dimension_numbers = #tpu.dot_dimension_numbers<[1], [1], [0], [0], [0, 0, 1, 0], [], []>, transpose_lhs_hint = false} : vector<200x128xbf16>, vector<128x128xbf16>, vector<200x128xf32> -> vector<200x128xf32>
    %convert_element_type3A_142 = arith.truncf %sub3A_134 : vector<200x128xf32> to vector<200x128xbf16>
    %convert_element_type3A_143 = arith.truncf %convert_element_type3A_136 : vector<128x128xf32> to vector<128x128xbf16>
    %dot_general3A_144 = arith.constant dense<0.000000e+00> : vector<200x128xf32>
    %dot_general3A_145 = tpu.matmul %convert_element_type3A_142, %convert_element_type3A_143, %dot_general3A_144 {dimension_numbers = #tpu.dot_dimension_numbers<[1], [1], [0], [0], [0, 0, 1, 0], [], []>, transpose_lhs_hint = false} : vector<200x128xbf16>, vector<128x128xbf16>, vector<200x128xf32> -> vector<200x128xf32>
    %convert_element_type3A_146 = arith.truncf %convert_element_type3A_133 : vector<200x128xf32> to vector<200x128xbf16>
    %convert_element_type3A_147 = arith.truncf %sub3A_137 : vector<128x128xf32> to vector<128x128xbf16>
    %dot_general3A_148 = arith.constant dense<0.000000e+00> : vector<200x128xf32>
    %dot_general3A_149 = tpu.matmul %convert_element_type3A_146, %convert_element_type3A_147, %dot_general3A_148 {dimension_numbers = #tpu.dot_dimension_numbers<[1], [1], [0], [0], [0, 0, 1, 0], [], []>, transpose_lhs_hint = false} : vector<200x128xbf16>, vector<128x128xbf16>, vector<200x128xf32> -> vector<200x128xf32>
    %add3A_150 = arith.addf %dot_general3A_145, %dot_general3A_149 : vector<200x128xf32>
    %add3A_151 = arith.addf %dot_general3A_141, %add3A_150 : vector<200x128xf32>
    %get3A_152 = arith.constant 0 : index
    %get3A_153 = arith.constant 0 : index
    %get3A_154 = arith.constant 0 : index
    %get3A_155 = vector.load %arg2[%get3A_152, %get3A_153, %get3A_154] : memref<1x1x640xi32, #tpu.memory_space<vmem>>, vector<1x1x640xi32>
    %get3A_156 = vector.shape_cast %get3A_155 : vector<1x1x640xi32> to vector<640xi32>
    %jit3A = arith.constant 512 : i32
    %div3A_157 = vector.broadcast %jit3A : i32 to vector<640xi32>
    %div3A_158 = arith.divsi %get3A_156, %div3A_157 : vector<640xi32>
    %sign3A = arith.constant 0 : i32
    %sign3A_159 = vector.broadcast %sign3A : i32 to vector<640xi32>
    %sign3A_160 = arith.cmpi sgt, %get3A_156, %sign3A_159 : vector<640xi32>
    %sign3A_161 = arith.extui %sign3A_160 : vector<640xi1> to vector<640xi32>
    %sign3A_162 = arith.constant 0 : i32
    %sign3A_163 = vector.broadcast %sign3A_162 : i32 to vector<640xi32>
    %sign3A_164 = arith.cmpi slt, %get3A_156, %sign3A_163 : vector<640xi32>
    %sign3A_165 = arith.extui %sign3A_164 : vector<640xi1> to vector<640xi32>
    %sign3A_166 = arith.subi %sign3A_161, %sign3A_165 : vector<640xi32>
    %sign3A_167 = arith.constant 0 : i32
    %sign3A_168 = arith.cmpi sgt, %jit3A, %sign3A_167 : i32
    %sign3A_169 = arith.extui %sign3A_168 : i1 to i32
    %sign3A_170 = arith.constant 0 : i32
    %sign3A_171 = arith.cmpi slt, %jit3A, %sign3A_170 : i32
    %sign3A_172 = arith.extui %sign3A_171 : i1 to i32
    %sign3A_173 = arith.subi %sign3A_169, %sign3A_172 : i32
    %ne3A = vector.broadcast %sign3A_173 : i32 to vector<640xi32>
    %ne3A_174 = arith.cmpi ne, %sign3A_166, %ne3A : vector<640xi32>
    %rem3A = vector.broadcast %jit3A : i32 to vector<640xi32>
    %rem3A_175 = arith.remsi %get3A_156, %rem3A : vector<640xi32>
    %ne3A_176 = arith.constant 0 : i32
    %ne3A_177 = vector.broadcast %ne3A_176 : i32 to vector<640xi32>
    %ne3A_178 = arith.cmpi ne, %rem3A_175, %ne3A_177 : vector<640xi32>
    %and3A = arith.andi %ne3A_174, %ne3A_178 : vector<640xi1>
    %sub3A_179 = arith.constant 1 : i32
    %sub3A_180 = vector.broadcast %sub3A_179 : i32 to vector<640xi32>
    %sub3A_181 = arith.subi %div3A_158, %sub3A_180 : vector<640xi32>
    %select_n3A = arith.select %and3A, %sub3A_181, %div3A_158 : vector<640xi1>, vector<640xi32>
    %jit3A_182 = arith.constant 512 : i32
    %eq3A = arith.constant 0 : i32
    %eq3A_183 = arith.cmpi eq, %jit3A_182, %eq3A : i32
    %jit3A_184 = arith.constant 1 : i32
    %select_n3A_185 = arith.select %eq3A_183, %jit3A_184, %jit3A_182 : i32
    %rem3A_186 = vector.broadcast %select_n3A_185 : i32 to vector<640xi32>
    %rem3A_187 = arith.remsi %get3A_156, %rem3A_186 : vector<640xi32>
    %ne3A_188 = arith.constant 0 : i32
    %ne3A_189 = vector.broadcast %ne3A_188 : i32 to vector<640xi32>
    %ne3A_190 = arith.cmpi ne, %rem3A_187, %ne3A_189 : vector<640xi32>
    %lt3A = arith.constant 0 : i32
    %lt3A_191 = vector.broadcast %lt3A : i32 to vector<640xi32>
    %lt3A_192 = arith.cmpi slt, %rem3A_187, %lt3A_191 : vector<640xi32>
    %lt3A_193 = arith.constant 0 : i32
    %lt3A_194 = arith.cmpi slt, %select_n3A_185, %lt3A_193 : i32
    %ne3A_195 = vector.broadcast %lt3A_194 : i1 to vector<640xi1>
    %ne3A_196 = vector.broadcast %ne3A_195 : vector<640xi1> to vector<640xi1>
    %ne3A_197 = arith.xori %lt3A_192, %ne3A_196 : vector<640xi1>
    %and3A_198 = arith.andi %ne3A_197, %ne3A_190 : vector<640xi1>
    %add3A_199 = vector.broadcast %select_n3A_185 : i32 to vector<640xi32>
    %add3A_200 = arith.addi %rem3A_187, %add3A_199 : vector<640xi32>
    %select_n3A_201 = arith.select %and3A_198, %add3A_200, %rem3A_187 : vector<640xi1>, vector<640xi32>
    %iota3A = tpu.iota {dimensions = array<i32: 1>} : vector<640x200xi32>
    %broadcast_in_dim3A_202 = vector.shape_cast %select_n3A : vector<640xi32> to vector<640x1xi32>
    %eq3A_203 = vector.broadcast %broadcast_in_dim3A_202 : vector<640x1xi32> to vector<640x200xi32>
    %eq3A_204 = arith.cmpi eq, %iota3A, %eq3A_203 : vector<640x200xi32>
    %convert_element_type3A_205 = arith.extui %eq3A_204 : vector<640x200xi1> to vector<640x200xi32>
    %convert_element_type3A_206 = arith.sitofp %convert_element_type3A_205 : vector<640x200xi32> to vector<640x200xf32>
    %convert_element_type3A_207 = arith.truncf %convert_element_type3A_206 : vector<640x200xf32> to vector<640x200xbf16>
    %iota3A_208 = tpu.iota {dimensions = array<i32: 1>} : vector<640x512xi32>
    %broadcast_in_dim3A_209 = vector.shape_cast %select_n3A_201 : vector<640xi32> to vector<640x1xi32>
    %eq3A_210 = vector.broadcast %broadcast_in_dim3A_209 : vector<640x1xi32> to vector<640x512xi32>
    %eq3A_211 = arith.cmpi eq, %iota3A_208, %eq3A_210 : vector<640x512xi32>
    %convert_element_type3A_212 = arith.extui %eq3A_211 : vector<640x512xi1> to vector<640x512xi32>
    %convert_element_type3A_213 = arith.sitofp %convert_element_type3A_212 : vector<640x512xi32> to vector<640x512xf32>
    %convert_element_type3A_214 = arith.truncf %convert_element_type3A_213 : vector<640x512xf32> to vector<640x512xbf16>
    %convert_element_type3A_215 = arith.truncf %add3A_128 : vector<200x128xf32> to vector<200x128xbf16>
    %convert_element_type3A_216 = arith.extf %convert_element_type3A_215 : vector<200x128xbf16> to vector<200x128xf32>
    %sub3A_217 = arith.subf %add3A_128, %convert_element_type3A_216 : vector<200x128xf32>
    %convert_element_type3A_218 = arith.truncf %convert_element_type3A_216 : vector<200x128xf32> to vector<200x128xbf16>
    %dot_general3A_219 = arith.constant dense<0.000000e+00> : vector<640x128xf32>
    %dot_general3A_220 = tpu.matmul %convert_element_type3A_207, %convert_element_type3A_218, %dot_general3A_219 {dimension_numbers = #tpu.dot_dimension_numbers<[1], [0], [0], [1], [0, 0, 1, 1], [], []>, transpose_lhs_hint = false} : vector<640x200xbf16>, vector<200x128xbf16>, vector<640x128xf32> -> vector<640x128xf32>
    %convert_element_type3A_221 = arith.truncf %sub3A_217 : vector<200x128xf32> to vector<200x128xbf16>
    %dot_general3A_222 = arith.constant dense<0.000000e+00> : vector<640x128xf32>
    %dot_general3A_223 = tpu.matmul %convert_element_type3A_207, %convert_element_type3A_221, %dot_general3A_222 {dimension_numbers = #tpu.dot_dimension_numbers<[1], [0], [0], [1], [0, 0, 1, 1], [], []>, transpose_lhs_hint = false} : vector<640x200xbf16>, vector<200x128xbf16>, vector<640x128xf32> -> vector<640x128xf32>
    %add3A_224 = arith.addf %dot_general3A_220, %dot_general3A_223 : vector<640x128xf32>
    %get3A_225 = arith.constant 0 : index
    %get3A_226 = arith.constant 0 : index
    %get3A_227 = vector.load %arg5[%get3A_225, %get3A_226] : memref<512x128xf32, #tpu.memory_space<vmem>>, vector<512x128xf32>
    %convert_element_type3A_228 = arith.truncf %get3A_227 : vector<512x128xf32> to vector<512x128xbf16>
    %convert_element_type3A_229 = arith.extf %convert_element_type3A_228 : vector<512x128xbf16> to vector<512x128xf32>
    %sub3A_230 = arith.subf %get3A_227, %convert_element_type3A_229 : vector<512x128xf32>
    %convert_element_type3A_231 = arith.truncf %convert_element_type3A_229 : vector<512x128xf32> to vector<512x128xbf16>
    %dot_general3A_232 = arith.constant dense<0.000000e+00> : vector<640x128xf32>
    %dot_general3A_233 = tpu.matmul %convert_element_type3A_214, %convert_element_type3A_231, %dot_general3A_232 {dimension_numbers = #tpu.dot_dimension_numbers<[1], [0], [0], [1], [0, 0, 1, 1], [], []>, transpose_lhs_hint = false} : vector<640x512xbf16>, vector<512x128xbf16>, vector<640x128xf32> -> vector<640x128xf32>
    %convert_element_type3A_234 = arith.truncf %sub3A_230 : vector<512x128xf32> to vector<512x128xbf16>
    %dot_general3A_235 = arith.constant dense<0.000000e+00> : vector<640x128xf32>
    %dot_general3A_236 = tpu.matmul %convert_element_type3A_214, %convert_element_type3A_234, %dot_general3A_235 {dimension_numbers = #tpu.dot_dimension_numbers<[1], [0], [0], [1], [0, 0, 1, 1], [], []>, transpose_lhs_hint = false} : vector<640x512xbf16>, vector<512x128xbf16>, vector<640x128xf32> -> vector<640x128xf32>
    %add3A_237 = arith.addf %dot_general3A_233, %dot_general3A_236 : vector<640x128xf32>
    %get3A_238 = arith.constant 0 : index
    %get3A_239 = arith.constant 0 : index
    %get3A_240 = arith.constant 0 : index
    %get3A_241 = vector.load %arg3[%get3A_238, %get3A_239, %get3A_240] : memref<1x1x640xf32, #tpu.memory_space<vmem>>, vector<1x1x640xf32>
    %get3A_242 = vector.shape_cast %get3A_241 : vector<1x1x640xf32> to vector<640xf32>
    %broadcast_in_dim3A_243 = vector.shape_cast %get3A_242 : vector<640xf32> to vector<640x1xf32>
    %get3A_244 = arith.constant 0 : index
    %get3A_245 = arith.constant 0 : index
    %get3A_246 = arith.constant 0 : index
    %get3A_247 = vector.load %arg4[%get3A_244, %get3A_245, %get3A_246] : memref<1x1x640xf32, #tpu.memory_space<vmem>>, vector<1x1x640xf32>
    %get3A_248 = vector.shape_cast %get3A_247 : vector<1x1x640xf32> to vector<640xf32>
    %broadcast_in_dim3A_249 = vector.shape_cast %get3A_248 : vector<640xf32> to vector<640x1xf32>
    %get3A_250 = arith.constant 0 : index
    %get3A_251 = arith.constant 0 : index
    %get3A_252 = vector.load %arg13[%get3A_250, %get3A_251] : memref<1x128xf32, #tpu.memory_space<vmem>>, vector<1x128xf32>
    %mul3A_253 = vector.broadcast %broadcast_in_dim3A_243 : vector<640x1xf32> to vector<640x128xf32>
    %mul3A_254 = vector.broadcast %get3A_252 : vector<1x128xf32> to vector<640x128xf32>
    %mul3A_255 = arith.mulf %mul3A_253, %mul3A_254 : vector<640x128xf32>
    %get3A_256 = arith.constant 0 : index
    %get3A_257 = arith.constant 0 : index
    %get3A_258 = vector.load %arg14[%get3A_256, %get3A_257] : memref<1x128xf32, #tpu.memory_space<vmem>>, vector<1x128xf32>
    %mul3A_259 = vector.broadcast %broadcast_in_dim3A_249 : vector<640x1xf32> to vector<640x128xf32>
    %mul3A_260 = vector.broadcast %get3A_258 : vector<1x128xf32> to vector<640x128xf32>
    %mul3A_261 = arith.mulf %mul3A_259, %mul3A_260 : vector<640x128xf32>
    %add3A_262 = arith.addf %mul3A_255, %mul3A_261 : vector<640x128xf32>
    %get3A_263 = arith.constant 0 : index
    %get3A_264 = arith.constant 0 : index
    %get3A_265 = vector.load %arg15[%get3A_263, %get3A_264] : memref<1x128xf32, #tpu.memory_space<vmem>>, vector<1x128xf32>
    %add3A_266 = vector.broadcast %get3A_265 : vector<1x128xf32> to vector<640x128xf32>
    %add3A_267 = arith.addf %add3A_262, %add3A_266 : vector<640x128xf32>
    %max3A_268 = arith.constant 0.000000e+00 : f32
    %max3A_269 = vector.broadcast %max3A_268 : f32 to vector<640x128xf32>
    %max3A_270 = arith.maximumf %add3A_267, %max3A_269 : vector<640x128xf32>
    %get3A_271 = arith.constant 0 : index
    %get3A_272 = arith.constant 0 : index
    %get3A_273 = vector.load %arg16[%get3A_271, %get3A_272] : memref<128x128xf32, #tpu.memory_space<vmem>>, vector<128x128xf32>
    %convert_element_type3A_274 = arith.truncf %max3A_270 : vector<640x128xf32> to vector<640x128xbf16>
    %convert_element_type3A_275 = arith.extf %convert_element_type3A_274 : vector<640x128xbf16> to vector<640x128xf32>
    %sub3A_276 = arith.subf %max3A_270, %convert_element_type3A_275 : vector<640x128xf32>
    %convert_element_type3A_277 = arith.truncf %get3A_273 : vector<128x128xf32> to vector<128x128xbf16>
    %convert_element_type3A_278 = arith.extf %convert_element_type3A_277 : vector<128x128xbf16> to vector<128x128xf32>
    %sub3A_279 = arith.subf %get3A_273, %convert_element_type3A_278 : vector<128x128xf32>
    %convert_element_type3A_280 = arith.truncf %convert_element_type3A_275 : vector<640x128xf32> to vector<640x128xbf16>
    %convert_element_type3A_281 = arith.truncf %convert_element_type3A_278 : vector<128x128xf32> to vector<128x128xbf16>
    %dot_general3A_282 = arith.constant dense<0.000000e+00> : vector<640x128xf32>
    %dot_general3A_283 = tpu.matmul %convert_element_type3A_280, %convert_element_type3A_281, %dot_general3A_282 {dimension_numbers = #tpu.dot_dimension_numbers<[1], [1], [0], [0], [0, 0, 1, 0], [], []>, transpose_lhs_hint = false} : vector<640x128xbf16>, vector<128x128xbf16>, vector<640x128xf32> -> vector<640x128xf32>
    %convert_element_type3A_284 = arith.truncf %sub3A_276 : vector<640x128xf32> to vector<640x128xbf16>
    %convert_element_type3A_285 = arith.truncf %convert_element_type3A_278 : vector<128x128xf32> to vector<128x128xbf16>
    %dot_general3A_286 = arith.constant dense<0.000000e+00> : vector<640x128xf32>
    %dot_general3A_287 = tpu.matmul %convert_element_type3A_284, %convert_element_type3A_285, %dot_general3A_286 {dimension_numbers = #tpu.dot_dimension_numbers<[1], [1], [0], [0], [0, 0, 1, 0], [], []>, transpose_lhs_hint = false} : vector<640x128xbf16>, vector<128x128xbf16>, vector<640x128xf32> -> vector<640x128xf32>
    %convert_element_type3A_288 = arith.truncf %convert_element_type3A_275 : vector<640x128xf32> to vector<640x128xbf16>
    %convert_element_type3A_289 = arith.truncf %sub3A_279 : vector<128x128xf32> to vector<128x128xbf16>
    %dot_general3A_290 = arith.constant dense<0.000000e+00> : vector<640x128xf32>
    %dot_general3A_291 = tpu.matmul %convert_element_type3A_288, %convert_element_type3A_289, %dot_general3A_290 {dimension_numbers = #tpu.dot_dimension_numbers<[1], [1], [0], [0], [0, 0, 1, 0], [], []>, transpose_lhs_hint = false} : vector<640x128xbf16>, vector<128x128xbf16>, vector<640x128xf32> -> vector<640x128xf32>
    %add3A_292 = arith.addf %dot_general3A_287, %dot_general3A_291 : vector<640x128xf32>
    %add3A_293 = arith.addf %dot_general3A_283, %add3A_292 : vector<640x128xf32>
    %get3A_294 = arith.constant 0 : index
    %get3A_295 = arith.constant 0 : index
    %get3A_296 = vector.load %arg17[%get3A_294, %get3A_295] : memref<1x128xf32, #tpu.memory_space<vmem>>, vector<1x128xf32>
    %get3A_297 = arith.constant 0 : index
    %get3A_298 = arith.constant 0 : index
    %get3A_299 = vector.load %arg18[%get3A_297, %get3A_298] : memref<1x128xf32, #tpu.memory_space<vmem>>, vector<1x128xf32>
    %reduce_sum3A_300 = arith.constant dense<0.000000e+00> : vector<640xf32>
    %reduce_sum3A_301 = vector.multi_reduction <add>, %add3A_293, %reduce_sum3A_300 [1] : vector<640x128xf32> to vector<640xf32>
    %broadcast_in_dim3A_302 = vector.shape_cast %reduce_sum3A_301 : vector<640xf32> to vector<640x1xf32>
    %div3A_303 = arith.constant 1.280000e+02 : f32
    %div3A_304 = vector.broadcast %div3A_303 : f32 to vector<640x1xf32>
    %div3A_305 = arith.divf %broadcast_in_dim3A_302, %div3A_304 : vector<640x1xf32>
    %sub3A_306 = vector.broadcast %div3A_305 : vector<640x1xf32> to vector<640x128xf32>
    %sub3A_307 = arith.subf %add3A_293, %sub3A_306 : vector<640x128xf32>
    %mul3A_308 = arith.mulf %sub3A_307, %sub3A_307 : vector<640x128xf32>
    %reduce_sum3A_309 = arith.constant dense<0.000000e+00> : vector<640xf32>
    %reduce_sum3A_310 = vector.multi_reduction <add>, %mul3A_308, %reduce_sum3A_309 [1] : vector<640x128xf32> to vector<640xf32>
    %broadcast_in_dim3A_311 = vector.shape_cast %reduce_sum3A_310 : vector<640xf32> to vector<640x1xf32>
    %div3A_312 = arith.constant 1.280000e+02 : f32
    %div3A_313 = vector.broadcast %div3A_312 : f32 to vector<640x1xf32>
    %div3A_314 = arith.divf %broadcast_in_dim3A_311, %div3A_313 : vector<640x1xf32>
    %add3A_315 = arith.constant 9.99999974E-6 : f32
    %add3A_316 = vector.broadcast %add3A_315 : f32 to vector<640x1xf32>
    %add3A_317 = arith.addf %div3A_314, %add3A_316 : vector<640x1xf32>
    %sqrt3A_318 = math.sqrt %add3A_317 : vector<640x1xf32>
    %div3A_319 = vector.broadcast %sqrt3A_318 : vector<640x1xf32> to vector<640x128xf32>
    %div3A_320 = arith.divf %sub3A_307, %div3A_319 : vector<640x128xf32>
    %mul3A_321 = vector.broadcast %get3A_296 : vector<1x128xf32> to vector<640x128xf32>
    %mul3A_322 = arith.mulf %div3A_320, %mul3A_321 : vector<640x128xf32>
    %add3A_323 = vector.broadcast %get3A_299 : vector<1x128xf32> to vector<640x128xf32>
    %add3A_324 = arith.addf %mul3A_322, %add3A_323 : vector<640x128xf32>
    %max3A_325 = arith.constant 0.000000e+00 : f32
    %max3A_326 = vector.broadcast %max3A_325 : f32 to vector<640x128xf32>
    %max3A_327 = arith.maximumf %add3A_324, %max3A_326 : vector<640x128xf32>
    %get3A_328 = arith.constant 0 : index
    %get3A_329 = arith.constant 0 : index
    %get3A_330 = vector.load %arg19[%get3A_328, %get3A_329] : memref<128x128xf32, #tpu.memory_space<vmem>>, vector<128x128xf32>
    %convert_element_type3A_331 = arith.truncf %max3A_327 : vector<640x128xf32> to vector<640x128xbf16>
    %convert_element_type3A_332 = arith.extf %convert_element_type3A_331 : vector<640x128xbf16> to vector<640x128xf32>
    %sub3A_333 = arith.subf %max3A_327, %convert_element_type3A_332 : vector<640x128xf32>
    %convert_element_type3A_334 = arith.truncf %get3A_330 : vector<128x128xf32> to vector<128x128xbf16>
    %convert_element_type3A_335 = arith.extf %convert_element_type3A_334 : vector<128x128xbf16> to vector<128x128xf32>
    %sub3A_336 = arith.subf %get3A_330, %convert_element_type3A_335 : vector<128x128xf32>
    %convert_element_type3A_337 = arith.truncf %convert_element_type3A_332 : vector<640x128xf32> to vector<640x128xbf16>
    %convert_element_type3A_338 = arith.truncf %convert_element_type3A_335 : vector<128x128xf32> to vector<128x128xbf16>
    %dot_general3A_339 = arith.constant dense<0.000000e+00> : vector<640x128xf32>
    %dot_general3A_340 = tpu.matmul %convert_element_type3A_337, %convert_element_type3A_338, %dot_general3A_339 {dimension_numbers = #tpu.dot_dimension_numbers<[1], [1], [0], [0], [0, 0, 1, 0], [], []>, transpose_lhs_hint = false} : vector<640x128xbf16>, vector<128x128xbf16>, vector<640x128xf32> -> vector<640x128xf32>
    %convert_element_type3A_341 = arith.truncf %sub3A_333 : vector<640x128xf32> to vector<640x128xbf16>
    %convert_element_type3A_342 = arith.truncf %convert_element_type3A_335 : vector<128x128xf32> to vector<128x128xbf16>
    %dot_general3A_343 = arith.constant dense<0.000000e+00> : vector<640x128xf32>
    %dot_general3A_344 = tpu.matmul %convert_element_type3A_341, %convert_element_type3A_342, %dot_general3A_343 {dimension_numbers = #tpu.dot_dimension_numbers<[1], [1], [0], [0], [0, 0, 1, 0], [], []>, transpose_lhs_hint = false} : vector<640x128xbf16>, vector<128x128xbf16>, vector<640x128xf32> -> vector<640x128xf32>
    %convert_element_type3A_345 = arith.truncf %convert_element_type3A_332 : vector<640x128xf32> to vector<640x128xbf16>
    %convert_element_type3A_346 = arith.truncf %sub3A_336 : vector<128x128xf32> to vector<128x128xbf16>
    %dot_general3A_347 = arith.constant dense<0.000000e+00> : vector<640x128xf32>
    %dot_general3A_348 = tpu.matmul %convert_element_type3A_345, %convert_element_type3A_346, %dot_general3A_347 {dimension_numbers = #tpu.dot_dimension_numbers<[1], [1], [0], [0], [0, 0, 1, 0], [], []>, transpose_lhs_hint = false} : vector<640x128xbf16>, vector<128x128xbf16>, vector<640x128xf32> -> vector<640x128xf32>
    %add3A_349 = arith.addf %dot_general3A_344, %dot_general3A_348 : vector<640x128xf32>
    %add3A_350 = arith.addf %dot_general3A_340, %add3A_349 : vector<640x128xf32>
    %add3A_351 = arith.addf %add3A_350, %add3A_224 : vector<640x128xf32>
    %add3A_352 = arith.addf %add3A_351, %add3A_237 : vector<640x128xf32>
    %get3A_353 = arith.constant 0 : index
    %get3A_354 = arith.constant 0 : index
    %get3A_355 = vector.load %arg20[%get3A_353, %get3A_354] : memref<1x128xf32, #tpu.memory_space<vmem>>, vector<1x128xf32>
    %get3A_356 = arith.constant 0 : index
    %get3A_357 = arith.constant 0 : index
    %get3A_358 = vector.load %arg21[%get3A_356, %get3A_357] : memref<1x128xf32, #tpu.memory_space<vmem>>, vector<1x128xf32>
    %reduce_sum3A_359 = arith.constant dense<0.000000e+00> : vector<640xf32>
    %reduce_sum3A_360 = vector.multi_reduction <add>, %add3A_352, %reduce_sum3A_359 [1] : vector<640x128xf32> to vector<640xf32>
    %broadcast_in_dim3A_361 = vector.shape_cast %reduce_sum3A_360 : vector<640xf32> to vector<640x1xf32>
    %div3A_362 = arith.constant 1.280000e+02 : f32
    %div3A_363 = vector.broadcast %div3A_362 : f32 to vector<640x1xf32>
    %div3A_364 = arith.divf %broadcast_in_dim3A_361, %div3A_363 : vector<640x1xf32>
    %sub3A_365 = vector.broadcast %div3A_364 : vector<640x1xf32> to vector<640x128xf32>
    %sub3A_366 = arith.subf %add3A_352, %sub3A_365 : vector<640x128xf32>
    %mul3A_367 = arith.mulf %sub3A_366, %sub3A_366 : vector<640x128xf32>
    %reduce_sum3A_368 = arith.constant dense<0.000000e+00> : vector<640xf32>
    %reduce_sum3A_369 = vector.multi_reduction <add>, %mul3A_367, %reduce_sum3A_368 [1] : vector<640x128xf32> to vector<640xf32>
    %broadcast_in_dim3A_370 = vector.shape_cast %reduce_sum3A_369 : vector<640xf32> to vector<640x1xf32>
    %div3A_371 = arith.constant 1.280000e+02 : f32
    %div3A_372 = vector.broadcast %div3A_371 : f32 to vector<640x1xf32>
    %div3A_373 = arith.divf %broadcast_in_dim3A_370, %div3A_372 : vector<640x1xf32>
    %add3A_374 = arith.constant 9.99999974E-6 : f32
    %add3A_375 = vector.broadcast %add3A_374 : f32 to vector<640x1xf32>
    %add3A_376 = arith.addf %div3A_373, %add3A_375 : vector<640x1xf32>
    %sqrt3A_377 = math.sqrt %add3A_376 : vector<640x1xf32>
    %div3A_378 = vector.broadcast %sqrt3A_377 : vector<640x1xf32> to vector<640x128xf32>
    %div3A_379 = arith.divf %sub3A_366, %div3A_378 : vector<640x128xf32>
    %mul3A_380 = vector.broadcast %get3A_355 : vector<1x128xf32> to vector<640x128xf32>
    %mul3A_381 = arith.mulf %div3A_379, %mul3A_380 : vector<640x128xf32>
    %add3A_382 = vector.broadcast %get3A_358 : vector<1x128xf32> to vector<640x128xf32>
    %add3A_383 = arith.addf %mul3A_381, %add3A_382 : vector<640x128xf32>
    %max3A_384 = arith.constant 0.000000e+00 : f32
    %max3A_385 = vector.broadcast %max3A_384 : f32 to vector<640x128xf32>
    %max3A_386 = arith.maximumf %add3A_383, %max3A_385 : vector<640x128xf32>
    %get3A_387 = arith.constant 0 : index
    %get3A_388 = arith.constant 0 : index
    %get3A_389 = vector.load %arg22[%get3A_387, %get3A_388] : memref<128x128xf32, #tpu.memory_space<vmem>>, vector<128x128xf32>
    %convert_element_type3A_390 = arith.truncf %max3A_386 : vector<640x128xf32> to vector<640x128xbf16>
    %convert_element_type3A_391 = arith.extf %convert_element_type3A_390 : vector<640x128xbf16> to vector<640x128xf32>
    %sub3A_392 = arith.subf %max3A_386, %convert_element_type3A_391 : vector<640x128xf32>
    %convert_element_type3A_393 = arith.truncf %get3A_389 : vector<128x128xf32> to vector<128x128xbf16>
    %convert_element_type3A_394 = arith.extf %convert_element_type3A_393 : vector<128x128xbf16> to vector<128x128xf32>
    %sub3A_395 = arith.subf %get3A_389, %convert_element_type3A_394 : vector<128x128xf32>
    %convert_element_type3A_396 = arith.truncf %convert_element_type3A_391 : vector<640x128xf32> to vector<640x128xbf16>
    %convert_element_type3A_397 = arith.truncf %convert_element_type3A_394 : vector<128x128xf32> to vector<128x128xbf16>
    %dot_general3A_398 = arith.constant dense<0.000000e+00> : vector<640x128xf32>
    %dot_general3A_399 = tpu.matmul %convert_element_type3A_396, %convert_element_type3A_397, %dot_general3A_398 {dimension_numbers = #tpu.dot_dimension_numbers<[1], [1], [0], [0], [0, 0, 1, 0], [], []>, transpose_lhs_hint = false} : vector<640x128xbf16>, vector<128x128xbf16>, vector<640x128xf32> -> vector<640x128xf32>
    %convert_element_type3A_400 = arith.truncf %sub3A_392 : vector<640x128xf32> to vector<640x128xbf16>
    %convert_element_type3A_401 = arith.truncf %convert_element_type3A_394 : vector<128x128xf32> to vector<128x128xbf16>
    %dot_general3A_402 = arith.constant dense<0.000000e+00> : vector<640x128xf32>
    %dot_general3A_403 = tpu.matmul %convert_element_type3A_400, %convert_element_type3A_401, %dot_general3A_402 {dimension_numbers = #tpu.dot_dimension_numbers<[1], [1], [0], [0], [0, 0, 1, 0], [], []>, transpose_lhs_hint = false} : vector<640x128xbf16>, vector<128x128xbf16>, vector<640x128xf32> -> vector<640x128xf32>
    %convert_element_type3A_404 = arith.truncf %convert_element_type3A_391 : vector<640x128xf32> to vector<640x128xbf16>
    %convert_element_type3A_405 = arith.truncf %sub3A_395 : vector<128x128xf32> to vector<128x128xbf16>
    %dot_general3A_406 = arith.constant dense<0.000000e+00> : vector<640x128xf32>
    %dot_general3A_407 = tpu.matmul %convert_element_type3A_404, %convert_element_type3A_405, %dot_general3A_406 {dimension_numbers = #tpu.dot_dimension_numbers<[1], [1], [0], [0], [0, 0, 1, 0], [], []>, transpose_lhs_hint = false} : vector<640x128xbf16>, vector<128x128xbf16>, vector<640x128xf32> -> vector<640x128xf32>
    %add3A_408 = arith.addf %dot_general3A_403, %dot_general3A_407 : vector<640x128xf32>
    %add3A_409 = arith.addf %dot_general3A_399, %add3A_408 : vector<640x128xf32>
    %convert_element_type3A_410 = arith.truncf %add3A_409 : vector<640x128xf32> to vector<640x128xbf16>
    %convert_element_type3A_411 = arith.extf %convert_element_type3A_410 : vector<640x128xbf16> to vector<640x128xf32>
    %sub3A_412 = arith.subf %add3A_409, %convert_element_type3A_411 : vector<640x128xf32>
    %convert_element_type3A_413 = arith.truncf %convert_element_type3A_411 : vector<640x128xf32> to vector<640x128xbf16>
    %dot_general3A_414 = arith.constant dense<0.000000e+00> : vector<200x128xf32>
    %dot_general3A_415 = tpu.matmul %convert_element_type3A_207, %convert_element_type3A_413, %dot_general3A_414 {dimension_numbers = #tpu.dot_dimension_numbers<[0], [0], [1], [1], [0, 1, 1, 1], [], []>, transpose_lhs_hint = false} : vector<640x200xbf16>, vector<640x128xbf16>, vector<200x128xf32> -> vector<200x128xf32>
    %convert_element_type3A_416 = arith.truncf %sub3A_412 : vector<640x128xf32> to vector<640x128xbf16>
    %dot_general3A_417 = arith.constant dense<0.000000e+00> : vector<200x128xf32>
    %dot_general3A_418 = tpu.matmul %convert_element_type3A_207, %convert_element_type3A_416, %dot_general3A_417 {dimension_numbers = #tpu.dot_dimension_numbers<[0], [0], [1], [1], [0, 1, 1, 1], [], []>, transpose_lhs_hint = false} : vector<640x200xbf16>, vector<640x128xbf16>, vector<200x128xf32> -> vector<200x128xf32>
    %add3A_419 = arith.addf %dot_general3A_415, %dot_general3A_418 : vector<200x128xf32>
    %add3A_420 = arith.addf %add3A_151, %add3A_419 : vector<200x128xf32>
    %max3A_421 = arith.constant 0.000000e+00 : f32
    %max3A_422 = vector.broadcast %max3A_421 : f32 to vector<200x128xf32>
    %max3A_423 = arith.maximumf %add3A_420, %max3A_422 : vector<200x128xf32>
    %get3A_424 = arith.constant 0 : index
    %get3A_425 = arith.constant 0 : index
    %get3A_426 = vector.load %arg24[%get3A_424, %get3A_425] : memref<128x128xf32, #tpu.memory_space<vmem>>, vector<128x128xf32>
    %convert_element_type3A_427 = arith.truncf %max3A_423 : vector<200x128xf32> to vector<200x128xbf16>
    %convert_element_type3A_428 = arith.extf %convert_element_type3A_427 : vector<200x128xbf16> to vector<200x128xf32>
    %sub3A_429 = arith.subf %max3A_423, %convert_element_type3A_428 : vector<200x128xf32>
    %convert_element_type3A_430 = arith.truncf %get3A_426 : vector<128x128xf32> to vector<128x128xbf16>
    %convert_element_type3A_431 = arith.extf %convert_element_type3A_430 : vector<128x128xbf16> to vector<128x128xf32>
    %sub3A_432 = arith.subf %get3A_426, %convert_element_type3A_431 : vector<128x128xf32>
    %convert_element_type3A_433 = arith.truncf %convert_element_type3A_428 : vector<200x128xf32> to vector<200x128xbf16>
    %convert_element_type3A_434 = arith.truncf %convert_element_type3A_431 : vector<128x128xf32> to vector<128x128xbf16>
    %dot_general3A_435 = arith.constant dense<0.000000e+00> : vector<200x128xf32>
    %dot_general3A_436 = tpu.matmul %convert_element_type3A_433, %convert_element_type3A_434, %dot_general3A_435 {dimension_numbers = #tpu.dot_dimension_numbers<[1], [1], [0], [0], [0, 0, 1, 0], [], []>, transpose_lhs_hint = false} : vector<200x128xbf16>, vector<128x128xbf16>, vector<200x128xf32> -> vector<200x128xf32>
    %convert_element_type3A_437 = arith.truncf %sub3A_429 : vector<200x128xf32> to vector<200x128xbf16>
    %convert_element_type3A_438 = arith.truncf %convert_element_type3A_431 : vector<128x128xf32> to vector<128x128xbf16>
    %dot_general3A_439 = arith.constant dense<0.000000e+00> : vector<200x128xf32>
    %dot_general3A_440 = tpu.matmul %convert_element_type3A_437, %convert_element_type3A_438, %dot_general3A_439 {dimension_numbers = #tpu.dot_dimension_numbers<[1], [1], [0], [0], [0, 0, 1, 0], [], []>, transpose_lhs_hint = false} : vector<200x128xbf16>, vector<128x128xbf16>, vector<200x128xf32> -> vector<200x128xf32>
    %convert_element_type3A_441 = arith.truncf %convert_element_type3A_428 : vector<200x128xf32> to vector<200x128xbf16>
    %convert_element_type3A_442 = arith.truncf %sub3A_432 : vector<128x128xf32> to vector<128x128xbf16>
    %dot_general3A_443 = arith.constant dense<0.000000e+00> : vector<200x128xf32>
    %dot_general3A_444 = tpu.matmul %convert_element_type3A_441, %convert_element_type3A_442, %dot_general3A_443 {dimension_numbers = #tpu.dot_dimension_numbers<[1], [1], [0], [0], [0, 0, 1, 0], [], []>, transpose_lhs_hint = false} : vector<200x128xbf16>, vector<128x128xbf16>, vector<200x128xf32> -> vector<200x128xf32>
    %add3A_445 = arith.addf %dot_general3A_440, %dot_general3A_444 : vector<200x128xf32>
    %add3A_446 = arith.addf %dot_general3A_436, %add3A_445 : vector<200x128xf32>
    %get3A_447 = arith.constant 0 : index
    %get3A_448 = arith.constant 0 : index
    %get3A_449 = vector.load %arg25[%get3A_447, %get3A_448] : memref<1x128xf32, #tpu.memory_space<vmem>>, vector<1x128xf32>
    %get3A_450 = arith.constant 0 : index
    %get3A_451 = arith.constant 0 : index
    %get3A_452 = vector.load %arg26[%get3A_450, %get3A_451] : memref<1x128xf32, #tpu.memory_space<vmem>>, vector<1x128xf32>
    %reduce_sum3A_453 = arith.constant dense<0.000000e+00> : vector<200xf32>
    %reduce_sum3A_454 = vector.multi_reduction <add>, %add3A_446, %reduce_sum3A_453 [1] : vector<200x128xf32> to vector<200xf32>
    %broadcast_in_dim3A_455 = vector.shape_cast %reduce_sum3A_454 : vector<200xf32> to vector<200x1xf32>
    %div3A_456 = arith.constant 1.280000e+02 : f32
    %div3A_457 = vector.broadcast %div3A_456 : f32 to vector<200x1xf32>
    %div3A_458 = arith.divf %broadcast_in_dim3A_455, %div3A_457 : vector<200x1xf32>
    %sub3A_459 = vector.broadcast %div3A_458 : vector<200x1xf32> to vector<200x128xf32>
    %sub3A_460 = arith.subf %add3A_446, %sub3A_459 : vector<200x128xf32>
    %mul3A_461 = arith.mulf %sub3A_460, %sub3A_460 : vector<200x128xf32>
    %reduce_sum3A_462 = arith.constant dense<0.000000e+00> : vector<200xf32>
    %reduce_sum3A_463 = vector.multi_reduction <add>, %mul3A_461, %reduce_sum3A_462 [1] : vector<200x128xf32> to vector<200xf32>
    %broadcast_in_dim3A_464 = vector.shape_cast %reduce_sum3A_463 : vector<200xf32> to vector<200x1xf32>
    %div3A_465 = arith.constant 1.280000e+02 : f32
    %div3A_466 = vector.broadcast %div3A_465 : f32 to vector<200x1xf32>
    %div3A_467 = arith.divf %broadcast_in_dim3A_464, %div3A_466 : vector<200x1xf32>
    %add3A_468 = arith.constant 9.99999974E-6 : f32
    %add3A_469 = vector.broadcast %add3A_468 : f32 to vector<200x1xf32>
    %add3A_470 = arith.addf %div3A_467, %add3A_469 : vector<200x1xf32>
    %sqrt3A_471 = math.sqrt %add3A_470 : vector<200x1xf32>
    %div3A_472 = vector.broadcast %sqrt3A_471 : vector<200x1xf32> to vector<200x128xf32>
    %div3A_473 = arith.divf %sub3A_460, %div3A_472 : vector<200x128xf32>
    %mul3A_474 = vector.broadcast %get3A_449 : vector<1x128xf32> to vector<200x128xf32>
    %mul3A_475 = arith.mulf %div3A_473, %mul3A_474 : vector<200x128xf32>
    %add3A_476 = vector.broadcast %get3A_452 : vector<1x128xf32> to vector<200x128xf32>
    %add3A_477 = arith.addf %mul3A_475, %add3A_476 : vector<200x128xf32>
    %add3A_478 = arith.addf %add3A_477, %max3A_48 : vector<200x128xf32>
    %max3A_479 = arith.constant 0.000000e+00 : f32
    %max3A_480 = vector.broadcast %max3A_479 : f32 to vector<200x128xf32>
    %max3A_481 = arith.maximumf %add3A_478, %max3A_480 : vector<200x128xf32>
    %swap3A = arith.constant 0 : index
    %swap3A_482 = arith.constant 0 : index
    %swap3A_483 = vector.load %arg27[%swap3A, %swap3A_482] : memref<200x128xf32, #tpu.memory_space<vmem>>, vector<200x128xf32>
    tpu.vector_store %arg27[%swap3A, %swap3A_482], %max3A_481 {strides = array<i32>} : memref<200x128xf32, #tpu.memory_space<vmem>>, vector<200x128xf32>,
    return
  }
  func.func @transform_0(%arg0: i32) -> (i32, i32) {
    %c0_i32 = arith.constant 0 : i32
    %c0_i32_0 = arith.constant 0 : i32
    return %arg0, %c0_i32 : i32, i32
  }
  func.func @transform_1(%arg0: i32) -> (i32, i32, i32) {
    %c0_i32 = arith.constant 0 : i32
    %c0_i32_0 = arith.constant 0 : i32
    %c0_i32_1 = arith.constant 0 : i32
    return %arg0, %c0_i32, %c0_i32_0 : i32, i32, i32
  }
  func.func @transform_2(%arg0: i32) -> (i32, i32, i32) {
    %c0_i32 = arith.constant 0 : i32
    %c0_i32_0 = arith.constant 0 : i32
    %c0_i32_1 = arith.constant 0 : i32
    return %arg0, %c0_i32, %c0_i32_0 : i32, i32, i32
  }
  func.func @transform_3(%arg0: i32) -> (i32, i32, i32) {
    %c0_i32 = arith.constant 0 : i32
    %c0_i32_0 = arith.constant 0 : i32
    %c0_i32_1 = arith.constant 0 : i32
    return %arg0, %c0_i32, %c0_i32_0 : i32, i32, i32
  }
  func.func @transform_4(%arg0: i32) -> (i32, i32) {
    %c0_i32 = arith.constant 0 : i32
    %c0_i32_0 = arith.constant 0 : i32
    %c0_i32_1 = arith.constant 0 : i32
    return %c0_i32, %c0_i32_0 : i32, i32
  }
  func.func @transform_5(%arg0: i32) -> (i32, i32) {
    %c0_i32 = arith.constant 0 : i32
    %c0_i32_0 = arith.constant 0 : i32
    %c0_i32_1 = arith.constant 0 : i32
    return %c0_i32, %c0_i32_0 : i32, i32
  }
  func.func @transform_6(%arg0: i32) -> (i32, i32) {
    %c0_i32 = arith.constant 0 : i32
    %c0_i32_0 = arith.constant 0 : i32
    %c0_i32_1 = arith.constant 0 : i32
    return %c0_i32, %c0_i32_0 : i32, i32
  }
  func.func @transform_7(%arg0: i32) -> (i32, i32) {
    %c0_i32 = arith.constant 0 : i32
    %c0_i32_0 = arith.constant 0 : i32
    %c0_i32_1 = arith.constant 0 : i32
    return %c0_i32, %c0_i32_0 : i32, i32
  }
  func.func @transform_8(%arg0: i32) -> (i32, i32) {
    %c0_i32 = arith.constant 0 : i32
    %c0_i32_0 = arith.constant 0 : i32
    %c0_i32_1 = arith.constant 0 : i32
    return %c0_i32, %c0_i32_0 : i32, i32
  }
  func.func @transform_9(%arg0: i32) -> (i32, i32) {
    %c0_i32 = arith.constant 0 : i32
    %c0_i32_0 = arith.constant 0 : i32
    %c0_i32_1 = arith.constant 0 : i32
    return %c0_i32, %c0_i32_0 : i32, i32
  }
  func.func @transform_10(%arg0: i32) -> (i32, i32) {
    %c0_i32 = arith.constant 0 : i32
    %c0_i32_0 = arith.constant 0 : i32
    %c0_i32_1 = arith.constant 0 : i32
    return %c0_i32, %c0_i32_0 : i32, i32
  }
  func.func @transform_11(%arg0: i32) -> (i32, i32) {
    %c0_i32 = arith.constant 0 : i32
    %c0_i32_0 = arith.constant 0 : i32
    %c0_i32_1 = arith.constant 0 : i32
    return %c0_i32, %c0_i32_0 : i32, i32
  }
  func.func @transform_12(%arg0: i32) -> (i32, i32) {
    %c0_i32 = arith.constant 0 : i32
    %c0_i32_0 = arith.constant 0 : i32
    %c0_i32_1 = arith.constant 0 : i32
    return %c0_i32, %c0_i32_0 : i32, i32
  }
  func.func @transform_13(%arg0: i32) -> (i32, i32) {
    %c0_i32 = arith.constant 0 : i32
    %c0_i32_0 = arith.constant 0 : i32
    %c0_i32_1 = arith.constant 0 : i32
    return %c0_i32, %c0_i32_0 : i32, i32
  }
  func.func @transform_14(%arg0: i32) -> (i32, i32) {
    %c0_i32 = arith.constant 0 : i32
    %c0_i32_0 = arith.constant 0 : i32
    %c0_i32_1 = arith.constant 0 : i32
    return %c0_i32, %c0_i32_0 : i32, i32
  }
  func.func @transform_15(%arg0: i32) -> (i32, i32) {
    %c0_i32 = arith.constant 0 : i32
    %c0_i32_0 = arith.constant 0 : i32
    %c0_i32_1 = arith.constant 0 : i32
    return %c0_i32, %c0_i32_0 : i32, i32
  }
  func.func @transform_16(%arg0: i32) -> (i32, i32) {
    %c0_i32 = arith.constant 0 : i32
    %c0_i32_0 = arith.constant 0 : i32
    %c0_i32_1 = arith.constant 0 : i32
    return %c0_i32, %c0_i32_0 : i32, i32
  }
  func.func @transform_17(%arg0: i32) -> (i32, i32) {
    %c0_i32 = arith.constant 0 : i32
    %c0_i32_0 = arith.constant 0 : i32
    %c0_i32_1 = arith.constant 0 : i32
    return %c0_i32, %c0_i32_0 : i32, i32
  }
  func.func @transform_18(%arg0: i32) -> (i32, i32) {
    %c0_i32 = arith.constant 0 : i32
    %c0_i32_0 = arith.constant 0 : i32
    %c0_i32_1 = arith.constant 0 : i32
    return %c0_i32, %c0_i32_0 : i32, i32
  }
  func.func @transform_19(%arg0: i32) -> (i32, i32) {
    %c0_i32 = arith.constant 0 : i32
    %c0_i32_0 = arith.constant 0 : i32
    %c0_i32_1 = arith.constant 0 : i32
    return %c0_i32, %c0_i32_0 : i32, i32
  }
  func.func @transform_20(%arg0: i32) -> (i32, i32) {
    %c0_i32 = arith.constant 0 : i32
    %c0_i32_0 = arith.constant 0 : i32
    %c0_i32_1 = arith.constant 0 : i32
    return %c0_i32, %c0_i32_0 : i32, i32
  }
  func.func @transform_21(%arg0: i32) -> (i32, i32) {
    %c0_i32 = arith.constant 0 : i32
    %c0_i32_0 = arith.constant 0 : i32
    %c0_i32_1 = arith.constant 0 : i32
    return %c0_i32, %c0_i32_0 : i32, i32
  }
  func.func @transform_22(%arg0: i32) -> (i32, i32) {
    %c0_i32 = arith.constant 0 : i32
    %c0_i32_0 = arith.constant 0 : i32
    %c0_i32_1 = arith.constant 0 : i32
    return %c0_i32, %c0_i32_0 : i32, i32
  }
  func.func @transform_23(%arg0: i32) -> (i32, i32) {
    %c0_i32 = arith.constant 0 : i32
    %c0_i32_0 = arith.constant 0 : i32
    %c0_i32_1 = arith.constant 0 : i32
    return %c0_i32, %c0_i32_0 : i32, i32
  }
  func.func @transform_24(%arg0: i32) -> (i32, i32) {
    %c0_i32 = arith.constant 0 : i32
    %c0_i32_0 = arith.constant 0 : i32
    %c0_i32_1 = arith.constant 0 : i32
    return %c0_i32, %c0_i32_0 : i32, i32
  }
  func.func @transform_25(%arg0: i32) -> (i32, i32) {
    %c0_i32 = arith.constant 0 : i32
    %c0_i32_0 = arith.constant 0 : i32
    %c0_i32_1 = arith.constant 0 : i32
    return %c0_i32, %c0_i32_0 : i32, i32
  }
  func.func @transform_26(%arg0: i32) -> (i32, i32) {
    %c0_i32 = arith.constant 0 : i32
    %c0_i32_0 = arith.constant 0 : i32
    return %arg0, %c0_i32 : i32, i32
  }
}

module attributes {stable_mosaic.version = 14 : i64} {
  func.func @_layer_body(%arg0: i32, %arg1: memref<200x128xf32, #tpu.memory_space<vmem>>, %arg2: memref<1x1x640xi32, #tpu.memory_space<vmem>>, %arg3: memref<1x1x640xf32, #tpu.memory_space<vmem>>, %arg4: memref<1x1x640xf32, #tpu.memory_space<vmem>>, %arg5: memref<512x128xf32, #tpu.memory_space<vmem>>, %arg6: memref<128x128xf32, #tpu.memory_space<vmem>>, %arg7: memref<1x128xf32, #tpu.memory_space<vmem>>, %arg8: memref<1x128xf32, #tpu.memory_space<vmem>>, %arg9: memref<128x128xf32, #tpu.memory_space<vmem>>, %arg10: memref<1x128xf32, #tpu.memory_space<vmem>>, %arg11: memref<1x128xf32, #tpu.memory_space<vmem>>, %arg12: memref<128x128xf32, #tpu.memory_space<vmem>>, %arg13: memref<1x128xf32, #tpu.memory_space<vmem>>, %arg14: memref<1x128xf32, #tpu.memory_space<vmem>>, %arg15: memref<1x128xf32, #tpu.memory_space<vmem>>, %arg16: memref<128x128xf32, #tpu.memory_space<vmem>>, %arg17: memref<1x128xf32, #tpu.memory_space<vmem>>, %arg18: memref<1x128xf32, #tpu.memory_space<vmem>>, %arg19: memref<128x128xf32, #tpu.memory_space<vmem>>, %arg20: memref<1x128xf32, #tpu.memory_space<vmem>>, %arg21: memref<1x128xf32, #tpu.memory_space<vmem>>, %arg22: memref<128x128xf32, #tpu.memory_space<vmem>>, %arg23: memref<128x128xf32, #tpu.memory_space<vmem>>, %arg24: memref<128x128xf32, #tpu.memory_space<vmem>>, %arg25: memref<1x128xf32, #tpu.memory_space<vmem>>, %arg26: memref<1x128xf32, #tpu.memory_space<vmem>>, %arg27: memref<200x128xf32, #tpu.memory_space<vmem>>) attributes {dimension_semantics = [#tpu.dimension_semantics<arbitrary>], iteration_bounds = array<i64: 100>, scalar_prefetch = 0 : i64, scratch_operands = 0 : i64, tpu.core_type = #tpu.core_type<tc>, window_params = [{transform_indices = @transform_0, window_bounds = array<i64: 200, 128>}, {transform_indices = @transform_1, window_bounds = array<i64: 1, 1, 640>}, {transform_indices = @transform_2, window_bounds = array<i64: 1, 1, 640>}, {transform_indices = @transform_3, window_bounds = array<i64: 1, 1, 640>}, {pipeline_mode = #tpu.pipeline_mode<synchronous>, transform_indices = @transform_4, window_bounds = array<i64: 512, 128>}, {pipeline_mode = #tpu.pipeline_mode<synchronous>, transform_indices = @transform_5, window_bounds = array<i64: 128, 128>}, {pipeline_mode = #tpu.pipeline_mode<synchronous>, transform_indices = @transform_6, window_bounds = array<i64: 1, 128>}, {pipeline_mode = #tpu.pipeline_mode<synchronous>, transform_indices = @transform_7, window_bounds = array<i64: 1, 128>}, {pipeline_mode = #tpu.pipeline_mode<synchronous>, transform_indices = @transform_8, window_bounds = array<i64: 128, 128>}, {pipeline_mode = #tpu.pipeline_mode<synchronous>, transform_indices = @transform_9, window_bounds = array<i64: 1, 128>}, {pipeline_mode = #tpu.pipeline_mode<synchronous>, transform_indices = @transform_10, window_bounds = array<i64: 1, 128>}, {pipeline_mode = #tpu.pipeline_mode<synchronous>, transform_indices = @transform_11, window_bounds = array<i64: 128, 128>}, {pipeline_mode = #tpu.pipeline_mode<synchronous>, transform_indices = @transform_12, window_bounds = array<i64: 1, 128>}, {pipeline_mode = #tpu.pipeline_mode<synchronous>, transform_indices = @transform_13, window_bounds = array<i64: 1, 128>}, {pipeline_mode = #tpu.pipeline_mode<synchronous>, transform_indices = @transform_14, window_bounds = array<i64: 1, 128>}, {pipeline_mode = #tpu.pipeline_mode<synchronous>, transform_indices = @transform_15, window_bounds = array<i64: 128, 128>}, {pipeline_mode = #tpu.pipeline_mode<synchronous>, transform_indices = @transform_16, window_bounds = array<i64: 1, 128>}, {pipeline_mode = #tpu.pipeline_mode<synchronous>, transform_indices = @transform_17, window_bounds = array<i64: 1, 128>}, {pipeline_mode = #tpu.pipeline_mode<synchronous>, transform_indices = @transform_18, window_bounds = array<i64: 128, 128>}, {pipeline_mode = #tpu.pipeline_mode<synchronous>, transform_indices = @transform_19, window_bounds = array<i64: 1, 128>}, {pipeline_mode = #tpu.pipeline_mode<synchronous>, transform_indices = @transform_20, window_bounds = array<i64: 1, 128>}, {pipeline_mode = #tpu.pipeline_mode<synchronous>, transform_indices = @transform_21, window_bounds = array<i64: 128, 128>}, {pipeline_mode = #tpu.pipeline_mode<synchronous>, transform_indices = @transform_22, window_bounds = array<i64: 128, 128>}, {pipeline_mode = #tpu.pipeline_mode<synchronous>, transform_indices = @transform_23, window_bounds = array<i64: 128, 128>}, {pipeline_mode = #tpu.pipeline_mode<synchronous>, transform_indices = @transform_24, window_bounds = array<i64: 1, 128>}, {pipeline_mode = #tpu.pipeline_mode<synchronous>, transform_indices = @transform_25, window_bounds = array<i64: 1, 128>}, {transform_indices = @transform_26, window_bounds = array<i64: 200, 128>}]} {
    %get3A = arith.constant 0 : index
    %get3A_0 = arith.constant 0 : index
    %get3A_1 = vector.load %arg1[%get3A, %get3A_0] : memref<200x128xf32, #tpu.memory_space<vmem>>, vector<200x128xf32>
    %get3A_2 = arith.constant 0 : index
    %get3A_3 = arith.constant 0 : index
    %get3A_4 = vector.load %arg9[%get3A_2, %get3A_3] : memref<128x128xf32, #tpu.memory_space<vmem>>, vector<128x128xf32>
    %convert_element_type3A = arith.truncf %get3A_1 : vector<200x128xf32> to vector<200x128xbf16>
    %convert_element_type3A_5 = arith.extf %convert_element_type3A : vector<200x128xbf16> to vector<200x128xf32>
    %sub3A = arith.subf %get3A_1, %convert_element_type3A_5 : vector<200x128xf32>
    %convert_element_type3A_6 = arith.truncf %get3A_4 : vector<128x128xf32> to vector<128x128xbf16>
    %convert_element_type3A_7 = arith.extf %convert_element_type3A_6 : vector<128x128xbf16> to vector<128x128xf32>
    %sub3A_8 = arith.subf %get3A_4, %convert_element_type3A_7 : vector<128x128xf32>
    %convert_element_type3A_9 = arith.truncf %convert_element_type3A_5 : vector<200x128xf32> to vector<200x128xbf16>
    %convert_element_type3A_10 = arith.truncf %convert_element_type3A_7 : vector<128x128xf32> to vector<128x128xbf16>
    %dot_general3A = arith.constant dense<0.000000e+00> : vector<200x128xf32>
    %dot_general3A_11 = tpu.matmul %convert_element_type3A_9, %convert_element_type3A_10, %dot_general3A {dimension_numbers = #tpu.dot_dimension_numbers<[1], [1], [0], [0], [0, 0, 1, 0], [], []>, transpose_lhs_hint = false} : vector<200x128xbf16>, vector<128x128xbf16>, vector<200x128xf32> -> vector<200x128xf32>
    %convert_element_type3A_12 = arith.truncf %sub3A : vector<200x128xf32> to vector<200x128xbf16>
    %convert_element_type3A_13 = arith.truncf %convert_element_type3A_7 : vector<128x128xf32> to vector<128x128xbf16>
    %dot_general3A_14 = arith.constant dense<0.000000e+00> : vector<200x128xf32>
    %dot_general3A_15 = tpu.matmul %convert_element_type3A_12, %convert_element_type3A_13, %dot_general3A_14 {dimension_numbers = #tpu.dot_dimension_numbers<[1], [1], [0], [0], [0, 0, 1, 0], [], []>, transpose_lhs_hint = false} : vector<200x128xbf16>, vector<128x128xbf16>, vector<200x128xf32> -> vector<200x128xf32>
    %convert_element_type3A_16 = arith.truncf %convert_element_type3A_5 : vector<200x128xf32> to vector<200x128xbf16>
    %convert_element_type3A_17 = arith.truncf %sub3A_8 : vector<128x128xf32> to vector<128x128xbf16>
    %dot_general3A_18 = arith.constant dense<0.000000e+00> : vector<200x128xf32>
    %dot_general3A_19 = tpu.matmul %convert_element_type3A_16, %convert_element_type3A_17, %dot_general3A_18 {dimension_numbers = #tpu.dot_dimension_numbers<[1], [1], [0], [0], [0, 0, 1, 0], [], []>, transpose_lhs_hint = false} : vector<200x128xbf16>, vector<128x128xbf16>, vector<200x128xf32> -> vector<200x128xf32>
    %add3A = arith.addf %dot_general3A_15, %dot_general3A_19 : vector<200x128xf32>
    %add3A_20 = arith.addf %dot_general3A_11, %add3A : vector<200x128xf32>
    %get3A_21 = arith.constant 0 : index
    %get3A_22 = arith.constant 0 : index
    %get3A_23 = vector.load %arg10[%get3A_21, %get3A_22] : memref<1x128xf32, #tpu.memory_space<vmem>>, vector<1x128xf32>
    %get3A_24 = arith.constant 0 : index
    %get3A_25 = arith.constant 0 : index
    %get3A_26 = vector.load %arg11[%get3A_24, %get3A_25] : memref<1x128xf32, #tpu.memory_space<vmem>>, vector<1x128xf32>
    %reduce_sum3A = arith.constant dense<0.000000e+00> : vector<200xf32>
    %reduce_sum3A_27 = vector.multi_reduction <add>, %add3A_20, %reduce_sum3A [1] : vector<200x128xf32> to vector<200xf32>
    %broadcast_in_dim3A = vector.shape_cast %reduce_sum3A_27 : vector<200xf32> to vector<200x1xf32>
    %div3A = arith.constant 1.280000e+02 : f32
    %div3A_28 = vector.broadcast %div3A : f32 to vector<200x1xf32>
    %div3A_29 = arith.divf %broadcast_in_dim3A, %div3A_28 : vector<200x1xf32>
    %sub3A_30 = vector.broadcast %div3A_29 : vector<200x1xf32> to vector<200x128xf32>
    %sub3A_31 = arith.subf %add3A_20, %sub3A_30 : vector<200x128xf32>
    %mul3A = arith.mulf %sub3A_31, %sub3A_31 : vector<200x128xf32>
    %reduce_sum3A_32 = arith.constant dense<0.000000e+00> : vector<200xf32>
    %reduce_sum3A_33 = vector.multi_reduction <add>, %mul3A, %reduce_sum3A_32 [1] : vector<200x128xf32> to vector<200xf32>
    %broadcast_in_dim3A_34 = vector.shape_cast %reduce_sum3A_33 : vector<200xf32> to vector<200x1xf32>
    %div3A_35 = arith.constant 1.280000e+02 : f32
    %div3A_36 = vector.broadcast %div3A_35 : f32 to vector<200x1xf32>
    %div3A_37 = arith.divf %broadcast_in_dim3A_34, %div3A_36 : vector<200x1xf32>
    %add3A_38 = arith.constant 9.99999974E-6 : f32
    %add3A_39 = vector.broadcast %add3A_38 : f32 to vector<200x1xf32>
    %add3A_40 = arith.addf %div3A_37, %add3A_39 : vector<200x1xf32>
    %sqrt3A = math.sqrt %add3A_40 : vector<200x1xf32>
    %div3A_41 = vector.broadcast %sqrt3A : vector<200x1xf32> to vector<200x128xf32>
    %div3A_42 = arith.divf %sub3A_31, %div3A_41 : vector<200x128xf32>
    %mul3A_43 = vector.broadcast %get3A_23 : vector<1x128xf32> to vector<200x128xf32>
    %mul3A_44 = arith.mulf %div3A_42, %mul3A_43 : vector<200x128xf32>
    %add3A_45 = vector.broadcast %get3A_26 : vector<1x128xf32> to vector<200x128xf32>
    %add3A_46 = arith.addf %mul3A_44, %add3A_45 : vector<200x128xf32>
    %max3A = arith.constant 0.000000e+00 : f32
    %max3A_47 = vector.broadcast %max3A : f32 to vector<200x128xf32>
    %max3A_48 = arith.maximumf %add3A_46, %max3A_47 : vector<200x128xf32>
    %get3A_49 = arith.constant 0 : index
    %get3A_50 = arith.constant 0 : index
    %get3A_51 = vector.load %arg12[%get3A_49, %get3A_50] : memref<128x128xf32, #tpu.memory_space<vmem>>, vector<128x128xf32>
    %convert_element_type3A_52 = arith.truncf %max3A_48 : vector<200x128xf32> to vector<200x128xbf16>
    %convert_element_type3A_53 = arith.extf %convert_element_type3A_52 : vector<200x128xbf16> to vector<200x128xf32>
    %sub3A_54 = arith.subf %max3A_48, %convert_element_type3A_53 : vector<200x128xf32>
    %convert_element_type3A_55 = arith.truncf %get3A_51 : vector<128x128xf32> to vector<128x128xbf16>
    %convert_element_type3A_56 = arith.extf %convert_element_type3A_55 : vector<128x128xbf16> to vector<128x128xf32>
    %sub3A_57 = arith.subf %get3A_51, %convert_element_type3A_56 : vector<128x128xf32>
    %convert_element_type3A_58 = arith.truncf %convert_element_type3A_53 : vector<200x128xf32> to vector<200x128xbf16>
    %convert_element_type3A_59 = arith.truncf %convert_element_type3A_56 : vector<128x128xf32> to vector<128x128xbf16>
    %dot_general3A_60 = arith.constant dense<0.000000e+00> : vector<200x128xf32>
    %dot_general3A_61 = tpu.matmul %convert_element_type3A_58, %convert_element_type3A_59, %dot_general3A_60 {dimension_numbers = #tpu.dot_dimension_numbers<[1], [1], [0], [0], [0, 0, 1, 0], [], []>, transpose_lhs_hint = false} : vector<200x128xbf16>, vector<128x128xbf16>, vector<200x128xf32> -> vector<200x128xf32>
    %convert_element_type3A_62 = arith.truncf %sub3A_54 : vector<200x128xf32> to vector<200x128xbf16>
    %convert_element_type3A_63 = arith.truncf %convert_element_type3A_56 : vector<128x128xf32> to vector<128x128xbf16>
    %dot_general3A_64 = arith.constant dense<0.000000e+00> : vector<200x128xf32>
    %dot_general3A_65 = tpu.matmul %convert_element_type3A_62, %convert_element_type3A_63, %dot_general3A_64 {dimension_numbers = #tpu.dot_dimension_numbers<[1], [1], [0], [0], [0, 0, 1, 0], [], []>, transpose_lhs_hint = false} : vector<200x128xbf16>, vector<128x128xbf16>, vector<200x128xf32> -> vector<200x128xf32>
    %convert_element_type3A_66 = arith.truncf %convert_element_type3A_53 : vector<200x128xf32> to vector<200x128xbf16>
    %convert_element_type3A_67 = arith.truncf %sub3A_57 : vector<128x128xf32> to vector<128x128xbf16>
    %dot_general3A_68 = arith.constant dense<0.000000e+00> : vector<200x128xf32>
    %dot_general3A_69 = tpu.matmul %convert_element_type3A_66, %convert_element_type3A_67, %dot_general3A_68 {dimension_numbers = #tpu.dot_dimension_numbers<[1], [1], [0], [0], [0, 0, 1, 0], [], []>, transpose_lhs_hint = false} : vector<200x128xbf16>, vector<128x128xbf16>, vector<200x128xf32> -> vector<200x128xf32>
    %add3A_70 = arith.addf %dot_general3A_65, %dot_general3A_69 : vector<200x128xf32>
    %add3A_71 = arith.addf %dot_general3A_61, %add3A_70 : vector<200x128xf32>
    %get3A_72 = arith.constant 0 : index
    %get3A_73 = arith.constant 0 : index
    %get3A_74 = vector.load %arg23[%get3A_72, %get3A_73] : memref<128x128xf32, #tpu.memory_space<vmem>>, vector<128x128xf32>
    %convert_element_type3A_75 = arith.truncf %get3A_1 : vector<200x128xf32> to vector<200x128xbf16>
    %convert_element_type3A_76 = arith.extf %convert_element_type3A_75 : vector<200x128xbf16> to vector<200x128xf32>
    %sub3A_77 = arith.subf %get3A_1, %convert_element_type3A_76 : vector<200x128xf32>
    %convert_element_type3A_78 = arith.truncf %get3A_74 : vector<128x128xf32> to vector<128x128xbf16>
    %convert_element_type3A_79 = arith.extf %convert_element_type3A_78 : vector<128x128xbf16> to vector<128x128xf32>
    %sub3A_80 = arith.subf %get3A_74, %convert_element_type3A_79 : vector<128x128xf32>
    %convert_element_type3A_81 = arith.truncf %convert_element_type3A_76 : vector<200x128xf32> to vector<200x128xbf16>
    %convert_element_type3A_82 = arith.truncf %convert_element_type3A_79 : vector<128x128xf32> to vector<128x128xbf16>
    %dot_general3A_83 = arith.constant dense<0.000000e+00> : vector<200x128xf32>
    %dot_general3A_84 = tpu.matmul %convert_element_type3A_81, %convert_element_type3A_82, %dot_general3A_83 {dimension_numbers = #tpu.dot_dimension_numbers<[1], [1], [0], [0], [0, 0, 1, 0], [], []>, transpose_lhs_hint = false} : vector<200x128xbf16>, vector<128x128xbf16>, vector<200x128xf32> -> vector<200x128xf32>
    %convert_element_type3A_85 = arith.truncf %sub3A_77 : vector<200x128xf32> to vector<200x128xbf16>
    %convert_element_type3A_86 = arith.truncf %convert_element_type3A_79 : vector<128x128xf32> to vector<128x128xbf16>
    %dot_general3A_87 = arith.constant dense<0.000000e+00> : vector<200x128xf32>
    %dot_general3A_88 = tpu.matmul %convert_element_type3A_85, %convert_element_type3A_86, %dot_general3A_87 {dimension_numbers = #tpu.dot_dimension_numbers<[1], [1], [0], [0], [0, 0, 1, 0], [], []>, transpose_lhs_hint = false} : vector<200x128xbf16>, vector<128x128xbf16>, vector<200x128xf32> -> vector<200x128xf32>
    %convert_element_type3A_89 = arith.truncf %convert_element_type3A_76 : vector<200x128xf32> to vector<200x128xbf16>
    %convert_element_type3A_90 = arith.truncf %sub3A_80 : vector<128x128xf32> to vector<128x128xbf16>
    %dot_general3A_91 = arith.constant dense<0.000000e+00> : vector<200x128xf32>
    %dot_general3A_92 = tpu.matmul %convert_element_type3A_89, %convert_element_type3A_90, %dot_general3A_91 {dimension_numbers = #tpu.dot_dimension_numbers<[1], [1], [0], [0], [0, 0, 1, 0], [], []>, transpose_lhs_hint = false} : vector<200x128xbf16>, vector<128x128xbf16>, vector<200x128xf32> -> vector<200x128xf32>
    %add3A_93 = arith.addf %dot_general3A_88, %dot_general3A_92 : vector<200x128xf32>
    %add3A_94 = arith.addf %dot_general3A_84, %add3A_93 : vector<200x128xf32>
    %get3A_95 = arith.constant 0 : index
    %get3A_96 = arith.constant 0 : index
    %get3A_97 = arith.constant 0 : index
    %get3A_98 = vector.load %arg2[%get3A_95, %get3A_96, %get3A_97] : memref<1x1x640xi32, #tpu.memory_space<vmem>>, vector<1x1x640xi32>
    %get3A_99 = vector.shape_cast %get3A_98 : vector<1x1x640xi32> to vector<640xi32>
    %jit3A = arith.constant 512 : i32
    %div3A_100 = vector.broadcast %jit3A : i32 to vector<640xi32>
    %div3A_101 = arith.divsi %get3A_99, %div3A_100 : vector<640xi32>
    %sign3A = arith.constant 0 : i32
    %sign3A_102 = vector.broadcast %sign3A : i32 to vector<640xi32>
    %sign3A_103 = arith.cmpi sgt, %get3A_99, %sign3A_102 : vector<640xi32>
    %sign3A_104 = arith.extui %sign3A_103 : vector<640xi1> to vector<640xi32>
    %sign3A_105 = arith.constant 0 : i32
    %sign3A_106 = vector.broadcast %sign3A_105 : i32 to vector<640xi32>
    %sign3A_107 = arith.cmpi slt, %get3A_99, %sign3A_106 : vector<640xi32>
    %sign3A_108 = arith.extui %sign3A_107 : vector<640xi1> to vector<640xi32>
    %sign3A_109 = arith.subi %sign3A_104, %sign3A_108 : vector<640xi32>
    %sign3A_110 = arith.constant 0 : i32
    %sign3A_111 = arith.cmpi sgt, %jit3A, %sign3A_110 : i32
    %sign3A_112 = arith.extui %sign3A_111 : i1 to i32
    %sign3A_113 = arith.constant 0 : i32
    %sign3A_114 = arith.cmpi slt, %jit3A, %sign3A_113 : i32
    %sign3A_115 = arith.extui %sign3A_114 : i1 to i32
    %sign3A_116 = arith.subi %sign3A_112, %sign3A_115 : i32
    %ne3A = vector.broadcast %sign3A_116 : i32 to vector<640xi32>
    %ne3A_117 = arith.cmpi ne, %sign3A_109, %ne3A : vector<640xi32>
    %rem3A = vector.broadcast %jit3A : i32 to vector<640xi32>
    %rem3A_118 = arith.remsi %get3A_99, %rem3A : vector<640xi32>
    %ne3A_119 = arith.constant 0 : i32
    %ne3A_120 = vector.broadcast %ne3A_119 : i32 to vector<640xi32>
    %ne3A_121 = arith.cmpi ne, %rem3A_118, %ne3A_120 : vector<640xi32>
    %and3A = arith.andi %ne3A_117, %ne3A_121 : vector<640xi1>
    %sub3A_122 = arith.constant 1 : i32
    %sub3A_123 = vector.broadcast %sub3A_122 : i32 to vector<640xi32>
    %sub3A_124 = arith.subi %div3A_101, %sub3A_123 : vector<640xi32>
    %select_n3A = arith.select %and3A, %sub3A_124, %div3A_101 : vector<640xi1>, vector<640xi32>
    %jit3A_125 = arith.constant 512 : i32
    %eq3A = arith.constant 0 : i32
    %eq3A_126 = arith.cmpi eq, %jit3A_125, %eq3A : i32
    %jit3A_127 = arith.constant 1 : i32
    %select_n3A_128 = arith.select %eq3A_126, %jit3A_127, %jit3A_125 : i32
    %rem3A_129 = vector.broadcast %select_n3A_128 : i32 to vector<640xi32>
    %rem3A_130 = arith.remsi %get3A_99, %rem3A_129 : vector<640xi32>
    %ne3A_131 = arith.constant 0 : i32
    %ne3A_132 = vector.broadcast %ne3A_131 : i32 to vector<640xi32>
    %ne3A_133 = arith.cmpi ne, %rem3A_130, %ne3A_132 : vector<640xi32>
    %lt3A = arith.constant 0 : i32
    %lt3A_134 = vector.broadcast %lt3A : i32 to vector<640xi32>
    %lt3A_135 = arith.cmpi slt, %rem3A_130, %lt3A_134 : vector<640xi32>
    %lt3A_136 = arith.constant 0 : i32
    %lt3A_137 = arith.cmpi slt, %select_n3A_128, %lt3A_136 : i32
    %ne3A_138 = vector.broadcast %lt3A_137 : i1 to vector<640xi1>
    %ne3A_139 = vector.broadcast %ne3A_138 : vector<640xi1> to vector<640xi1>
    %ne3A_140 = arith.xori %lt3A_135, %ne3A_139 : vector<640xi1>
    %and3A_141 = arith.andi %ne3A_140, %ne3A_133 : vector<640xi1>
    %add3A_142 = vector.broadcast %select_n3A_128 : i32 to vector<640xi32>
    %add3A_143 = arith.addi %rem3A_130, %add3A_142 : vector<640xi32>
    %select_n3A_144 = arith.select %and3A_141, %add3A_143, %rem3A_130 : vector<640xi1>, vector<640xi32>
    %iota3A = tpu.iota {dimensions = array<i32: 1>} : vector<640x200xi32>
    %broadcast_in_dim3A_145 = vector.shape_cast %select_n3A : vector<640xi32> to vector<640x1xi32>
    %eq3A_146 = vector.broadcast %broadcast_in_dim3A_145 : vector<640x1xi32> to vector<640x200xi32>
    %eq3A_147 = arith.cmpi eq, %iota3A, %eq3A_146 : vector<640x200xi32>
    %convert_element_type3A_148 = arith.extui %eq3A_147 : vector<640x200xi1> to vector<640x200xi32>
    %convert_element_type3A_149 = arith.sitofp %convert_element_type3A_148 : vector<640x200xi32> to vector<640x200xf32>
    %convert_element_type3A_150 = arith.truncf %convert_element_type3A_149 : vector<640x200xf32> to vector<640x200xbf16>
    %iota3A_151 = tpu.iota {dimensions = array<i32: 1>} : vector<640x512xi32>
    %broadcast_in_dim3A_152 = vector.shape_cast %select_n3A_144 : vector<640xi32> to vector<640x1xi32>
    %eq3A_153 = vector.broadcast %broadcast_in_dim3A_152 : vector<640x1xi32> to vector<640x512xi32>
    %eq3A_154 = arith.cmpi eq, %iota3A_151, %eq3A_153 : vector<640x512xi32>
    %convert_element_type3A_155 = arith.extui %eq3A_154 : vector<640x512xi1> to vector<640x512xi32>
    %convert_element_type3A_156 = arith.sitofp %convert_element_type3A_155 : vector<640x512xi32> to vector<640x512xf32>
    %convert_element_type3A_157 = arith.truncf %convert_element_type3A_156 : vector<640x512xf32> to vector<640x512xbf16>
    %convert_element_type3A_158 = arith.truncf %add3A_71 : vector<200x128xf32> to vector<200x128xbf16>
    %convert_element_type3A_159 = arith.extf %convert_element_type3A_158 : vector<200x128xbf16> to vector<200x128xf32>
    %sub3A_160 = arith.subf %add3A_71, %convert_element_type3A_159 : vector<200x128xf32>
    %convert_element_type3A_161 = arith.truncf %convert_element_type3A_159 : vector<200x128xf32> to vector<200x128xbf16>
    %dot_general3A_162 = arith.constant dense<0.000000e+00> : vector<640x128xf32>
    %dot_general3A_163 = tpu.matmul %convert_element_type3A_150, %convert_element_type3A_161, %dot_general3A_162 {dimension_numbers = #tpu.dot_dimension_numbers<[1], [0], [0], [1], [0, 0, 1, 1], [], []>, transpose_lhs_hint = false} : vector<640x200xbf16>, vector<200x128xbf16>, vector<640x128xf32> -> vector<640x128xf32>
    %convert_element_type3A_164 = arith.truncf %sub3A_160 : vector<200x128xf32> to vector<200x128xbf16>
    %dot_general3A_165 = arith.constant dense<0.000000e+00> : vector<640x128xf32>
    %dot_general3A_166 = tpu.matmul %convert_element_type3A_150, %convert_element_type3A_164, %dot_general3A_165 {dimension_numbers = #tpu.dot_dimension_numbers<[1], [0], [0], [1], [0, 0, 1, 1], [], []>, transpose_lhs_hint = false} : vector<640x200xbf16>, vector<200x128xbf16>, vector<640x128xf32> -> vector<640x128xf32>
    %add3A_167 = arith.addf %dot_general3A_163, %dot_general3A_166 : vector<640x128xf32>
    %get3A_168 = arith.constant 0 : index
    %get3A_169 = arith.constant 0 : index
    %get3A_170 = vector.load %arg5[%get3A_168, %get3A_169] : memref<512x128xf32, #tpu.memory_space<vmem>>, vector<512x128xf32>
    %convert_element_type3A_171 = arith.truncf %get3A_170 : vector<512x128xf32> to vector<512x128xbf16>
    %convert_element_type3A_172 = arith.extf %convert_element_type3A_171 : vector<512x128xbf16> to vector<512x128xf32>
    %sub3A_173 = arith.subf %get3A_170, %convert_element_type3A_172 : vector<512x128xf32>
    %convert_element_type3A_174 = arith.truncf %convert_element_type3A_172 : vector<512x128xf32> to vector<512x128xbf16>
    %dot_general3A_175 = arith.constant dense<0.000000e+00> : vector<640x128xf32>
    %dot_general3A_176 = tpu.matmul %convert_element_type3A_157, %convert_element_type3A_174, %dot_general3A_175 {dimension_numbers = #tpu.dot_dimension_numbers<[1], [0], [0], [1], [0, 0, 1, 1], [], []>, transpose_lhs_hint = false} : vector<640x512xbf16>, vector<512x128xbf16>, vector<640x128xf32> -> vector<640x128xf32>
    %convert_element_type3A_177 = arith.truncf %sub3A_173 : vector<512x128xf32> to vector<512x128xbf16>
    %dot_general3A_178 = arith.constant dense<0.000000e+00> : vector<640x128xf32>
    %dot_general3A_179 = tpu.matmul %convert_element_type3A_157, %convert_element_type3A_177, %dot_general3A_178 {dimension_numbers = #tpu.dot_dimension_numbers<[1], [0], [0], [1], [0, 0, 1, 1], [], []>, transpose_lhs_hint = false} : vector<640x512xbf16>, vector<512x128xbf16>, vector<640x128xf32> -> vector<640x128xf32>
    %add3A_180 = arith.addf %dot_general3A_176, %dot_general3A_179 : vector<640x128xf32>
    %get3A_181 = arith.constant 0 : index
    %get3A_182 = arith.constant 0 : index
    %get3A_183 = arith.constant 0 : index
    %get3A_184 = vector.load %arg3[%get3A_181, %get3A_182, %get3A_183] : memref<1x1x640xf32, #tpu.memory_space<vmem>>, vector<1x1x640xf32>
    %get3A_185 = vector.shape_cast %get3A_184 : vector<1x1x640xf32> to vector<640xf32>
    %broadcast_in_dim3A_186 = vector.shape_cast %get3A_185 : vector<640xf32> to vector<640x1xf32>
    %get3A_187 = arith.constant 0 : index
    %get3A_188 = arith.constant 0 : index
    %get3A_189 = arith.constant 0 : index
    %get3A_190 = vector.load %arg4[%get3A_187, %get3A_188, %get3A_189] : memref<1x1x640xf32, #tpu.memory_space<vmem>>, vector<1x1x640xf32>
    %get3A_191 = vector.shape_cast %get3A_190 : vector<1x1x640xf32> to vector<640xf32>
    %broadcast_in_dim3A_192 = vector.shape_cast %get3A_191 : vector<640xf32> to vector<640x1xf32>
    %get3A_193 = arith.constant 0 : index
    %get3A_194 = arith.constant 0 : index
    %get3A_195 = vector.load %arg13[%get3A_193, %get3A_194] : memref<1x128xf32, #tpu.memory_space<vmem>>, vector<1x128xf32>
    %mul3A_196 = vector.broadcast %broadcast_in_dim3A_186 : vector<640x1xf32> to vector<640x128xf32>
    %mul3A_197 = vector.broadcast %get3A_195 : vector<1x128xf32> to vector<640x128xf32>
    %mul3A_198 = arith.mulf %mul3A_196, %mul3A_197 : vector<640x128xf32>
    %get3A_199 = arith.constant 0 : index
    %get3A_200 = arith.constant 0 : index
    %get3A_201 = vector.load %arg14[%get3A_199, %get3A_200] : memref<1x128xf32, #tpu.memory_space<vmem>>, vector<1x128xf32>
    %mul3A_202 = vector.broadcast %broadcast_in_dim3A_192 : vector<640x1xf32> to vector<640x128xf32>
    %mul3A_203 = vector.broadcast %get3A_201 : vector<1x128xf32> to vector<640x128xf32>
    %mul3A_204 = arith.mulf %mul3A_202, %mul3A_203 : vector<640x128xf32>
    %add3A_205 = arith.addf %mul3A_198, %mul3A_204 : vector<640x128xf32>
    %get3A_206 = arith.constant 0 : index
    %get3A_207 = arith.constant 0 : index
    %get3A_208 = vector.load %arg15[%get3A_206, %get3A_207] : memref<1x128xf32, #tpu.memory_space<vmem>>, vector<1x128xf32>
    %add3A_209 = vector.broadcast %get3A_208 : vector<1x128xf32> to vector<640x128xf32>
    %add3A_210 = arith.addf %add3A_205, %add3A_209 : vector<640x128xf32>
    %max3A_211 = arith.constant 0.000000e+00 : f32
    %max3A_212 = vector.broadcast %max3A_211 : f32 to vector<640x128xf32>
    %max3A_213 = arith.maximumf %add3A_210, %max3A_212 : vector<640x128xf32>
    %get3A_214 = arith.constant 0 : index
    %get3A_215 = arith.constant 0 : index
    %get3A_216 = vector.load %arg16[%get3A_214, %get3A_215] : memref<128x128xf32, #tpu.memory_space<vmem>>, vector<128x128xf32>
    %convert_element_type3A_217 = arith.truncf %max3A_213 : vector<640x128xf32> to vector<640x128xbf16>
    %convert_element_type3A_218 = arith.extf %convert_element_type3A_217 : vector<640x128xbf16> to vector<640x128xf32>
    %sub3A_219 = arith.subf %max3A_213, %convert_element_type3A_218 : vector<640x128xf32>
    %convert_element_type3A_220 = arith.truncf %get3A_216 : vector<128x128xf32> to vector<128x128xbf16>
    %convert_element_type3A_221 = arith.extf %convert_element_type3A_220 : vector<128x128xbf16> to vector<128x128xf32>
    %sub3A_222 = arith.subf %get3A_216, %convert_element_type3A_221 : vector<128x128xf32>
    %convert_element_type3A_223 = arith.truncf %convert_element_type3A_218 : vector<640x128xf32> to vector<640x128xbf16>
    %convert_element_type3A_224 = arith.truncf %convert_element_type3A_221 : vector<128x128xf32> to vector<128x128xbf16>
    %dot_general3A_225 = arith.constant dense<0.000000e+00> : vector<640x128xf32>
    %dot_general3A_226 = tpu.matmul %convert_element_type3A_223, %convert_element_type3A_224, %dot_general3A_225 {dimension_numbers = #tpu.dot_dimension_numbers<[1], [1], [0], [0], [0, 0, 1, 0], [], []>, transpose_lhs_hint = false} : vector<640x128xbf16>, vector<128x128xbf16>, vector<640x128xf32> -> vector<640x128xf32>
    %convert_element_type3A_227 = arith.truncf %sub3A_219 : vector<640x128xf32> to vector<640x128xbf16>
    %convert_element_type3A_228 = arith.truncf %convert_element_type3A_221 : vector<128x128xf32> to vector<128x128xbf16>
    %dot_general3A_229 = arith.constant dense<0.000000e+00> : vector<640x128xf32>
    %dot_general3A_230 = tpu.matmul %convert_element_type3A_227, %convert_element_type3A_228, %dot_general3A_229 {dimension_numbers = #tpu.dot_dimension_numbers<[1], [1], [0], [0], [0, 0, 1, 0], [], []>, transpose_lhs_hint = false} : vector<640x128xbf16>, vector<128x128xbf16>, vector<640x128xf32> -> vector<640x128xf32>
    %convert_element_type3A_231 = arith.truncf %convert_element_type3A_218 : vector<640x128xf32> to vector<640x128xbf16>
    %convert_element_type3A_232 = arith.truncf %sub3A_222 : vector<128x128xf32> to vector<128x128xbf16>
    %dot_general3A_233 = arith.constant dense<0.000000e+00> : vector<640x128xf32>
    %dot_general3A_234 = tpu.matmul %convert_element_type3A_231, %convert_element_type3A_232, %dot_general3A_233 {dimension_numbers = #tpu.dot_dimension_numbers<[1], [1], [0], [0], [0, 0, 1, 0], [], []>, transpose_lhs_hint = false} : vector<640x128xbf16>, vector<128x128xbf16>, vector<640x128xf32> -> vector<640x128xf32>
    %add3A_235 = arith.addf %dot_general3A_230, %dot_general3A_234 : vector<640x128xf32>
    %add3A_236 = arith.addf %dot_general3A_226, %add3A_235 : vector<640x128xf32>
    %get3A_237 = arith.constant 0 : index
    %get3A_238 = arith.constant 0 : index
    %get3A_239 = vector.load %arg17[%get3A_237, %get3A_238] : memref<1x128xf32, #tpu.memory_space<vmem>>, vector<1x128xf32>
    %get3A_240 = arith.constant 0 : index
    %get3A_241 = arith.constant 0 : index
    %get3A_242 = vector.load %arg18[%get3A_240, %get3A_241] : memref<1x128xf32, #tpu.memory_space<vmem>>, vector<1x128xf32>
    %reduce_sum3A_243 = arith.constant dense<0.000000e+00> : vector<640xf32>
    %reduce_sum3A_244 = vector.multi_reduction <add>, %add3A_236, %reduce_sum3A_243 [1] : vector<640x128xf32> to vector<640xf32>
    %broadcast_in_dim3A_245 = vector.shape_cast %reduce_sum3A_244 : vector<640xf32> to vector<640x1xf32>
    %div3A_246 = arith.constant 1.280000e+02 : f32
    %div3A_247 = vector.broadcast %div3A_246 : f32 to vector<640x1xf32>
    %div3A_248 = arith.divf %broadcast_in_dim3A_245, %div3A_247 : vector<640x1xf32>
    %sub3A_249 = vector.broadcast %div3A_248 : vector<640x1xf32> to vector<640x128xf32>
    %sub3A_250 = arith.subf %add3A_236, %sub3A_249 : vector<640x128xf32>
    %mul3A_251 = arith.mulf %sub3A_250, %sub3A_250 : vector<640x128xf32>
    %reduce_sum3A_252 = arith.constant dense<0.000000e+00> : vector<640xf32>
    %reduce_sum3A_253 = vector.multi_reduction <add>, %mul3A_251, %reduce_sum3A_252 [1] : vector<640x128xf32> to vector<640xf32>
    %broadcast_in_dim3A_254 = vector.shape_cast %reduce_sum3A_253 : vector<640xf32> to vector<640x1xf32>
    %div3A_255 = arith.constant 1.280000e+02 : f32
    %div3A_256 = vector.broadcast %div3A_255 : f32 to vector<640x1xf32>
    %div3A_257 = arith.divf %broadcast_in_dim3A_254, %div3A_256 : vector<640x1xf32>
    %add3A_258 = arith.constant 9.99999974E-6 : f32
    %add3A_259 = vector.broadcast %add3A_258 : f32 to vector<640x1xf32>
    %add3A_260 = arith.addf %div3A_257, %add3A_259 : vector<640x1xf32>
    %sqrt3A_261 = math.sqrt %add3A_260 : vector<640x1xf32>
    %div3A_262 = vector.broadcast %sqrt3A_261 : vector<640x1xf32> to vector<640x128xf32>
    %div3A_263 = arith.divf %sub3A_250, %div3A_262 : vector<640x128xf32>
    %mul3A_264 = vector.broadcast %get3A_239 : vector<1x128xf32> to vector<640x128xf32>
    %mul3A_265 = arith.mulf %div3A_263, %mul3A_264 : vector<640x128xf32>
    %add3A_266 = vector.broadcast %get3A_242 : vector<1x128xf32> to vector<640x128xf32>
    %add3A_267 = arith.addf %mul3A_265, %add3A_266 : vector<640x128xf32>
    %max3A_268 = arith.constant 0.000000e+00 : f32
    %max3A_269 = vector.broadcast %max3A_268 : f32 to vector<640x128xf32>
    %max3A_270 = arith.maximumf %add3A_267, %max3A_269 : vector<640x128xf32>
    %get3A_271 = arith.constant 0 : index
    %get3A_272 = arith.constant 0 : index
    %get3A_273 = vector.load %arg19[%get3A_271, %get3A_272] : memref<128x128xf32, #tpu.memory_space<vmem>>, vector<128x128xf32>
    %convert_element_type3A_274 = arith.truncf %max3A_270 : vector<640x128xf32> to vector<640x128xbf16>
    %convert_element_type3A_275 = arith.extf %convert_element_type3A_274 : vector<640x128xbf16> to vector<640x128xf32>
    %sub3A_276 = arith.subf %max3A_270, %convert_element_type3A_275 : vector<640x128xf32>
    %convert_element_type3A_277 = arith.truncf %get3A_273 : vector<128x128xf32> to vector<128x128xbf16>
    %convert_element_type3A_278 = arith.extf %convert_element_type3A_277 : vector<128x128xbf16> to vector<128x128xf32>
    %sub3A_279 = arith.subf %get3A_273, %convert_element_type3A_278 : vector<128x128xf32>
    %convert_element_type3A_280 = arith.truncf %convert_element_type3A_275 : vector<640x128xf32> to vector<640x128xbf16>
    %convert_element_type3A_281 = arith.truncf %convert_element_type3A_278 : vector<128x128xf32> to vector<128x128xbf16>
    %dot_general3A_282 = arith.constant dense<0.000000e+00> : vector<640x128xf32>
    %dot_general3A_283 = tpu.matmul %convert_element_type3A_280, %convert_element_type3A_281, %dot_general3A_282 {dimension_numbers = #tpu.dot_dimension_numbers<[1], [1], [0], [0], [0, 0, 1, 0], [], []>, transpose_lhs_hint = false} : vector<640x128xbf16>, vector<128x128xbf16>, vector<640x128xf32> -> vector<640x128xf32>
    %convert_element_type3A_284 = arith.truncf %sub3A_276 : vector<640x128xf32> to vector<640x128xbf16>
    %convert_element_type3A_285 = arith.truncf %convert_element_type3A_278 : vector<128x128xf32> to vector<128x128xbf16>
    %dot_general3A_286 = arith.constant dense<0.000000e+00> : vector<640x128xf32>
    %dot_general3A_287 = tpu.matmul %convert_element_type3A_284, %convert_element_type3A_285, %dot_general3A_286 {dimension_numbers = #tpu.dot_dimension_numbers<[1], [1], [0], [0], [0, 0, 1, 0], [], []>, transpose_lhs_hint = false} : vector<640x128xbf16>, vector<128x128xbf16>, vector<640x128xf32> -> vector<640x128xf32>
    %convert_element_type3A_288 = arith.truncf %convert_element_type3A_275 : vector<640x128xf32> to vector<640x128xbf16>
    %convert_element_type3A_289 = arith.truncf %sub3A_279 : vector<128x128xf32> to vector<128x128xbf16>
    %dot_general3A_290 = arith.constant dense<0.000000e+00> : vector<640x128xf32>
    %dot_general3A_291 = tpu.matmul %convert_element_type3A_288, %convert_element_type3A_289, %dot_general3A_290 {dimension_numbers = #tpu.dot_dimension_numbers<[1], [1], [0], [0], [0, 0, 1, 0], [], []>, transpose_lhs_hint = false} : vector<640x128xbf16>, vector<128x128xbf16>, vector<640x128xf32> -> vector<640x128xf32>
    %add3A_292 = arith.addf %dot_general3A_287, %dot_general3A_291 : vector<640x128xf32>
    %add3A_293 = arith.addf %dot_general3A_283, %add3A_292 : vector<640x128xf32>
    %add3A_294 = arith.addf %add3A_293, %add3A_167 : vector<640x128xf32>
    %add3A_295 = arith.addf %add3A_294, %add3A_180 : vector<640x128xf32>
    %get3A_296 = arith.constant 0 : index
    %get3A_297 = arith.constant 0 : index
    %get3A_298 = vector.load %arg20[%get3A_296, %get3A_297] : memref<1x128xf32, #tpu.memory_space<vmem>>, vector<1x128xf32>
    %get3A_299 = arith.constant 0 : index
    %get3A_300 = arith.constant 0 : index
    %get3A_301 = vector.load %arg21[%get3A_299, %get3A_300] : memref<1x128xf32, #tpu.memory_space<vmem>>, vector<1x128xf32>
    %reduce_sum3A_302 = arith.constant dense<0.000000e+00> : vector<640xf32>
    %reduce_sum3A_303 = vector.multi_reduction <add>, %add3A_295, %reduce_sum3A_302 [1] : vector<640x128xf32> to vector<640xf32>
    %broadcast_in_dim3A_304 = vector.shape_cast %reduce_sum3A_303 : vector<640xf32> to vector<640x1xf32>
    %div3A_305 = arith.constant 1.280000e+02 : f32
    %div3A_306 = vector.broadcast %div3A_305 : f32 to vector<640x1xf32>
    %div3A_307 = arith.divf %broadcast_in_dim3A_304, %div3A_306 : vector<640x1xf32>
    %sub3A_308 = vector.broadcast %div3A_307 : vector<640x1xf32> to vector<640x128xf32>
    %sub3A_309 = arith.subf %add3A_295, %sub3A_308 : vector<640x128xf32>
    %mul3A_310 = arith.mulf %sub3A_309, %sub3A_309 : vector<640x128xf32>
    %reduce_sum3A_311 = arith.constant dense<0.000000e+00> : vector<640xf32>
    %reduce_sum3A_312 = vector.multi_reduction <add>, %mul3A_310, %reduce_sum3A_311 [1] : vector<640x128xf32> to vector<640xf32>
    %broadcast_in_dim3A_313 = vector.shape_cast %reduce_sum3A_312 : vector<640xf32> to vector<640x1xf32>
    %div3A_314 = arith.constant 1.280000e+02 : f32
    %div3A_315 = vector.broadcast %div3A_314 : f32 to vector<640x1xf32>
    %div3A_316 = arith.divf %broadcast_in_dim3A_313, %div3A_315 : vector<640x1xf32>
    %add3A_317 = arith.constant 9.99999974E-6 : f32
    %add3A_318 = vector.broadcast %add3A_317 : f32 to vector<640x1xf32>
    %add3A_319 = arith.addf %div3A_316, %add3A_318 : vector<640x1xf32>
    %sqrt3A_320 = math.sqrt %add3A_319 : vector<640x1xf32>
    %div3A_321 = vector.broadcast %sqrt3A_320 : vector<640x1xf32> to vector<640x128xf32>
    %div3A_322 = arith.divf %sub3A_309, %div3A_321 : vector<640x128xf32>
    %mul3A_323 = vector.broadcast %get3A_298 : vector<1x128xf32> to vector<640x128xf32>
    %mul3A_324 = arith.mulf %div3A_322, %mul3A_323 : vector<640x128xf32>
    %add3A_325 = vector.broadcast %get3A_301 : vector<1x128xf32> to vector<640x128xf32>
    %add3A_326 = arith.addf %mul3A_324, %add3A_325 : vector<640x128xf32>
    %max3A_327 = arith.constant 0.000000e+00 : f32
    %max3A_328 = vector.broadcast %max3A_327 : f32 to vector<640x128xf32>
    %max3A_329 = arith.maximumf %add3A_326, %max3A_328 : vector<640x128xf32>
    %get3A_330 = arith.constant 0 : index
    %get3A_331 = arith.constant 0 : index
    %get3A_332 = vector.load %arg22[%get3A_330, %get3A_331] : memref<128x128xf32, #tpu.memory_space<vmem>>, vector<128x128xf32>
    %convert_element_type3A_333 = arith.truncf %max3A_329 : vector<640x128xf32> to vector<640x128xbf16>
    %convert_element_type3A_334 = arith.extf %convert_element_type3A_333 : vector<640x128xbf16> to vector<640x128xf32>
    %sub3A_335 = arith.subf %max3A_329, %convert_element_type3A_334 : vector<640x128xf32>
    %convert_element_type3A_336 = arith.truncf %get3A_332 : vector<128x128xf32> to vector<128x128xbf16>
    %convert_element_type3A_337 = arith.extf %convert_element_type3A_336 : vector<128x128xbf16> to vector<128x128xf32>
    %sub3A_338 = arith.subf %get3A_332, %convert_element_type3A_337 : vector<128x128xf32>
    %convert_element_type3A_339 = arith.truncf %convert_element_type3A_334 : vector<640x128xf32> to vector<640x128xbf16>
    %convert_element_type3A_340 = arith.truncf %convert_element_type3A_337 : vector<128x128xf32> to vector<128x128xbf16>
    %dot_general3A_341 = arith.constant dense<0.000000e+00> : vector<640x128xf32>
    %dot_general3A_342 = tpu.matmul %convert_element_type3A_339, %convert_element_type3A_340, %dot_general3A_341 {dimension_numbers = #tpu.dot_dimension_numbers<[1], [1], [0], [0], [0, 0, 1, 0], [], []>, transpose_lhs_hint = false} : vector<640x128xbf16>, vector<128x128xbf16>, vector<640x128xf32> -> vector<640x128xf32>
    %convert_element_type3A_343 = arith.truncf %sub3A_335 : vector<640x128xf32> to vector<640x128xbf16>
    %convert_element_type3A_344 = arith.truncf %convert_element_type3A_337 : vector<128x128xf32> to vector<128x128xbf16>
    %dot_general3A_345 = arith.constant dense<0.000000e+00> : vector<640x128xf32>
    %dot_general3A_346 = tpu.matmul %convert_element_type3A_343, %convert_element_type3A_344, %dot_general3A_345 {dimension_numbers = #tpu.dot_dimension_numbers<[1], [1], [0], [0], [0, 0, 1, 0], [], []>, transpose_lhs_hint = false} : vector<640x128xbf16>, vector<128x128xbf16>, vector<640x128xf32> -> vector<640x128xf32>
    %convert_element_type3A_347 = arith.truncf %convert_element_type3A_334 : vector<640x128xf32> to vector<640x128xbf16>
    %convert_element_type3A_348 = arith.truncf %sub3A_338 : vector<128x128xf32> to vector<128x128xbf16>
    %dot_general3A_349 = arith.constant dense<0.000000e+00> : vector<640x128xf32>
    %dot_general3A_350 = tpu.matmul %convert_element_type3A_347, %convert_element_type3A_348, %dot_general3A_349 {dimension_numbers = #tpu.dot_dimension_numbers<[1], [1], [0], [0], [0, 0, 1, 0], [], []>, transpose_lhs_hint = false} : vector<640x128xbf16>, vector<128x128xbf16>, vector<640x128xf32> -> vector<640x128xf32>
    %add3A_351 = arith.addf %dot_general3A_346, %dot_general3A_350 : vector<640x128xf32>
    %add3A_352 = arith.addf %dot_general3A_342, %add3A_351 : vector<640x128xf32>
    %convert_element_type3A_353 = arith.truncf %add3A_352 : vector<640x128xf32> to vector<640x128xbf16>
    %convert_element_type3A_354 = arith.extf %convert_element_type3A_353 : vector<640x128xbf16> to vector<640x128xf32>
    %sub3A_355 = arith.subf %add3A_352, %convert_element_type3A_354 : vector<640x128xf32>
    %convert_element_type3A_356 = arith.truncf %convert_element_type3A_354 : vector<640x128xf32> to vector<640x128xbf16>
    %dot_general3A_357 = arith.constant dense<0.000000e+00> : vector<200x128xf32>
    %dot_general3A_358 = tpu.matmul %convert_element_type3A_150, %convert_element_type3A_356, %dot_general3A_357 {dimension_numbers = #tpu.dot_dimension_numbers<[0], [0], [1], [1], [0, 1, 1, 1], [], []>, transpose_lhs_hint = false} : vector<640x200xbf16>, vector<640x128xbf16>, vector<200x128xf32> -> vector<200x128xf32>
    %convert_element_type3A_359 = arith.truncf %sub3A_355 : vector<640x128xf32> to vector<640x128xbf16>
    %dot_general3A_360 = arith.constant dense<0.000000e+00> : vector<200x128xf32>
    %dot_general3A_361 = tpu.matmul %convert_element_type3A_150, %convert_element_type3A_359, %dot_general3A_360 {dimension_numbers = #tpu.dot_dimension_numbers<[0], [0], [1], [1], [0, 1, 1, 1], [], []>, transpose_lhs_hint = false} : vector<640x200xbf16>, vector<640x128xbf16>, vector<200x128xf32> -> vector<200x128xf32>
    %add3A_362 = arith.addf %dot_general3A_358, %dot_general3A_361 : vector<200x128xf32>
    %add3A_363 = arith.addf %add3A_94, %add3A_362 : vector<200x128xf32>
    %max3A_364 = arith.constant 0.000000e+00 : f32
    %max3A_365 = vector.broadcast %max3A_364 : f32 to vector<200x128xf32>
    %max3A_366 = arith.maximumf %add3A_363, %max3A_365 : vector<200x128xf32>
    %get3A_367 = arith.constant 0 : index
    %get3A_368 = arith.constant 0 : index
    %get3A_369 = vector.load %arg24[%get3A_367, %get3A_368] : memref<128x128xf32, #tpu.memory_space<vmem>>, vector<128x128xf32>
    %convert_element_type3A_370 = arith.truncf %max3A_366 : vector<200x128xf32> to vector<200x128xbf16>
    %convert_element_type3A_371 = arith.extf %convert_element_type3A_370 : vector<200x128xbf16> to vector<200x128xf32>
    %sub3A_372 = arith.subf %max3A_366, %convert_element_type3A_371 : vector<200x128xf32>
    %convert_element_type3A_373 = arith.truncf %get3A_369 : vector<128x128xf32> to vector<128x128xbf16>
    %convert_element_type3A_374 = arith.extf %convert_element_type3A_373 : vector<128x128xbf16> to vector<128x128xf32>
    %sub3A_375 = arith.subf %get3A_369, %convert_element_type3A_374 : vector<128x128xf32>
    %convert_element_type3A_376 = arith.truncf %convert_element_type3A_371 : vector<200x128xf32> to vector<200x128xbf16>
    %convert_element_type3A_377 = arith.truncf %convert_element_type3A_374 : vector<128x128xf32> to vector<128x128xbf16>
    %dot_general3A_378 = arith.constant dense<0.000000e+00> : vector<200x128xf32>
    %dot_general3A_379 = tpu.matmul %convert_element_type3A_376, %convert_element_type3A_377, %dot_general3A_378 {dimension_numbers = #tpu.dot_dimension_numbers<[1], [1], [0], [0], [0, 0, 1, 0], [], []>, transpose_lhs_hint = false} : vector<200x128xbf16>, vector<128x128xbf16>, vector<200x128xf32> -> vector<200x128xf32>
    %convert_element_type3A_380 = arith.truncf %sub3A_372 : vector<200x128xf32> to vector<200x128xbf16>
    %convert_element_type3A_381 = arith.truncf %convert_element_type3A_374 : vector<128x128xf32> to vector<128x128xbf16>
    %dot_general3A_382 = arith.constant dense<0.000000e+00> : vector<200x128xf32>
    %dot_general3A_383 = tpu.matmul %convert_element_type3A_380, %convert_element_type3A_381, %dot_general3A_382 {dimension_numbers = #tpu.dot_dimension_numbers<[1], [1], [0], [0], [0, 0, 1, 0], [], []>, transpose_lhs_hint = false} : vector<200x128xbf16>, vector<128x128xbf16>, vector<200x128xf32> -> vector<200x128xf32>
    %convert_element_type3A_384 = arith.truncf %convert_element_type3A_371 : vector<200x128xf32> to vector<200x128xbf16>
    %convert_element_type3A_385 = arith.truncf %sub3A_375 : vector<128x128xf32> to vector<128x128xbf16>
    %dot_general3A_386 = arith.constant dense<0.000000e+00> : vector<200x128xf32>
    %dot_general3A_387 = tpu.matmul %convert_element_type3A_384, %convert_element_type3A_385, %dot_general3A_386 {dimension_numbers = #tpu.dot_dimension_numbers<[1], [1], [0], [0], [0, 0, 1, 0], [], []>, transpose_lhs_hint = false} : vector<200x128xbf16>, vector<128x128xbf16>, vector<200x128xf32> -> vector<200x128xf32>
    %add3A_388 = arith.addf %dot_general3A_383, %dot_general3A_387 : vector<200x128xf32>
    %add3A_389 = arith.addf %dot_general3A_379, %add3A_388 : vector<200x128xf32>
    %get3A_390 = arith.constant 0 : index
    %get3A_391 = arith.constant 0 : index
    %get3A_392 = vector.load %arg25[%get3A_390, %get3A_391] : memref<1x128xf32, #tpu.memory_space<vmem>>, vector<1x128xf32>
    %get3A_393 = arith.constant 0 : index
    %get3A_394 = arith.constant 0 : index
    %get3A_395 = vector.load %arg26[%get3A_393, %get3A_394] : memref<1x128xf32, #tpu.memory_space<vmem>>, vector<1x128xf32>
    %reduce_sum3A_396 = arith.constant dense<0.000000e+00> : vector<200xf32>
    %reduce_sum3A_397 = vector.multi_reduction <add>, %add3A_389, %reduce_sum3A_396 [1] : vector<200x128xf32> to vector<200xf32>
    %broadcast_in_dim3A_398 = vector.shape_cast %reduce_sum3A_397 : vector<200xf32> to vector<200x1xf32>
    %div3A_399 = arith.constant 1.280000e+02 : f32
    %div3A_400 = vector.broadcast %div3A_399 : f32 to vector<200x1xf32>
    %div3A_401 = arith.divf %broadcast_in_dim3A_398, %div3A_400 : vector<200x1xf32>
    %sub3A_402 = vector.broadcast %div3A_401 : vector<200x1xf32> to vector<200x128xf32>
    %sub3A_403 = arith.subf %add3A_389, %sub3A_402 : vector<200x128xf32>
    %mul3A_404 = arith.mulf %sub3A_403, %sub3A_403 : vector<200x128xf32>
    %reduce_sum3A_405 = arith.constant dense<0.000000e+00> : vector<200xf32>
    %reduce_sum3A_406 = vector.multi_reduction <add>, %mul3A_404, %reduce_sum3A_405 [1] : vector<200x128xf32> to vector<200xf32>
    %broadcast_in_dim3A_407 = vector.shape_cast %reduce_sum3A_406 : vector<200xf32> to vector<200x1xf32>
    %div3A_408 = arith.constant 1.280000e+02 : f32
    %div3A_409 = vector.broadcast %div3A_408 : f32 to vector<200x1xf32>
    %div3A_410 = arith.divf %broadcast_in_dim3A_407, %div3A_409 : vector<200x1xf32>
    %add3A_411 = arith.constant 9.99999974E-6 : f32
    %add3A_412 = vector.broadcast %add3A_411 : f32 to vector<200x1xf32>
    %add3A_413 = arith.addf %div3A_410, %add3A_412 : vector<200x1xf32>
    %sqrt3A_414 = math.sqrt %add3A_413 : vector<200x1xf32>
    %div3A_415 = vector.broadcast %sqrt3A_414 : vector<200x1xf32> to vector<200x128xf32>
    %div3A_416 = arith.divf %sub3A_403, %div3A_415 : vector<200x128xf32>
    %mul3A_417 = vector.broadcast %get3A_392 : vector<1x128xf32> to vector<200x128xf32>
    %mul3A_418 = arith.mulf %div3A_416, %mul3A_417 : vector<200x128xf32>
    %add3A_419 = vector.broadcast %get3A_395 : vector<1x128xf32> to vector<200x128xf32>
    %add3A_420 = arith.addf %mul3A_418, %add3A_419 : vector<200x128xf32>
    %add3A_421 = arith.addf %add3A_420, %get3A_1 : vector<200x128xf32>
    %max3A_422 = arith.constant 0.000000e+00 : f32
    %max3A_423 = vector.broadcast %max3A_422 : f32 to vector<200x128xf32>
    %max3A_424 = arith.maximumf %add3A_421, %max3A_423 : vector<200x128xf32>
    %swap3A = arith.constant 0 : index
    %swap3A_425 = arith.constant 0 : index
    %swap3A_426 = vector.load %arg27[%swap3A, %swap3A_425] : memref<200x128xf32, #tpu.memory_space<vmem>>, vector<200x128xf32>
    tpu.vector_store %arg27[%swap3A, %swap3A_425], %max3A_424 {strides = array<i32>} : memref<200x128xf32, #tpu.memory_space<vmem>>, vector<200x128xf32>,
    return
  }
  func.func @transform_0(%arg0: i32) -> (i32, i32) {
    %c0_i32 = arith.constant 0 : i32
    %c0_i32_0 = arith.constant 0 : i32
    return %arg0, %c0_i32 : i32, i32
  }
  func.func @transform_1(%arg0: i32) -> (i32, i32, i32) {
    %c0_i32 = arith.constant 0 : i32
    %c0_i32_0 = arith.constant 0 : i32
    %c0_i32_1 = arith.constant 0 : i32
    return %arg0, %c0_i32, %c0_i32_0 : i32, i32, i32
  }
  func.func @transform_2(%arg0: i32) -> (i32, i32, i32) {
    %c0_i32 = arith.constant 0 : i32
    %c0_i32_0 = arith.constant 0 : i32
    %c0_i32_1 = arith.constant 0 : i32
    return %arg0, %c0_i32, %c0_i32_0 : i32, i32, i32
  }
  func.func @transform_3(%arg0: i32) -> (i32, i32, i32) {
    %c0_i32 = arith.constant 0 : i32
    %c0_i32_0 = arith.constant 0 : i32
    %c0_i32_1 = arith.constant 0 : i32
    return %arg0, %c0_i32, %c0_i32_0 : i32, i32, i32
  }
  func.func @transform_4(%arg0: i32) -> (i32, i32) {
    %c0_i32 = arith.constant 0 : i32
    %c0_i32_0 = arith.constant 0 : i32
    %c0_i32_1 = arith.constant 0 : i32
    return %c0_i32, %c0_i32_0 : i32, i32
  }
  func.func @transform_5(%arg0: i32) -> (i32, i32) {
    %c0_i32 = arith.constant 0 : i32
    %c0_i32_0 = arith.constant 0 : i32
    %c0_i32_1 = arith.constant 0 : i32
    return %c0_i32, %c0_i32_0 : i32, i32
  }
  func.func @transform_6(%arg0: i32) -> (i32, i32) {
    %c0_i32 = arith.constant 0 : i32
    %c0_i32_0 = arith.constant 0 : i32
    %c0_i32_1 = arith.constant 0 : i32
    return %c0_i32, %c0_i32_0 : i32, i32
  }
  func.func @transform_7(%arg0: i32) -> (i32, i32) {
    %c0_i32 = arith.constant 0 : i32
    %c0_i32_0 = arith.constant 0 : i32
    %c0_i32_1 = arith.constant 0 : i32
    return %c0_i32, %c0_i32_0 : i32, i32
  }
  func.func @transform_8(%arg0: i32) -> (i32, i32) {
    %c0_i32 = arith.constant 0 : i32
    %c0_i32_0 = arith.constant 0 : i32
    %c0_i32_1 = arith.constant 0 : i32
    return %c0_i32, %c0_i32_0 : i32, i32
  }
  func.func @transform_9(%arg0: i32) -> (i32, i32) {
    %c0_i32 = arith.constant 0 : i32
    %c0_i32_0 = arith.constant 0 : i32
    %c0_i32_1 = arith.constant 0 : i32
    return %c0_i32, %c0_i32_0 : i32, i32
  }
  func.func @transform_10(%arg0: i32) -> (i32, i32) {
    %c0_i32 = arith.constant 0 : i32
    %c0_i32_0 = arith.constant 0 : i32
    %c0_i32_1 = arith.constant 0 : i32
    return %c0_i32, %c0_i32_0 : i32, i32
  }
  func.func @transform_11(%arg0: i32) -> (i32, i32) {
    %c0_i32 = arith.constant 0 : i32
    %c0_i32_0 = arith.constant 0 : i32
    %c0_i32_1 = arith.constant 0 : i32
    return %c0_i32, %c0_i32_0 : i32, i32
  }
  func.func @transform_12(%arg0: i32) -> (i32, i32) {
    %c0_i32 = arith.constant 0 : i32
    %c0_i32_0 = arith.constant 0 : i32
    %c0_i32_1 = arith.constant 0 : i32
    return %c0_i32, %c0_i32_0 : i32, i32
  }
  func.func @transform_13(%arg0: i32) -> (i32, i32) {
    %c0_i32 = arith.constant 0 : i32
    %c0_i32_0 = arith.constant 0 : i32
    %c0_i32_1 = arith.constant 0 : i32
    return %c0_i32, %c0_i32_0 : i32, i32
  }
  func.func @transform_14(%arg0: i32) -> (i32, i32) {
    %c0_i32 = arith.constant 0 : i32
    %c0_i32_0 = arith.constant 0 : i32
    %c0_i32_1 = arith.constant 0 : i32
    return %c0_i32, %c0_i32_0 : i32, i32
  }
  func.func @transform_15(%arg0: i32) -> (i32, i32) {
    %c0_i32 = arith.constant 0 : i32
    %c0_i32_0 = arith.constant 0 : i32
    %c0_i32_1 = arith.constant 0 : i32
    return %c0_i32, %c0_i32_0 : i32, i32
  }
  func.func @transform_16(%arg0: i32) -> (i32, i32) {
    %c0_i32 = arith.constant 0 : i32
    %c0_i32_0 = arith.constant 0 : i32
    %c0_i32_1 = arith.constant 0 : i32
    return %c0_i32, %c0_i32_0 : i32, i32
  }
  func.func @transform_17(%arg0: i32) -> (i32, i32) {
    %c0_i32 = arith.constant 0 : i32
    %c0_i32_0 = arith.constant 0 : i32
    %c0_i32_1 = arith.constant 0 : i32
    return %c0_i32, %c0_i32_0 : i32, i32
  }
  func.func @transform_18(%arg0: i32) -> (i32, i32) {
    %c0_i32 = arith.constant 0 : i32
    %c0_i32_0 = arith.constant 0 : i32
    %c0_i32_1 = arith.constant 0 : i32
    return %c0_i32, %c0_i32_0 : i32, i32
  }
  func.func @transform_19(%arg0: i32) -> (i32, i32) {
    %c0_i32 = arith.constant 0 : i32
    %c0_i32_0 = arith.constant 0 : i32
    %c0_i32_1 = arith.constant 0 : i32
    return %c0_i32, %c0_i32_0 : i32, i32
  }
  func.func @transform_20(%arg0: i32) -> (i32, i32) {
    %c0_i32 = arith.constant 0 : i32
    %c0_i32_0 = arith.constant 0 : i32
    %c0_i32_1 = arith.constant 0 : i32
    return %c0_i32, %c0_i32_0 : i32, i32
  }
  func.func @transform_21(%arg0: i32) -> (i32, i32) {
    %c0_i32 = arith.constant 0 : i32
    %c0_i32_0 = arith.constant 0 : i32
    %c0_i32_1 = arith.constant 0 : i32
    return %c0_i32, %c0_i32_0 : i32, i32
  }
  func.func @transform_22(%arg0: i32) -> (i32, i32) {
    %c0_i32 = arith.constant 0 : i32
    %c0_i32_0 = arith.constant 0 : i32
    %c0_i32_1 = arith.constant 0 : i32
    return %c0_i32, %c0_i32_0 : i32, i32
  }
  func.func @transform_23(%arg0: i32) -> (i32, i32) {
    %c0_i32 = arith.constant 0 : i32
    %c0_i32_0 = arith.constant 0 : i32
    %c0_i32_1 = arith.constant 0 : i32
    return %c0_i32, %c0_i32_0 : i32, i32
  }
  func.func @transform_24(%arg0: i32) -> (i32, i32) {
    %c0_i32 = arith.constant 0 : i32
    %c0_i32_0 = arith.constant 0 : i32
    %c0_i32_1 = arith.constant 0 : i32
    return %c0_i32, %c0_i32_0 : i32, i32
  }
  func.func @transform_25(%arg0: i32) -> (i32, i32) {
    %c0_i32 = arith.constant 0 : i32
    %c0_i32_0 = arith.constant 0 : i32
    %c0_i32_1 = arith.constant 0 : i32
    return %c0_i32, %c0_i32_0 : i32, i32
  }
  func.func @transform_26(%arg0: i32) -> (i32, i32) {
    %c0_i32 = arith.constant 0 : i32
    %c0_i32_0 = arith.constant 0 : i32
    return %arg0, %c0_i32 : i32, i32
  }
}

</mosaic_0001>

<sc_bundles>
// kernel: kernel.6.cloned.1.call-start
scs
__scs_entry_jumppad:
0x0: {  	(pc) =	sbr.rel $0x88, $3  }
0x1: {  	(tag) =	ssettag $0x0;
	lr =	simm.s32 $0x1  }
0x2: {  	[smem:$0x3F7A] =	sst lr;
	_ =	strace $0xD0000000  }
0x3: {  	_ = 	snop  }
0x4: {  	_ = 	snop  }
0x5: {  	_ = 	snop  }
0x6: {  	_ = 	snop  }
0x7: {  	_ = 	snop  }
__scs_overlays_trampoline_lowered:
0x8: {  	[smem:$0x3F89] =	sst s0  }
0x9: {  	[smem:$0x3F8A] =	sst s1  }
0xa: {  	[smem:$0x3F8B] =	sst s2  }
0xb: {  	[smem:$0x3F8C] =	sst s3  }
0xc: {  	[smem:$0x3F8D] =	sst s4  }
0xd: {  	[smem:$0x3F8E] =	sst s5  }
0xe: {  	[smem:$0x3F8F] =	sst s6  }
0xf: {  	[smem:$0x3F90] =	sst s7  }
0x10: {  	[smem:$0x3F91] =	sst s8  }
0x11: {  	[smem:$0x3F92] =	sst s9;
	s0 =	simm.s32 @!p0 $0x0  }
0x12: {  	s1 =	sld [smem:$0x3F78];
	s0 =	simm.s32 @p0 $0x1  }
0x13: {  	[smem:$0x3F93] =	sst s0;
	s0 =	simm.s32 @!p1 $0x0  }
0x14: {  	s2 =	sld [smem:$0x3F77];
	s0 =	simm.s32 @p1 $0x1  }
0x15: {  	[smem:$0x3F94] =	sst s0;
	s0 =	simm.s32 @!p2 $0x0  }
0x16: {  	s3 =	sld [smem:$0x3FDB];
	s0 =	simm.s32 @p2 $0x1  }
0x17: {  	s4 =	simm.s32 $0x1BF5;
	[smem:$0x3F96] =	sst s0  }
0x18: {  	s0 =	sld [smem:$0x3F79];
	_ =	swait.ge [sflag:s4], $0x0  }
0x19: {  	s7 =	sld [smem:$0x3F7A]  }
0x1a: {  	s8 =	sadd.s32 $0xFFFFE003, lr  }
0x1b: {  	s9 =	sadd.s32 $0xFFFFFEF7, lr;
	s5 =	simm.s32 $0xFFFFFFFF;
	p2 =	slt.u32 s8, $0xFFFFF086  }
0x1c: {  	p1 =	slt.u32 s9, $0xF7A;
	s5 =	simm.s32 @!p2 $0x0  }
0x1d: {  	s5 =	simm.s32 @p1 $0x1;
	p0 =	seq.s32 s7, s2  }
0x1e: {  	s7 =	smul.u32 @!p0 $0xF7A, s2;
	p2 =	seq.s32 @!p0 s5, $0x0  }
0x1f: {  	s9 =	smul.u32 $0xF7A, s1;
	s8 =	simm.s32 @!p0 $0x1BF5;
	p2 =	por !p2, p0  }
0x20: {  	[sflag:s8] =	ssyncset.s32 @!p0 $0xFFFFF086;
	s6 =	sadd.s32 @!p0 s3, s7;
	s7 =	simm.s32 @!p0 $0x108  }
0x21: {  	s3 =	sadd.s32 s3, s9;
	s6 =	sadd.s32 @!p0 $0x88, s6;
	s7 =	simm.s32 @p2 $0x1082  }
0x22: {  	[simem:s7], [sflag:s8] =	dma.local @!p0 [hbm:s6], $0xF7A  }
0x23: {  	s9 =	sor.u32 $0xD0000000, s2;
	s6 =	simm.s32 $0x108;
	_ =	swait.ge @!p0 [sflag:s8], $0x0  }
0x24: {  	s3 =	sadd.s32 $0x88, s3;
	s6 =	simm.s32 @!p1 $0x1082;
	[sflag:s4] =	ssyncset.s32 $0xFFFFF086  }
0x25: {  	[simem:s6], [sflag:s4] =	dma.local [hbm:s3], $0xF7A  }
0x26: {  	[smem:$0x3F7A] =	sst s1;
	(tag) =	ssettag s2;
	_ =	strace s9  }
0x27: {  	s1 =	sld [smem:$0x3F8A]  }
0x28: {  	s2 =	sld [smem:$0x3F8B]  }
0x29: {  	s4 =	sld [smem:$0x3F8D]  }
0x2a: {  	p0 =	seq.s32 s5, $0x0;
	s5 =	sld [smem:$0x3F8E]  }
0x2b: {  	s6 =	sld [smem:$0x3F8F]  }
0x2c: {  	s7 =	sld [smem:$0x3F90]  }
0x2d: {  	s3 =	simm.s32 $0x108;
	s8 =	sld [smem:$0x3F91]  }
0x2e: {  	s3 =	simm.s32 @!p0 $0x1082;
	s9 =	sld [smem:$0x3F92]  }
0x2f: {  	lr =	sadd.s32 s0, s3;
	s0 =	sld [smem:$0x3F89]  }
0x30: {  	s3 =	sld [smem:$0x3F8C]  }
0x31: {  	[smem:$0x3F95] =	sst s10  }
0x32: {  	s10 =	sld [smem:$0x3F93];
	_ =	sdelay $0x3  }
0x33: {  	p0 =	seq.s32 s10, $0x1;
	s10 =	sld [smem:$0x3F95];
	_ =	sdelay $0x3  }
0x34: {  	[smem:$0x3F95] =	sst s10  }
0x35: {  	s10 =	sld [smem:$0x3F94];
	_ =	sdelay $0x3  }
0x36: {  	p1 =	seq.s32 s10, $0x1;
	s10 =	sld [smem:$0x3F95];
	_ =	sdelay $0x3  }
0x37: {  	[smem:$0x3F95] =	sst s10  }
0x38: {  	s10 =	sld [smem:$0x3F96]  }
0x39: {  	_ = 	snop;
	(pc) =	sbr.ind lr, $3  }
0x3a: {  	_ = 	snop  }
0x3b: {  	_ = 	snop  }
0x3c: {  	p2 =	seq.s32 s10, $0x1;
	s10 =	sld [smem:$0x3F95]  }
0x3d: {  	_ =	shalt  }
0x3e: {  	_ =	shalt  }
0x3f: {  	_ =	shalt  }
0x40: {  	_ =	shalt  }
0x41: {  	_ =	shalt  }
0x42: {  	_ =	shalt  }
0x43: {  	_ =	shalt  }
0x44: {  	_ =	shalt  }
0x45: {  	_ =	shalt  }
0x46: {  	_ =	shalt  }
0x47: {  	_ =	shalt  }
0x48: {  	_ =	shalt  }
0x49: {  	_ =	shalt  }
0x4a: {  	_ =	shalt  }
0x4b: {  	_ =	shalt  }
0x4c: {  	_ =	shalt  }
0x4d: {  	_ =	shalt  }
0x4e: {  	_ =	shalt  }
0x4f: {  	_ =	shalt  }
0x50: {  	_ =	shalt  }
0x51: {  	_ =	shalt  }
0x52: {  	_ =	shalt  }
0x53: {  	_ =	shalt  }
0x54: {  	_ =	shalt  }
0x55: {  	_ =	shalt  }
0x56: {  	_ =	shalt  }
0x57: {  	_ =	shalt  }
0x58: {  	_ =	shalt  }
0x59: {  	_ =	shalt  }
0x5a: {  	_ =	shalt  }
0x5b: {  	_ =	shalt  }
0x5c: {  	_ =	shalt  }
0x5d: {  	_ =	shalt  }
0x5e: {  	_ =	shalt  }
0x5f: {  	_ =	shalt  }
0x60: {  	_ =	shalt  }
0x61: {  	_ =	shalt  }
0x62: {  	_ =	shalt  }
0x63: {  	_ =	shalt  }
0x64: {  	_ =	shalt  }
0x65: {  	_ =	shalt  }
0x66: {  	_ =	shalt  }
0x67: {  	_ =	shalt  }
0x68: {  	_ =	shalt  }
0x69: {  	_ =	shalt  }
0x6a: {  	_ =	shalt  }
0x6b: {  	_ =	shalt  }
0x6c: {  	_ =	shalt  }
0x6d: {  	_ =	shalt  }
0x6e: {  	_ =	shalt  }
0x6f: {  	_ =	shalt  }
0x70: {  	_ =	shalt  }
0x71: {  	_ =	shalt  }
0x72: {  	_ =	shalt  }
0x73: {  	_ =	shalt  }
0x74: {  	_ =	shalt  }
0x75: {  	_ =	shalt  }
0x76: {  	_ =	shalt  }
0x77: {  	_ =	shalt  }
0x78: {  	_ =	shalt  }
0x79: {  	_ =	shalt  }
0x7a: {  	_ =	shalt  }
0x7b: {  	_ =	shalt  }
0x7c: {  	_ =	shalt  }
0x7d: {  	_ =	shalt  }
0x7e: {  	_ =	shalt  }
0x7f: {  	_ =	shalt  }
0x80: {  	_ =	shalt  }
0x81: {  	_ =	shalt  }
0x82: {  	_ =	shalt  }
0x83: {  	_ =	shalt  }
0x84: {  	_ =	shalt  }
0x85: {  	_ =	shalt  }
0x86: {  	_ =	shalt  }
0x87: {  	_ =	shalt  }
.Lfunc_end0:
.L_simem_size_0:
called_computation_lowered:
.L_overlay_start_0:
0x88: {  	s2 =	sld [smem:$0x3FD9]  }
0x89: {  	s3 =	sld [smem:$0x3FFE];
	_ =	sdelay $0x1  }
0x8a: {  	s1 =	srdreg.scid  }
0x8b: {  	s0 =	sand.u32 $0x1, s1  }
0x8c: {  	s17 =	sshll.u32 s0, $0xA;
	s2 =	sadd.s32 s3, s2  }
0x8d: {  	s2 =	sadd.s32 s2, s17  }
0x8e: {  	[smem:$0x3FA1] =	sst s2  }
0x8f: {  	_ = 	snop  }
0x90: {  	s2 =	sld [smem:$0x3FD0];
	(tm) =	ssettm $0x1  }
0x91: {  	s18 =	sld [smem:$0x3FFB];
	_ =	sdelay $0x3  }
0x92: {  	_ =	strace s18  }
0x93: {  	s3 =	sld [smem:$0x3FFC];
	_ =	sdelay $0x3  }
0x94: {  	_ =	strace s3  }
0x95: {  	s3 =	sld [smem:$0x3FFD];
	_ =	sdelay $0x3  }
0x96: {  	_ =	strace s3  }
0x97: {  	_ =	strace $0x8FFFFFFF  }
0x98: {  	s19 =	sld [smem:$0x3FDB];
	_ =	sdelay $0x1  }
0x99: {  	s4 =	simm.s32 $_scs_section_size  }
0x9a: {  	s5 =	simm.s32 $_size__tile_overlayer_lowered;
	s6 =	simm.s32 $_tile_overlayer_lowered  }
0x9b: {  	s22 =	simm.s32 $0x1BFF;
	s21 =	sshll.u32 s6, $0x1;
	s3 =	sadd.s32 s4, s19  }
0x9c: {  	s7 =	simm.s32 $0x0;
	s20 =	sshll.u32 s5, $0x1;
	s5 =	sadd.s32 s21, s3  }
0x9d: {  	[timem:s7], [sflag:s22] =	dma.local [hbm:s5], s20  }
0x9e: {  	_ =	swait.ge [sflag:s22], s20  }
0x9f: {  	s4 =	ssub.s32 $0x0, s20;
	[sflag:s22] =	ssyncset.done $0x0  }
0xa0: {  	[sflag:s22] =	ssyncadd.s32 s4;
	_ =	sdelay $0x1  }
0xa1: {  	s23 =	simm.s32 $0x1B8B  }
0xa2: {  	_ =	swait.ge [sflag:s23], $0x1  }
0xa3: {  	[sflag:s23] =	ssyncset.done $0x0  }
0xa4: {  	s25 =	simm.s32 $0x1B8E;
	s24 =	sld [smem:$0x3FFE];
	[sflag:s23] =	ssyncadd.s32 $0xFFFFFFFF  }
0xa5: {  	s26 =	simm.s32 $execute0_lowered;
	[smem:$0x3FD2] =	sst s25  }
0xa6: {  	s5 =	sshll.u32 s26, $0x1;
	_ =	strace $0x80000046;
	[dreg:$0x1] =	wrdreg $0xFFFFFFFF  }
0xa7: {  	s28 =	simm.s32 $_size_execute0_lowered;
	s3 =	sadd.s32 s3, s5;
	[dreg:$0x0] =	wrdreg $0x0  }
0xa8: {  	s5 =	sshll.u32 s28, $0x1;
	[dreg:$0x2] =	wrdreg s3  }
0xa9: {  	[dreg:$0x3] =	wrdreg s5  }
0xaa: {  	[dreg:$0x4] =	wrdreg $0xC0  }
0xab: {  	_ =	task [dreg:s7], $0x5FFFF  }
0xac: {  	[dreg:$0x1] =	wrdreg $0xFFFFFFFF  }
0xad: {  	[dreg:$0x0] =	wrdreg $0x60  }
0xae: {  	[dreg:$0x2] =	wrdreg s24  }
0xaf: {  	[dreg:$0x3] =	wrdreg s2  }
0xb0: {  	[dreg:$0x4] =	wrdreg $0x9  }
0xb1: {  	_ =	task.clear_ibuf [dreg:s7], $0x5FFFF;
	_ =	strace $0x90000046  }
0xb2: {  	s29 =	simm.s32 $0x9;
	_ =	strace $0x80000048  }
0xb3: {  	_ =	swait.ge [sflag:s29], $0x1  }
0xb4: {  	[sflag:s29] =	ssyncadd.s32 $0xFFFFFFFF  }
0xb5: {  	_ =	strace $0x90000048  }
0xb6: {  	_ =	sfence  }
0xb7: {  	s30 =	sld [smem:$0x0];
	_ =	sdelay $0x2  }
0xb8: {  	s31 =	sshll.u32 s1, $0xD;
	s1 =	sshrl.u32 s1, $0x2  }
0xb9: {  	s3 =	sand.u32 $0x4000, s31;
	s1 =	sadd.s32 s1, s30  }
0xba: {  	s0 =	sor.u32 s3, s0;
	s1 =	sshll.u32 s1, $0x11  }
0xbb: {  	s0 =	sor.u32 s1, s0  }
0xbc: {  	s0 =	sadd.s32 $0x8F2B, s0  }
0xbd: {  	[sflag:s0] =	ssyncadd.remote.s32 $0x1  }
0xbe: {  	_ =	sfence.sel $0xFFFF  }
0xbf: {  	[dreg:$0x0] =	wrdreg $0xFFFFFFFF;
	(pc) =	sbr.abs _section_cstart, $3  }
0xc0: {  	[dreg:$0x1] =	wrdreg $0xFFFFFFFF  }
0xc1: {  	_ =	task.clear_ibuf [dreg:s7], $0x2FFFF;
	_ =	strace $0x9FFFFFFF  }
0xc2: {  	(tm) =	ssettm $0x7FFFFFFF  }
0xc3: {  	_ =	shalt  }
tec
execute0_lowered:
.L_overlay_start_1:
0x0: {  	(tag) =	ssettag $0x1  }
0x1: {  	s0 =	rddreg [dreg:$0x0]  }
0x2: {  	s1 =	rddreg [dreg:$0x1];
	s2 =	simm.s32 $0x0;
	s3 =	srdreg.scid  }
0x3: {  	s8 =	stileid.u32;
	s14 =	simm.s32 $0xB00;
	s15 =	simm.s32 $0x1  }
0x4: {  	s16 =	simm.s32 $0xD00;
	s18 =	simm.s32 $0x900;
	s19 =	simm.s32 $0xA00  }
0x5: {  	s20 =	simm.s32 $0x80;
	s21 =	simm.s32 $0x400;
	s22 =	simm.s32 $0x300  }
0x6: {  	s23 =	simm.s32 $0x600;
	s24 =	simm.s32 $0x0;
	[smem:$0x7FF] =	sst s2  }
0x7: {  	s4 =	sadd.s32 $0x2600, s0;
	s5 =	sadd.s32 $0x1C00, s0;
	s6 =	sadd.s32 $0x1A00, s0  }
.Ltmp0:
0x8: {  	s7 =	sadd.s32 $0x1800, s0;
	s3 =	sand.u32 $0x1, s3;
	(pc) =	sbr.rel .LBB2_1-.Ltmp0, $4  }
0x9: {  	s9 =	sshll.u32 s8, $0x1;
	s8 =	sadd.s32 $0x1600, s0;
	s12 =	ssub.s32 $0x2, s3  }
0xa: {  	v0 =	vimm.s32 $0x19000;
	s10 =	sadd.s32 $0x3000, s0;
	s9 =	sor.u32 s3, s9;
	s30 =	sshrl.u32 s12, $0x1  }
0xb: {  	v1 =	vimm.f32 $0.0e+00;
	v2 =	vimm.s32 $0x100;
	v5 =	vlaneseq.u32;
	s11 =	sadd.s32 $0x5800, s0;
	s13 =	sshll.u32 s9, $0x7;
	s31 =	ssub.s32 s12, s30  }
0xc: {  	v3 =	vimm.s32 $0x0;
	v4 =	vimm.s32 $0x80;
	v5 =	vmul.u32 $0x200, v5;
	_ =	strace $0x80000047;
	s12 =	sand.u32 $0x380, s13;
	s13 =	smax.u32 s31, $0x1  }
.LBB2_15:
0xd: {  	s24 =	sadd.s32 $0x1, s24  }
0xe: {  	p0 =	sne.s32 s24, s13  }
.Ltmp1:
0xf: {  	_ = 	snop;
	(pc) =	sbr.rel @!p0 .LBB2_16-.Ltmp1, $1  }
0x10: {  	_ =	sdelay $0x3  }
.LBB2_1:
0x11: {  	[tilespmem:s14], [sflag:$0x1] =	stream.linear.gather [hbm4b:s6+s2], $0x200, $0x38;
	[tilespmem:$0x1100] =	vst v63  }
0x12: {  	_ =	swait.ge [sflag:s15], $0x200  }
0x13: {  	[sflag:s15] =	ssyncset.done $0x0  }
0x14: {  	[sflag:s15] =	ssyncadd.s32 $0xFFFFFE00  }
0x15: {  	[tilespmem:s16], [sflag:$0x1] =	stream.linear.gather [hbm4b:s7+s2], $0x200, $0x38;
	[tilespmem:$0x1100] =	vst v63  }
0x16: {  	_ =	swait.ge [sflag:s15], $0x200  }
0x17: {  	[sflag:s15] =	ssyncset.done $0x0  }
.Ltmp2:
0x18: {  	s0 =	simm.s32 $0xF00;
	[sflag:s15] =	ssyncadd.s32 $0xFFFFFE00;
	(pc) =	sbr.rel .LBB2_2-.Ltmp2, $4  }
0x19: {  	[tilespmem:s0], [sflag:$0x1] =	stream.linear.gather [hbm4b:s8+s2], $0x200, $0x38;
	[tilespmem:$0x1100] =	vst v63  }
0x1a: {  	_ =	swait.ge [sflag:s15], $0x200  }
0x1b: {  	[sflag:s15] =	ssyncset.done $0x0  }
0x1c: {  	s25 =	simm.s32 $0x0;
	[sflag:s15] =	ssyncadd.s32 $0xFFFFFE00  }
.LBB2_14:
0x1d: {  	s0 =	sshrl.u32 s26, $0x3  }
0x1e: {  	s0 =	smul.u32 $0x1400, s0;
	_ =	sdelay $0x1  }
0x1f: {  	s0 =	sor.u32 s12, s0  }
0x20: {  	s0 =	sshrl.u32 s0, $0x3  }
0x21: {  	s3 =	sadd.s32 s1, s0  }
0x22: {  	[hbm4b:s3+s20] =	stream.strided.scatter [tilespmem:s2], [sflag:$0x1], $0x280, s21, s20, $0x38;
	[tilespmem:$0x1100] =	vst v63  }
0x23: {  	_ =	swait.ge [sflag:s15], $0x280  }
0x24: {  	[sflag:s15] =	ssyncset.done $0x0  }
0x25: {  	s31 =	sadd.s32 s10, s0;
	[sflag:s15] =	ssyncadd.s32 $0xFFFFFD80  }
0x26: {  	[hbm4b:s31+s20] =	stream.strided.scatter [tilespmem:s22], [sflag:$0x1], $0x280, s21, s20, $0x38;
	[tilespmem:$0x1100] =	vst v63  }
0x27: {  	s25 =	sadd.s32 $0x1, s25;
	_ =	swait.ge [sflag:s15], $0x280  }
0x28: {  	p0 =	sne.s32 s25, $0x4;
	[sflag:s15] =	ssyncset.done $0x0  }
.Ltmp3:
0x29: {  	s0 =	sadd.s32 s11, s0;
	[sflag:s15] =	ssyncadd.s32 $0xFFFFFD80;
	(pc) =	sbr.rel @!p0 .LBB2_15-.Ltmp3, $4  }
0x2a: {  	[hbm4b:s0+s20] =	stream.strided.scatter [tilespmem:s23], [sflag:$0x1], $0x280, s21, s20, $0x38;
	[tilespmem:$0x1100] =	vst v63  }
0x2b: {  	_ =	swait.ge [sflag:s15], $0x280  }
0x2c: {  	[sflag:s15] =	ssyncset.done $0x0  }
0x2d: {  	[sflag:s15] =	ssyncadd.s32 $0xFFFFFD80  }
.LBB2_2:
0x2e: {  	s0 =	sshll.u32 s25, $0x5  }
0x2f: {  	s26 =	sor.u32 s9, s0  }
0x30: {  	s0 =	smin.u32 s26, $0x63  }
0x31: {  	s0 =	smul.u32 $0x19, s0;
	_ =	sdelay $0x1  }
0x32: {  	s28 =	simm.s32 $0x0;
	s3 =	sadd.s32 s4, s0  }
0x33: {  	[tilespmem:s18], [sflag:$0x1] =	stream.linear.gather [hbm4b:s3+s28], $0xD0, $0x38;
	[tilespmem:$0x1100] =	vst v63  }
0x34: {  	_ =	swait.ge [sflag:s15], $0xD0  }
0x35: {  	[sflag:s15] =	ssyncset.done $0x0  }
0x36: {  	s0 =	sadd.s32 s5, s0;
	[sflag:s15] =	ssyncadd.s32 $0xFFFFFF30  }
0x37: {  	[tilespmem:s19], [sflag:$0x1] =	stream.linear.gather [hbm4b:s0+s28], $0xD0, $0x38;
	[tilespmem:$0x1100] =	vst v63  }
0x38: {  	_ =	swait.ge [sflag:s15], $0xD0  }
0x39: {  	[sflag:s15] =	ssyncset.done $0x0  }
0x3a: {  	s3 =	simm.s32 $0x0;
	s0 =	simm.s32 $0x40;
	[sflag:s15] =	ssyncadd.s32 $0xFFFFFF30  }
.LBB2_3:
0x3b: {  	p0 =	sne.s32 s0, $0xBC0;
	[tilespmem:s3+$0x600] =	vst v1;
	s29 =	smov.u32 s0;
	s0 =	sadd.s32 $0x40, s0  }
.Ltmp4:
0x3c: {  	[tilespmem:s3+$0x0] =	vst v0;
	(pc) =	sbr.rel @p0 .LBB2_3-.Ltmp4, $2  }
0x3d: {  	[tilespmem:s3+$0x300] =	vst v1;
	_ =	sdelay $0x2  }
0x3e: {  	s3 =	sshra.s32 s29, $0x2  }
.Ltmp5:
0x3f: {  	(pc) =	sbr.rel .LBB2_5-.Ltmp5, $4  }
0x40: {  	_ = 	snop  }
0x41: {  	[tilespmem:s3+$0x600] =	vst v1  }
0x42: {  	[tilespmem:s3+$0x0] =	vst v0  }
0x43: {  	[tilespmem:s3+$0x300] =	vst v1;
	s29 =	simm.s32 $0x0  }
.LBB2_7:
0x44: {  	_ = 	snop  }
.LBB2_12:
0x45: {  	_ = 	snop  }
0x46: {  	p0 =	por p2, !p0  }
0x47: {  	[tilespmem:s0+$0x300] =	vst.msk @!p0 vm0, v13  }
0x48: {  	[tilespmem:s0+$0x600] =	vst.msk @!p0 vm0, v14  }
0x49: {  	v10 =	vld.idx.msk [tilespmem:v11+s14+$0x0], $0xffff  }
0x4a: {  	v13 =	vld.idx.msk [tilespmem:v11+s16+$0x0], $0xffff;
	_ =	sdelay $0x4  }
0x4b: {  	v6 =	vsub.f32 v10, v6;
	v9 =	vsub.f32 v13, v9;
	_ =	sdelay $0x1  }
0x4c: {  	v10 =	vmul.f32 v6, v6;
	v13 =	vmul.f32 v9, v9;
	_ =	sdelay $0x1  }
0x4d: {  	v10 =	vadd.f32 v13, v10;
	_ =	sdelay $0x1  }
0x4e: {  	vm15 =	vlt.s32 v12, v7;
	vm1 =	vle.f32 v10, $4.900000000e+01  }
0x4f: {  	vm0 =	vmand vm15, vm1  }
0x50: {  	v7 =	vmpcnt.ones.xlane vm0;
	_ =	sdelay $0x1  }
0x51: {  	(v2sf) =	vpush v7, $0x0;
	_ =	sdelay $0xe  }
0x52: {  	s31 =	spop (v2sf)  }
0x53: {  	p0 =	slt.s32 s31, $0x1  }
0x54: {  	s3 =	simm.s32 @!p0 $0xF00  }
0x55: {  	v7 =	vld.idx.msk @!p0 [tilespmem:v11+s3+$0x0], $0xffff;
	_ =	sdelay $0x4  }
0x56: {  	v6 =	vsub.f32 @!p0 $0.0e+00, v6;
	v7 =	vadd.s32 @!p0 v7, v8  }
0x57: {  	v8 =	vsub.f32 @!p0 $0.0e+00, v9;
	[tilespmem:s28+$0x0] =	vst.msk @!p0 vm0, v7  }
0x58: {  	s0 =	sadd.s32 s28, s31;
	[tilespmem:s28+$0x300] =	vst.msk @!p0 vm0, v6  }
0x59: {  	[tilespmem:s28+$0x600] =	vst.msk @!p0 vm0, v8;
	s28 =	smov.u32 s0  }
.LBB2_13:
0x5a: {  	s29 =	sadd.s32 $0x1, s29  }
0x5b: {  	p0 =	sne.s32 s29, $0xD  }
.Ltmp6:
0x5c: {  	_ = 	snop;
	(pc) =	sbr.rel @!p0 .LBB2_14-.Ltmp6, $1  }
0x5d: {  	_ =	sdelay $0x3  }
.LBB2_5:
0x5e: {  	_ = 	snop  }
0x5f: {  	s30 =	sshll.u32 s29, $0x4  }
0x60: {  	v6 =	vld [tilespmem:s30+$0x900];
	_ =	sdelay $0x1  }
0x61: {  	v7 =	vld.idx.msk [tilespmem:v2+s14+$0x0], $0xffff;
	_ =	sdelay $0x2  }
0x62: {  	v8 =	vadd.f32 $-7.000000000e+00, v6  }
0x63: {  	v9 =	vadd.f32 $7.000000000e+00, v6  }
0x64: {  	vm0 =	vlt.f32 v7, v8  }
0x65: {  	vm1 =	vle.f32 v7, v9;
	v10 =	vsel vm0, $0x180, v4  }
0x66: {  	v7 =	vsel vm1, $0x180, v4;
	_ =	sdelay $0x3  }
0x67: {  	v11 =	vld.idx.msk [tilespmem:v10+s14+$0x0], $0xffff  }
0x68: {  	v12 =	vld.idx.msk [tilespmem:v7+s14+$0x0], $0xffff;
	_ =	sdelay $0x2  }
0x69: {  	v13 =	vsel vm0, $0x101, v3;
	v14 =	vsel vm0, $0x200, v2;
	v15 =	vsel vm1, $0x101, v3  }
0x6a: {  	v16 =	vsel vm1, $0x200, v2;
	v29 =	vor.u32 $0x1, v7;
	vm12 =	vlt.f32 v11, v8  }
0x6b: {  	v11 =	vor.u32 $0x1, v10;
	vm13 =	vle.f32 v12, v9;
	v10 =	vsel vm12, v14, v10  }
0x6c: {  	v11 =	vsel vm12, v11, v13;
	v7 =	vsel vm13, v16, v7;
	v30 =	vadd.s32 $0xFFFFFFFF, v10  }
0x6d: {  	v12 =	vsel vm13, v29, v15;
	v32 =	vadd.s32 $0xFFFFFFFF, v7;
	v31 =	vxor.u32 v30, v11  }
0x6e: {  	v13 =	vor.u32 v30, v11;
	v33 =	vxor.u32 v32, v12;
	v14 =	vshrl.u32 v31, $0x1  }
0x6f: {  	v15 =	vor.u32 v32, v12;
	v13 =	vsub.s32 v13, v14;
	v14 =	vshrl.u32 v33, $0x1  }
0x70: {  	v14 =	vsub.s32 v15, v14;
	_ =	sdelay $0x3  }
0x71: {  	v34 =	vld.idx.msk [tilespmem:v13+s14+$0x0], $0xffff  }
0x72: {  	v35 =	vld.idx.msk [tilespmem:v14+s14+$0x0], $0xffff;
	_ =	sdelay $0x3  }
0x73: {  	v36 =	vor.u32 $0x1, v13;
	v37 =	vor.u32 $0x1, v14;
	vm14 =	vlt.f32 v34, v8  }
0x74: {  	v11 =	vsel vm14, v36, v11;
	v10 =	vsel vm14, v10, v13;
	vm15 =	vle.f32 v35, v9  }
0x75: {  	v12 =	vsel vm15, v37, v12;
	v38 =	vxor.u32 v10, v11;
	v7 =	vsel vm15, v7, v14  }
0x76: {  	v39 =	vand.u32 v10, v11;
	v13 =	vshrl.u32 v38, $0x1;
	v40 =	vxor.u32 v7, v12  }
0x77: {  	v41 =	vand.u32 v7, v12;
	v13 =	vadd.s32 v13, v39;
	v14 =	vshrl.u32 v40, $0x1  }
0x78: {  	v14 =	vadd.s32 v14, v41;
	_ =	sdelay $0x3  }
0x79: {  	v42 =	vld.idx.msk [tilespmem:v13+s14+$0x0], $0xffff  }
0x7a: {  	v43 =	vld.idx.msk [tilespmem:v14+s14+$0x0], $0xffff;
	_ =	sdelay $0x3  }
0x7b: {  	v44 =	vadd.s32 $0x1, v13;
	v45 =	vadd.s32 $0x1, v14;
	vm4 =	vlt.f32 v42, v8  }
0x7c: {  	v11 =	vsel vm4, v44, v11;
	v10 =	vsel vm4, v10, v13;
	vm5 =	vle.f32 v43, v9  }
0x7d: {  	v15 =	vadd.s32 v10, v11;
	v12 =	vsel vm5, v45, v12;
	v7 =	vsel vm5, v7, v14  }
0x7e: {  	v46 =	vshrl.u32 v15, $0x1;
	v14 =	vadd.s32 v7, v12  }
0x7f: {  	v14 =	vshrl.u32 v14, $0x1;
	_ =	sdelay $0x3  }
0x80: {  	v15 =	vld.idx.msk [tilespmem:v46+s14+$0x0], $0xffff  }
0x81: {  	v47 =	vld.idx.msk [tilespmem:v14+s14+$0x0], $0xffff;
	_ =	sdelay $0x3  }
0x82: {  	v48 =	vadd.s32 $0x1, v46;
	v49 =	vadd.s32 $0x1, v14;
	vm6 =	vlt.f32 v15, v8  }
0x83: {  	v11 =	vsel vm6, v48, v11;
	v10 =	vsel vm6, v10, v46;
	vm7 =	vle.f32 v47, v9  }
0x84: {  	v15 =	vadd.s32 v10, v11;
	v12 =	vsel vm7, v49, v12;
	v7 =	vsel vm7, v7, v14  }
0x85: {  	v50 =	vshrl.u32 v15, $0x1;
	v14 =	vadd.s32 v7, v12  }
0x86: {  	v14 =	vshrl.u32 v14, $0x1;
	_ =	sdelay $0x3  }
0x87: {  	v15 =	vld.idx.msk [tilespmem:v50+s14+$0x0], $0xffff  }
0x88: {  	v51 =	vld.idx.msk [tilespmem:v14+s14+$0x0], $0xffff;
	_ =	sdelay $0x3  }
0x89: {  	v52 =	vadd.s32 $0x1, v50;
	v53 =	vadd.s32 $0x1, v14;
	vm8 =	vlt.f32 v15, v8  }
0x8a: {  	v11 =	vsel vm8, v52, v11;
	v10 =	vsel vm8, v10, v50;
	vm9 =	vle.f32 v51, v9  }
0x8b: {  	v15 =	vadd.s32 v10, v11;
	v12 =	vsel vm9, v53, v12;
	v7 =	vsel vm9, v7, v14  }
0x8c: {  	v54 =	vshrl.u32 v15, $0x1;
	v14 =	vadd.s32 v7, v12  }
0x8d: {  	v14 =	vshrl.u32 v14, $0x1;
	_ =	sdelay $0x3  }
0x8e: {  	v15 =	vld.idx.msk [tilespmem:v54+s14+$0x0], $0xffff  }
0x8f: {  	v55 =	vld.idx.msk [tilespmem:v14+s14+$0x0], $0xffff;
	_ =	sdelay $0x3  }
0x90: {  	v56 =	vadd.s32 $0x1, v54;
	v57 =	vadd.s32 $0x1, v14;
	vm10 =	vlt.f32 v15, v8  }
0x91: {  	v11 =	vsel vm10, v56, v11;
	v10 =	vsel vm10, v10, v54;
	vm11 =	vle.f32 v55, v9  }
0x92: {  	v15 =	vadd.s32 v10, v11;
	v12 =	vsel vm11, v57, v12;
	v7 =	vsel vm11, v7, v14  }
0x93: {  	v58 =	vshrl.u32 v15, $0x1;
	v14 =	vadd.s32 v7, v12  }
0x94: {  	v14 =	vshrl.u32 v14, $0x1;
	_ =	sdelay $0x3  }
0x95: {  	v15 =	vld.idx.msk [tilespmem:v58+s14+$0x0], $0xffff  }
0x96: {  	v59 =	vld.idx.msk [tilespmem:v14+s14+$0x0], $0xffff;
	_ =	sdelay $0x3  }
0x97: {  	v60 =	vadd.s32 $0x1, v58;
	v61 =	vadd.s32 $0x1, v14;
	vm12 =	vlt.f32 v15, v8  }
0x98: {  	v11 =	vsel vm12, v60, v11;
	v10 =	vsel vm12, v10, v58;
	vm13 =	vle.f32 v59, v9  }
0x99: {  	v12 =	vsel vm13, v61, v12;
	v7 =	vsel vm13, v7, v14;
	v10 =	vadd.s32 v10, v11  }
0x9a: {  	v10 =	vshrl.u32 v10, $0x1;
	v7 =	vadd.s32 v7, v12  }
0x9b: {  	v7 =	vshrl.u32 v7, $0x1;
	_ =	sdelay $0x3  }
0x9c: {  	v62 =	vld.idx.msk [tilespmem:v10+s14+$0x0], $0xffff  }
0x9d: {  	v63 =	vld.idx.msk [tilespmem:v7+s14+$0x0], $0xffff;
	_ =	sdelay $0x3  }
0x9e: {  	v7 =	vadd.s32 $0x1, v7  }
0x9f: {  	vm14 =	vlt.f32 v62, v8;
	v8 =	vadd.s32 $0x1, v10;
	vm15 =	vle.f32 v63, v9  }
0xa0: {  	v10 =	vsel vm14, v8, v11;
	v7 =	vsel vm15, v7, v12  }
0xa1: {  	v8 =	vsub.s32 v7, v10  }
0xa2: {  	v8 =	vxor.u32 $0x80000000, v8  }
0xa3: {  	(xrf0) =	vmax.scan.msk.u32 $0xffff, v8;
	_ =	sdelay $0x5  }
0xa4: {  	v8, _, _ =	vpop (xrf0)  }
0xa5: {  	(v2sf) =	vpush v8, $0xF;
	_ =	sdelay $0xe  }
0xa6: {  	s0 =	spop (v2sf)  }
0xa7: {  	s31 =	sxor.u32 $0x80000000, s0  }
0xa8: {  	p0 =	slt.s32 s31, $0x1  }
.Ltmp7:
0xa9: {  	_ = 	snop;
	(pc) =	sbr.rel @p0 .LBB2_13-.Ltmp7, $2  }
0xaa: {  	_ =	sdelay $0x2  }
0xab: {  	v9 =	vld [tilespmem:s30+$0xA00]  }
0xac: {  	p1 =	sne.s32 s31, $0x1  }
.Ltmp8:
0xad: {  	_ = 	snop;
	(pc) =	sbr.rel @!p1 .LBB2_7-.Ltmp8, $4  }
0xae: {  	s0 =	simm.s32 $0x0  }
0xaf: {  	v12 =	vadd.s32 s0, v10  }
0xb0: {  	s30 =	sshll.u32 s29, $0xD;
	vm0 =	vlt.s32 v12, $0x1FF  }
0xb1: {  	p0 =	por $0x0, $0x0;
	v8 =	vor.u32 s30, v5;
	s0 =	simm.s32 $0x1;
	v11 =	vnsel vm0, $0x1FF, v12  }
0xb2: {  	_ =	sdelay $0x3  }
0xb3: {  	v13 =	vld.idx.msk [tilespmem:v11+s14+$0x0], $0xffff  }
0xb4: {  	v14 =	vld.idx.msk [tilespmem:v11+s16+$0x0], $0xffff;
	_ =	sdelay $0x4  }
0xb5: {  	v13 =	vsub.f32 v13, v6;
	v14 =	vsub.f32 v14, v9;
	_ =	sdelay $0x1  }
0xb6: {  	v15 =	vmul.f32 v13, v13;
	v16 =	vmul.f32 v14, v14;
	_ =	sdelay $0x1  }
0xb7: {  	v15 =	vadd.f32 v16, v15;
	_ =	sdelay $0x1  }
0xb8: {  	vm0 =	vlt.s32 v12, v7;
	vm1 =	vle.f32 v15, $4.900000000e+01  }
0xb9: {  	vm0 =	vmand vm0, vm1  }
0xba: {  	v12 =	vmpcnt.ones.xlane vm0;
	_ =	sdelay $0x1  }
0xbb: {  	(v2sf) =	vpush v12, $0x0;
	_ =	sdelay $0xe  }
0xbc: {  	s3 =	spop (v2sf)  }
0xbd: {  	p2 =	slt.s32 s3, $0x1  }
0xbe: {  	s30 =	simm.s32 @!p2 $0xF00  }
0xbf: {  	v11 =	vld.idx.msk @!p2 [tilespmem:v11+s30+$0x0], $0xffff;
	_ =	sdelay $0x1  }
0xc0: {  	p1 =	sne.s32 s31, $0x2  }
.Ltmp9:
0xc1: {  	v12 =	vadd.s32 s0, v10;
	(pc) =	sbr.rel @!p1 .LBB2_9-.Ltmp9, $4  }
0xc2: {  	vm1 =	vlt.s32 v12, $0x1FF  }
0xc3: {  	v15 =	vadd.s32 @!p2 v11, v8;
	v11 =	vnsel vm1, $0x1FF, v12  }
0xc4: {  	v13 =	vsub.f32 @!p2 $0.0e+00, v13  }
0xc5: {  	p0 =	por $0x1, $0x1;
	s0 =	simm.s32 $0x2;
	v14 =	vsub.f32 @!p2 $0.0e+00, v14;
	s30 =	sadd.s32 s28, s3;
	[tilespmem:s28+$0x0] =	vst.msk @!p2 vm0, v15  }
.LBB2_10:
0xc6: {  	[tilespmem:s28+$0x300] =	vst.msk @!p2 vm0, v13;
	s3 =	smov.u32 s0;
	s0 =	sadd.s32 $0x1, s0  }
0xc7: {  	p1 =	sne.s32 s31, s0;
	[tilespmem:s28+$0x600] =	vst.msk @!p2 vm0, v14;
	s28 =	smov.u32 s30  }
0xc8: {  	v13 =	vld.idx.msk [tilespmem:v11+s14+$0x0], $0xffff  }
0xc9: {  	v14 =	vld.idx.msk [tilespmem:v11+s16+$0x0], $0xffff;
	_ =	sdelay $0x4  }
0xca: {  	v13 =	vsub.f32 v13, v6  }
0xcb: {  	v14 =	vsub.f32 v14, v9  }
0xcc: {  	v15 =	vmul.f32 v13, v13  }
0xcd: {  	v16 =	vmul.f32 v14, v14;
	_ =	sdelay $0x1  }
0xce: {  	v15 =	vadd.f32 v16, v15  }
0xcf: {  	vm0 =	vlt.s32 v12, v7  }
0xd0: {  	vm1 =	vle.f32 v15, $4.900000000e+01  }
0xd1: {  	vm0 =	vmand vm0, vm1  }
0xd2: {  	v12 =	vmpcnt.ones.xlane vm0;
	_ =	sdelay $0x1  }
0xd3: {  	(v2sf) =	vpush v12, $0x0;
	_ =	sdelay $0xe  }
0xd4: {  	s17 =	spop (v2sf)  }
0xd5: {  	p2 =	slt.s32 s17, $0x1;
	s30 =	sadd.s32 s30, s17  }
0xd6: {  	s17 =	simm.s32 @!p2 $0xF00;
	v13 =	vsub.f32 @!p2 $0.0e+00, v13;
	v14 =	vsub.f32 @!p2 $0.0e+00, v14  }
0xd7: {  	v15 =	vld.idx.msk @!p2 [tilespmem:v11+s17+$0x0], $0xffff;
	_ =	sdelay $0x2  }
.Ltmp10:
0xd8: {  	v12 =	vadd.s32 s3, v10;
	(pc) =	sbr.rel @p1 .LBB2_10-.Ltmp10, $4  }
0xd9: {  	vm1 =	vlt.s32 v12, $0x1FF  }
0xda: {  	v11 =	vnsel vm1, $0x1FF, v12  }
0xdb: {  	v15 =	vadd.s32 @!p2 v15, v8  }
0xdc: {  	[tilespmem:s28+$0x0] =	vst.msk @!p2 vm0, v15  }
.Ltmp11:
0xdd: {  	(pc) =	sbr.rel .LBB2_12-.Ltmp11, $2  }
0xde: {  	_ =	sdelay $0x2  }
0xdf: {  	s0 =	smov.u32 s28;
	s28 =	smov.u32 s30  }
.LBB2_9:
.Ltmp12:
0xe0: {  	(pc) =	sbr.rel .LBB2_12-.Ltmp12, $2  }
0xe1: {  	_ =	sdelay $0x2  }
0xe2: {  	s0 =	smov.u32 s28;
	s28 =	smov.u32 s30  }
.LBB2_16:
0xe3: {  	_ =	sfence.sel $0x180000  }
0xe4: {  	[bflag:$0x0] =	sbarrier.arrive $0xFFFF  }
0xe5: {  	_ =	strace $0x90000047  }
0xe6: {  	s0 =	stileid.u32;
	[bflag:$0x2] =	sbarrier.arrive $0xFFFF  }
0xe7: {  	p0 =	sne.s32 s0, $0x0;
	s0 =	rddreg [dreg:$0x2]  }
0xe8: {  	s0 =	sadd.s32 @!p0 $0x100000, s0  }
0xe9: {  	[sflag:s0] =	ssyncadd.tile.s32 @!p0 $0x1;
	_ =	shalt  }
.Lfunc_end2:
_tile_overlayer_lowered:
.L_overlay_start_2:
0xea: {  	(tag) =	ssettag $0x2  }
0xeb: {  	s0 =	rddreg [dreg:$0x0];
	s2 =	stileid.u32  }
0xec: {  	s1 =	rddreg [dreg:$0x1];
	p0 =	sne.s32 s2, $0x0  }
0xed: {  	s3 =	rddreg [dreg:$0x2];
	[bflag:$0x3] =	sbarrier.arrive $0xFFFF;
	s2 =	simm.s32 @!p0 $0x1C01  }
0xee: {  	[timem:s3], [sflag:s2] =	dma.local @!p0 [hbm:s0], s1  }
0xef: {  	s0 =	simm.s32 @!p0 $0x1  }
0xf0: {  	_ =	swait.ge @!p0 [sflag:s0], s1  }
0xf1: {  	s1 =	ssub.s32 @!p0 $0x0, s1;
	[sflag:s0] =	ssyncset.done @!p0 $0x0  }
0xf2: {  	[sflag:s0] =	ssyncadd.s32 @!p0 s1  }
0xf3: {  	[bflag:$0x3] =	sbarrier.arrive $0xFFFF  }
0xf4: {  	_ =	shalt  }

</sc_bundles>
